<compile_context>
chip_gen: v7x
topology: tpu7x:2x2x1
jax: 0.10.2.dev20260603
libtpu: 0.0.44.dev20260713+nightly
codegen_flags: <defaults>
</compile_context>

<pallas_src>
import jax
import jax.numpy as jnp
from jax import lax
from jax.experimental import pallas as pl
from jax.experimental.pallas import tpu as pltpu
from jax.experimental.pallas import tpu_sc as plsc

N_NODES = 10000
N_EDGES = 320000
IN_DIM = 128
HEADS = 8
OUT_DIM = 16
HALF = 64
NC, NS = 2, 16
CHUNK = 80
EDGES_PER_TILE = N_EDGES // NS
CHUNKS_PER_TILE = EDGES_PER_TILE // CHUNK
STRIP = 640
WBB = 80
ACC_W = 128
EBLK = 512


def _qkv_body(h_ref, hin_ref, wq_ref, wk_ref, wv_ref, q_ref, kv_ref):
    h = h_ref[...]
    hin = hin_ref[...]
    dn = (((1,), (1,)), ((), ()))
    q_ref[...] = lax.dot_general(h, wq_ref[...], dn, preferred_element_type=jnp.float32)
    kh = lax.dot_general(h, wk_ref[0], dn, preferred_element_type=jnp.float32)
    vh = lax.dot_general(hin, wv_ref[0], dn, preferred_element_type=jnp.float32)
    kv_ref[...] = jnp.concatenate([kh, vh], axis=1)[None]


def _e_body(e_ref, we_ref, out_ref):
    dn = (((1,), (1,)), ((), ()))
    out_ref[...] = lax.dot_general(e_ref[...], we_ref[...], dn,
                                   preferred_element_type=jnp.float32)


_GATHER_DN = lax.GatherDimensionNumbers(
    offset_dims=(), collapsed_slice_dims=(0,), start_index_map=(0,))


def _perm16(x, idx):
    return lax.gather(x, idx.reshape(16, 1), _GATHER_DN, (1,),
                      mode=lax.GatherScatterMode.PROMISE_IN_BOUNDS)


def _lane_sum_splat(x, lane):
    for shift in (8, 4, 2, 1):
        x = x + _perm16(x, lax.bitwise_xor(lane, shift))
    return x


def _sc_body(q_hbm, kv_hbm, eout_hbm, src_hbm, dst_hbm,
             hout_hbm,
             sidx, didx, kvrows, qrows, erows, msg,
             acc, sem):
    c = lax.axis_index("c")
    s = lax.axis_index("s")
    lane = lax.iota(jnp.int32, 16)
    strip0 = s * STRIP
    nblk = jnp.where(s < NS - 1, STRIP // WBB, (N_NODES - (NS - 1) * STRIP) // WBB)

    def zero_row(r, carry):
        for b in range(ACC_W // 16):
            msg[r, pl.ds(b * 16, 16)] = jnp.zeros((16,), jnp.float32)
        return carry
    lax.fori_loop(0, WBB, zero_row, 0)

    def zero_blk(b, carry):
        pltpu.sync_copy(msg, acc.at[pl.ds(strip0 + b * WBB, WBB)])
        return carry
    lax.fori_loop(0, nblk, zero_blk, 0)
    plsc.subcore_barrier()

    node_off = c * N_NODES
    coff = c * HALF

    def chunk_body(j, carry):
        row = s * CHUNKS_PER_TILE + j
        cp_s = pltpu.async_copy(src_hbm.at[row, 0], sidx, sem)
        cp_d = pltpu.async_copy(dst_hbm.at[row, 0], didx, sem)
        cp_s.wait()
        cp_d.wait()
        for b in range(CHUNK // 16):
            dsb = pl.ds(b * 16, 16)
            sidx[dsb] = sidx[dsb] + node_off
        cp_kv = pltpu.async_copy(kv_hbm.at[sidx], kvrows, sem)
        cp_q = pltpu.async_copy(q_hbm.at[didx], qrows, sem)
        pltpu.sync_copy(eout_hbm.at[pl.ds(row * CHUNK, CHUNK)], erows)
        cp_kv.wait()
        cp_q.wait()

        @plsc.parallel_loop(0, CHUNK, unroll=8)
        def edge_body(i):
            zv = jnp.zeros((16,), jnp.float32)
            for hh in range(4):
                dsh = pl.ds(hh * 16, 16)
                dsc = pl.ds(coff + hh * 16, 16)
                sc_vec = kvrows[i, dsh] * qrows[i, dsc] * erows[i, dsc]
                t = _lane_sum_splat(sc_vec, lane)
                t = jnp.minimum(jnp.maximum(t, -5.0), 5.0)
                sv = jnp.exp(t)
                msg[i, dsh] = kvrows[i, pl.ds(HALF + hh * 16, 16)] * sv
                zv = jnp.where(lane == hh, sv, zv)
            msg[i, pl.ds(HALF, 16)] = zv
        pltpu.sync_copy(msg, acc.at[didx], add=True)
        return carry
    lax.fori_loop(0, CHUNKS_PER_TILE, chunk_body, 0)
    plsc.subcore_barrier()

    def wb_blk(b, carry):
        r0 = strip0 + b * WBB
        pltpu.sync_copy(acc.at[pl.ds(r0, WBB)], msg)

        @plsc.parallel_loop(0, WBB, unroll=4)
        def wb_row(r):
            zrow = msg[r, pl.ds(HALF, 16)]
            for hh in range(4):
                dsh = pl.ds(hh * 16, 16)
                den = _perm16(zrow, jnp.full((16,), hh, jnp.int32)) + 1e-6
                msg[r, dsh] = msg[r, dsh] / den
        pltpu.sync_copy(msg, hout_hbm.at[c, pl.ds(r0, WBB)])
        return carry
    lax.fori_loop(0, nblk, wb_blk, 0)


def kernel(h, e, h_in, edge_index, Wq, Wk, Wv, We):
    src = edge_index[0].astype(jnp.int32).reshape(N_EDGES // CHUNK, 1, CHUNK)
    dst = edge_index[1].astype(jnp.int32).reshape(N_EDGES // CHUNK, 1, CHUNK)
    wk_r = Wk.reshape(NC, HALF, IN_DIM)
    wv_r = Wv.reshape(NC, HALF, IN_DIM)

    node_spec = pl.BlockSpec((N_NODES, IN_DIM), lambda c: (0, 0))
    w_spec = pl.BlockSpec((1, HALF, IN_DIM), lambda c: (c, 0, 0))
    q_full, kv_s = pl.pallas_call(
        _qkv_body,
        grid=(NC,),
        in_specs=[node_spec, node_spec,
                  pl.BlockSpec((IN_DIM, IN_DIM), lambda c: (0, 0)),
                  w_spec, w_spec],
        out_specs=[pl.BlockSpec((N_NODES, IN_DIM), lambda c: (0, 0)),
                   pl.BlockSpec((1, N_NODES, IN_DIM), lambda c: (c, 0, 0))],
        out_shape=[jax.ShapeDtypeStruct((N_NODES, IN_DIM), jnp.float32),
                   jax.ShapeDtypeStruct((NC, N_NODES, IN_DIM), jnp.float32)],
    )(h, h_in, Wq * 0.25, wk_r, wv_r)

    e_out = pl.pallas_call(
        _e_body,
        grid=(N_EDGES // EBLK,),
        in_specs=[pl.BlockSpec((EBLK, IN_DIM), lambda i: (i, 0)),
                  pl.BlockSpec((IN_DIM, IN_DIM), lambda i: (0, 0))],
        out_specs=pl.BlockSpec((EBLK, IN_DIM), lambda i: (i, 0)),
        out_shape=jax.ShapeDtypeStruct((N_EDGES, IN_DIM), jnp.float32),
    )(e, We)

    kv_f = kv_s.reshape(NC * N_NODES, IN_DIM)

    mesh = plsc.VectorSubcoreMesh(core_axis_name="c", subcore_axis_name="s",
                                  num_cores=NC, num_subcores=NS)
    hout2 = pl.kernel(
        _sc_body,
        out_type=jax.ShapeDtypeStruct((NC, N_NODES, ACC_W), jnp.float32),
        mesh=mesh,
        scratch_types=[
            pltpu.VMEM((CHUNK,), jnp.int32),
            pltpu.VMEM((CHUNK,), jnp.int32),
            pltpu.VMEM((CHUNK, IN_DIM), jnp.float32),
            pltpu.VMEM((CHUNK, IN_DIM), jnp.float32),
            pltpu.VMEM((CHUNK, IN_DIM), jnp.float32),
            pltpu.VMEM((CHUNK, ACC_W), jnp.float32),
            pltpu.VMEM_SHARED((N_NODES, ACC_W), jnp.float32),
            pltpu.SemaphoreType.DMA,
        ],
    )(q_full, kv_f, e_out, src, dst)

    h_out = jnp.concatenate([hout2[0, :, :HALF], hout2[1, :, :HALF]], axis=1)
    h_out = h_out.reshape(N_NODES, HEADS, OUT_DIM)
    return h_out, e_out

# --- scband reference (transcript-rebuilt; emitter-appended) ---
"""Pipeline reference for scband-multi-head-attention-74148315398272 (READ-ONLY COPY).

The authoritative reference and input builder live on the scoring server;
editing this copy changes nothing except your own understanding.
"""

import jax, jax.numpy as jnp
import numpy as np

N_NODES = 10000
N_EDGES = 320000
IN_DIM = 128
HEADS = 8
OUT_DIM = 16


def setup_inputs(seed: int = 0) -> dict:
    key = jax.random.key(seed)
    ks = jax.random.split(key, 9)
    scale = 1.0 / np.sqrt(IN_DIM)
    h = jax.random.normal(ks[0], (N_NODES, IN_DIM), dtype=jnp.float32)
    e = jax.random.normal(ks[1], (N_EDGES, IN_DIM), dtype=jnp.float32)
    h_in = jax.random.normal(ks[2], (N_NODES, IN_DIM), dtype=jnp.float32)
    edge_index = jax.random.randint(ks[3], (2, N_EDGES), 0, N_NODES, dtype=jnp.int64 if jax.config.jax_enable_x64 else jnp.int32)
    Wq = jax.random.normal(ks[4], (HEADS * OUT_DIM, IN_DIM), dtype=jnp.float32) * scale
    Wk = jax.random.normal(ks[5], (HEADS * OUT_DIM, IN_DIM), dtype=jnp.float32) * scale
    Wv = jax.random.normal(ks[6], (HEADS * OUT_DIM, IN_DIM), dtype=jnp.float32) * scale
    We = jax.random.normal(ks[7], (HEADS * OUT_DIM, IN_DIM), dtype=jnp.float32) * scale
    return {"h": h, "e": e, "h_in": h_in, "edge_index": edge_index, "Wq": Wq, "Wk": Wk, "Wv": Wv, "We": We}


def reference(h, e, h_in, edge_index, Wq, Wk, Wv, We):
    # Default path: not full_graph, no twohop/aug, agg_fnc='sum', alpha_val=None, bias=False
    N = h.shape[0]
    q = (h @ Wq.T).reshape(N, HEADS, OUT_DIM)       # Q_h
    k = (h @ Wk.T).reshape(N, HEADS, OUT_DIM)       # K_h
    v = (h_in @ Wv.T).reshape(N, HEADS, OUT_DIM)    # V_h
    E = (e @ We.T).reshape(-1, HEADS, OUT_DIM)      # edge E
    src = edge_index[0]
    dst = edge_index[1]
    # src_dot_dst('K_h','Q_h','score'): elementwise product on edges
    score = k[src] * q[dst]                          # [E, H, d]
    # scaling by sqrt(out_dim)
    score = score / jnp.sqrt(jnp.float32(OUT_DIM))
    # imp_exp_attn: multiply by edge features E
    score = score * E
    # exp('score'): sum over feature dim, clamp, exp -> score_soft [E, H, 1]
    score_soft = jnp.exp(jnp.clip(score.sum(axis=-1, keepdims=True), -5.0, 5.0))
    # send_and_recv: aV = sum_{edges into dst} V_h[src] * score_soft ; z = sum score_soft
    msg = v[src] * score_soft                        # [E, H, d]
    aV = jax.ops.segment_sum(msg, dst, num_segments=N)
    z = jax.ops.segment_sum(score_soft, dst, num_segments=N)
    h_out = aV / (z + jnp.full_like(z, 1e-6))        # [N, H, d]
    e_out = E.reshape(-1, HEADS * OUT_DIM)           # [E_edges, H*d]
    return (h_out, e_out)

if __name__ == "__main__":
    import jax
    _d = setup_inputs()
    print(jax.jit(kernel)(*tuple(_d.values())))

</pallas_src>

<mosaic_0001>
#map = affine_map<(d0, d1) -> (0, 0)>
#map1 = affine_map<(d0, d1) -> (0, 0, 0)>
module attributes {stable_mosaic.version = 14 : i64} {
  func.func @_sc_body(%arg0: i32, %arg1: i32, %arg2: memref<10000x128xf32, #tpu.memory_space<hbm>>, %arg3: memref<20000x128xf32, #tpu.memory_space<hbm>>, %arg4: memref<320000x128xf32, #tpu.memory_space<hbm>>, %arg5: memref<4000x1x80xi32, #tpu.memory_space<hbm>>, %arg6: memref<4000x1x80xi32, #tpu.memory_space<hbm>>, %arg7: memref<2x10000x128xf32, #tpu.memory_space<hbm>>, %arg8: memref<80xi32, #tpu.memory_space<vmem>>, %arg9: memref<80xi32, #tpu.memory_space<vmem>>, %arg10: memref<80x128xf32, #tpu.memory_space<vmem>>, %arg11: memref<80x128xf32, #tpu.memory_space<vmem>>, %arg12: memref<80x128xf32, #tpu.memory_space<vmem>>, %arg13: memref<80x128xf32, #tpu.memory_space<vmem>>, %arg14: memref<10000x128xf32, #tpu.memory_space<vmem_shared>>, %arg15: memref<!tpu.dma_semaphore, #tpu.memory_space<semaphore_mem>>) attributes {dimension_semantics = [#tpu.dimension_semantics<core_parallel>, #tpu.dimension_semantics<subcore_parallel>], iteration_bounds = array<i64: 2, 16>, scalar_prefetch = 0 : i64, scratch_operands = 8 : i64, tpu.core_type = #tpu.core_type<sc_vector_subcore>, window_params = [{transform_indices = #map}, {transform_indices = #map}, {transform_indices = #map}, {transform_indices = #map1}, {transform_indices = #map1}, {transform_indices = #map1}]} {
    %iota3A = tpu.iota {dimensions = array<i32: 0>} : vector<16xi32>
    %mul3A = arith.constant 640 : i32
    %mul3A_0 = arith.muli %arg1, %mul3A : i32
    %lt3A = arith.constant 15 : i32
    %lt3A_1 = arith.cmpi slt, %arg1, %lt3A : i32
    %jit3A = arith.constant 8 : i32
    %jit3A_2 = arith.constant 5 : i32
    %select_n3A = arith.select %lt3A_1, %jit3A, %jit3A_2 : i32
    %scan3A = arith.constant 0 : i32
    %scan3A_3 = arith.constant 0 : i32
    %scan3A_4 = arith.constant 80 : i32
    %scan3A_5 = arith.addi %scan3A_3, %scan3A_4 : i32
    %scan3A_6 = arith.constant 1 : i32
    scf.for %scan3A_38 = %scan3A_3 to %scan3A_5 step %scan3A_6  : i32 {
      %broadcast_in_dim3A = arith.constant 0.000000e+00 : f32
      %broadcast_in_dim3A_39 = vector.broadcast %broadcast_in_dim3A : f32 to vector<16xf32>
      %swap3A = arith.index_cast %scan3A_38 : i32 to index
      %swap3A_40 = arith.constant 0 : index
      %swap3A_41 = tpu.vector_load %arg13[%swap3A, %swap3A_40] {strides = array<i32>} : memref<80x128xf32, #tpu.memory_space<vmem>>, vector<1x16xf32>,
      %swap3A_42 = vector.shape_cast %swap3A_41 : vector<1x16xf32> to vector<16xf32>
      %swap3A_43 = vector.shape_cast %broadcast_in_dim3A_39 : vector<16xf32> to vector<1x16xf32>
      tpu.vector_store %arg13[%swap3A, %swap3A_40], %swap3A_43 {strides = array<i32>} : memref<80x128xf32, #tpu.memory_space<vmem>>, vector<1x16xf32>,
      %broadcast_in_dim3A_44 = arith.constant 0.000000e+00 : f32
      %broadcast_in_dim3A_45 = vector.broadcast %broadcast_in_dim3A_44 : f32 to vector<16xf32>
      %swap3A_46 = arith.index_cast %scan3A_38 : i32 to index
      %swap3A_47 = arith.constant 16 : index
      %swap3A_48 = tpu.vector_load %arg13[%swap3A_46, %swap3A_47] {strides = array<i32>} : memref<80x128xf32, #tpu.memory_space<vmem>>, vector<1x16xf32>,
      %swap3A_49 = vector.shape_cast %swap3A_48 : vector<1x16xf32> to vector<16xf32>
      %swap3A_50 = vector.shape_cast %broadcast_in_dim3A_45 : vector<16xf32> to vector<1x16xf32>
      tpu.vector_store %arg13[%swap3A_46, %swap3A_47], %swap3A_50 {strides = array<i32>} : memref<80x128xf32, #tpu.memory_space<vmem>>, vector<1x16xf32>,
      %broadcast_in_dim3A_51 = arith.constant 0.000000e+00 : f32
      %broadcast_in_dim3A_52 = vector.broadcast %broadcast_in_dim3A_51 : f32 to vector<16xf32>
      %swap3A_53 = arith.index_cast %scan3A_38 : i32 to index
      %swap3A_54 = arith.constant 32 : index
      %swap3A_55 = tpu.vector_load %arg13[%swap3A_53, %swap3A_54] {strides = array<i32>} : memref<80x128xf32, #tpu.memory_space<vmem>>, vector<1x16xf32>,
      %swap3A_56 = vector.shape_cast %swap3A_55 : vector<1x16xf32> to vector<16xf32>
      %swap3A_57 = vector.shape_cast %broadcast_in_dim3A_52 : vector<16xf32> to vector<1x16xf32>
      tpu.vector_store %arg13[%swap3A_53, %swap3A_54], %swap3A_57 {strides = array<i32>} : memref<80x128xf32, #tpu.memory_space<vmem>>, vector<1x16xf32>,
      %broadcast_in_dim3A_58 = arith.constant 0.000000e+00 : f32
      %broadcast_in_dim3A_59 = vector.broadcast %broadcast_in_dim3A_58 : f32 to vector<16xf32>
      %swap3A_60 = arith.index_cast %scan3A_38 : i32 to index
      %swap3A_61 = arith.constant 48 : index
      %swap3A_62 = tpu.vector_load %arg13[%swap3A_60, %swap3A_61] {strides = array<i32>} : memref<80x128xf32, #tpu.memory_space<vmem>>, vector<1x16xf32>,
      %swap3A_63 = vector.shape_cast %swap3A_62 : vector<1x16xf32> to vector<16xf32>
      %swap3A_64 = vector.shape_cast %broadcast_in_dim3A_59 : vector<16xf32> to vector<1x16xf32>
      tpu.vector_store %arg13[%swap3A_60, %swap3A_61], %swap3A_64 {strides = array<i32>} : memref<80x128xf32, #tpu.memory_space<vmem>>, vector<1x16xf32>,
      %broadcast_in_dim3A_65 = arith.constant 0.000000e+00 : f32
      %broadcast_in_dim3A_66 = vector.broadcast %broadcast_in_dim3A_65 : f32 to vector<16xf32>
      %swap3A_67 = arith.index_cast %scan3A_38 : i32 to index
      %swap3A_68 = arith.constant 64 : index
      %swap3A_69 = tpu.vector_load %arg13[%swap3A_67, %swap3A_68] {strides = array<i32>} : memref<80x128xf32, #tpu.memory_space<vmem>>, vector<1x16xf32>,
      %swap3A_70 = vector.shape_cast %swap3A_69 : vector<1x16xf32> to vector<16xf32>
      %swap3A_71 = vector.shape_cast %broadcast_in_dim3A_66 : vector<16xf32> to vector<1x16xf32>
      tpu.vector_store %arg13[%swap3A_67, %swap3A_68], %swap3A_71 {strides = array<i32>} : memref<80x128xf32, #tpu.memory_space<vmem>>, vector<1x16xf32>,
      %broadcast_in_dim3A_72 = arith.constant 0.000000e+00 : f32
      %broadcast_in_dim3A_73 = vector.broadcast %broadcast_in_dim3A_72 : f32 to vector<16xf32>
      %swap3A_74 = arith.index_cast %scan3A_38 : i32 to index
      %swap3A_75 = arith.constant 80 : index
      %swap3A_76 = tpu.vector_load %arg13[%swap3A_74, %swap3A_75] {strides = array<i32>} : memref<80x128xf32, #tpu.memory_space<vmem>>, vector<1x16xf32>,
      %swap3A_77 = vector.shape_cast %swap3A_76 : vector<1x16xf32> to vector<16xf32>
      %swap3A_78 = vector.shape_cast %broadcast_in_dim3A_73 : vector<16xf32> to vector<1x16xf32>
      tpu.vector_store %arg13[%swap3A_74, %swap3A_75], %swap3A_78 {strides = array<i32>} : memref<80x128xf32, #tpu.memory_space<vmem>>, vector<1x16xf32>,
      %broadcast_in_dim3A_79 = arith.constant 0.000000e+00 : f32
      %broadcast_in_dim3A_80 = vector.broadcast %broadcast_in_dim3A_79 : f32 to vector<16xf32>
      %swap3A_81 = arith.index_cast %scan3A_38 : i32 to index
      %swap3A_82 = arith.constant 96 : index
      %swap3A_83 = tpu.vector_load %arg13[%swap3A_81, %swap3A_82] {strides = array<i32>} : memref<80x128xf32, #tpu.memory_space<vmem>>, vector<1x16xf32>,
      %swap3A_84 = vector.shape_cast %swap3A_83 : vector<1x16xf32> to vector<16xf32>
      %swap3A_85 = vector.shape_cast %broadcast_in_dim3A_80 : vector<16xf32> to vector<1x16xf32>
      tpu.vector_store %arg13[%swap3A_81, %swap3A_82], %swap3A_85 {strides = array<i32>} : memref<80x128xf32, #tpu.memory_space<vmem>>, vector<1x16xf32>,
      %broadcast_in_dim3A_86 = arith.constant 0.000000e+00 : f32
      %broadcast_in_dim3A_87 = vector.broadcast %broadcast_in_dim3A_86 : f32 to vector<16xf32>
      %swap3A_88 = arith.index_cast %scan3A_38 : i32 to index
      %swap3A_89 = arith.constant 112 : index
      %swap3A_90 = tpu.vector_load %arg13[%swap3A_88, %swap3A_89] {strides = array<i32>} : memref<80x128xf32, #tpu.memory_space<vmem>>, vector<1x16xf32>,
      %swap3A_91 = vector.shape_cast %swap3A_90 : vector<1x16xf32> to vector<16xf32>
      %swap3A_92 = vector.shape_cast %broadcast_in_dim3A_87 : vector<16xf32> to vector<1x16xf32>
      tpu.vector_store %arg13[%swap3A_88, %swap3A_89], %swap3A_92 {strides = array<i32>} : memref<80x128xf32, #tpu.memory_space<vmem>>, vector<1x16xf32>,
    }
    %scan3A_7 = arith.constant 80 : i32
    %while3A = arith.constant 0 : i32
    %while3A_8 = arith.constant 0 : i32
    %while3A_9 = arith.subi %select_n3A, %while3A_8 : i32
    %while3A_10 = arith.addi %while3A_8, %while3A_9 : i32
    %while3A_11 = arith.constant 1 : i32
    %while3A_12 = arith.divsi %while3A_9, %while3A_11 : i32
    %while3A_13 = arith.muli %while3A_12, %while3A_11 : i32
    %while3A_14 = arith.addi %while3A_8, %while3A_13 : i32
    %while3A_15 = arith.constant 1 : i32
    scf.for %while3A_38 = %while3A_8 to %while3A_14 step %while3A_15  : i32 {
      %mul3A_39 = arith.constant 80 : i32
      %mul3A_40 = arith.muli %while3A_38, %mul3A_39 : i32
      %add3A = arith.addi %mul3A_0, %mul3A_40 : i32
      "tpu.region"() ({
        %run_scoped3A = tpu.sem_alloc : memref<!tpu.dma_semaphore, #tpu.memory_space<semaphore_mem>>
        %dma_start3A = arith.constant 0 : i32
        %dma_start3A_41 = tpu.memref_slice %arg14[%add3A, %dma_start3A] : memref<10000x128xf32, #tpu.memory_space<vmem_shared>> -> memref<80x128xf32, #tpu.memory_space<vmem_shared>>
        %dma_start3A_42 = arith.constant 0 : i32
        %dma_start3A_43 = tpu.memref_slice %arg14[%add3A, %dma_start3A_42] : memref<10000x128xf32, #tpu.memory_space<vmem_shared>> -> memref<80x128xf32, #tpu.memory_space<vmem_shared>>
        tpu.enqueue_dma source(%arg13 : memref<80x128xf32, #tpu.memory_space<vmem>>) target(%dma_start3A_43 : memref<80x128xf32, #tpu.memory_space<vmem_shared>>) target_semaphore(%run_scoped3A : memref<!tpu.dma_semaphore, #tpu.memory_space<semaphore_mem>>)
        %dma_wait3A = arith.constant 0 : i32
        %dma_wait3A_44 = tpu.memref_slice %arg14[%add3A, %dma_wait3A] : memref<10000x128xf32, #tpu.memory_space<vmem_shared>> -> memref<80x128xf32, #tpu.memory_space<vmem_shared>>
        %dma_wait3A_45 = arith.constant 0 : i32
        %dma_wait3A_46 = tpu.memref_slice %arg14[%add3A, %dma_wait3A_45] : memref<10000x128xf32, #tpu.memory_space<vmem_shared>> -> memref<80x128xf32, #tpu.memory_space<vmem_shared>>
        tpu.wait_dma2 semaphore(%run_scoped3A : memref<!tpu.dma_semaphore, #tpu.memory_space<semaphore_mem>>) src(%arg13 : memref<80x128xf32, #tpu.memory_space<vmem>>) dst(%dma_wait3A_46 : memref<80x128xf32, #tpu.memory_space<vmem_shared>>)
        tpu.yield
      }) : () -> ()
    }
    %while3A_16 = arith.constant 1 : i32
    scf.for %while3A_38 = %while3A_14 to %while3A_10 step %while3A_16  : i32 {
      %mul3A_39 = arith.constant 80 : i32
      %mul3A_40 = arith.muli %while3A_38, %mul3A_39 : i32
      %add3A = arith.addi %mul3A_0, %mul3A_40 : i32
      "tpu.region"() ({
        %run_scoped3A = tpu.sem_alloc : memref<!tpu.dma_semaphore, #tpu.memory_space<semaphore_mem>>
        %dma_start3A = arith.constant 0 : i32
        %dma_start3A_41 = tpu.memref_slice %arg14[%add3A, %dma_start3A] : memref<10000x128xf32, #tpu.memory_space<vmem_shared>> -> memref<80x128xf32, #tpu.memory_space<vmem_shared>>
        %dma_start3A_42 = arith.constant 0 : i32
        %dma_start3A_43 = tpu.memref_slice %arg14[%add3A, %dma_start3A_42] : memref<10000x128xf32, #tpu.memory_space<vmem_shared>> -> memref<80x128xf32, #tpu.memory_space<vmem_shared>>
        tpu.enqueue_dma source(%arg13 : memref<80x128xf32, #tpu.memory_space<vmem>>) target(%dma_start3A_43 : memref<80x128xf32, #tpu.memory_space<vmem_shared>>) target_semaphore(%run_scoped3A : memref<!tpu.dma_semaphore, #tpu.memory_space<semaphore_mem>>)
        %dma_wait3A = arith.constant 0 : i32
        %dma_wait3A_44 = tpu.memref_slice %arg14[%add3A, %dma_wait3A] : memref<10000x128xf32, #tpu.memory_space<vmem_shared>> -> memref<80x128xf32, #tpu.memory_space<vmem_shared>>
        %dma_wait3A_45 = arith.constant 0 : i32
        %dma_wait3A_46 = tpu.memref_slice %arg14[%add3A, %dma_wait3A_45] : memref<10000x128xf32, #tpu.memory_space<vmem_shared>> -> memref<80x128xf32, #tpu.memory_space<vmem_shared>>
        tpu.wait_dma2 semaphore(%run_scoped3A : memref<!tpu.dma_semaphore, #tpu.memory_space<semaphore_mem>>) src(%arg13 : memref<80x128xf32, #tpu.memory_space<vmem>>) dst(%dma_wait3A_46 : memref<80x128xf32, #tpu.memory_space<vmem_shared>>)
        tpu.yield
      }) : () -> ()
    }
    %barrier3A = arith.constant 0 : index
    tpu.barrier barrier_id(%barrier3A)
    %mul3A_17 = arith.constant 10000 : i32
    %mul3A_18 = arith.muli %arg0, %mul3A_17 : i32
    %mul3A_19 = arith.constant 64 : i32
    %mul3A_20 = arith.muli %arg0, %mul3A_19 : i32
    %scan3A_21 = arith.constant 0 : i32
    %scan3A_22 = arith.constant 0 : i32
    %scan3A_23 = arith.constant 250 : i32
    %scan3A_24 = arith.addi %scan3A_22, %scan3A_23 : i32
    %scan3A_25 = arith.constant 1 : i32
    scf.for %scan3A_38 = %scan3A_22 to %scan3A_24 step %scan3A_25  : i32 {
      %mul3A_39 = arith.constant 250 : i32
      %mul3A_40 = arith.muli %arg1, %mul3A_39 : i32
      %add3A = arith.addi %mul3A_40, %scan3A_38 : i32
      %dma_start3A = arith.constant 0 : i32
      %dma_start3A_41 = arith.constant 0 : i32
      %dma_start3A_42 = tpu.memref_slice %arg5[%add3A, %dma_start3A, %dma_start3A_41] : memref<4000x1x80xi32, #tpu.memory_space<hbm>> -> memref<1x1x80xi32, #tpu.memory_space<hbm>>
      %dma_start3A_43 = tpu.memref_squeeze %dma_start3A_42 : memref<1x1x80xi32, #tpu.memory_space<hbm>> -> memref<80xi32, #tpu.memory_space<hbm>>
      %dma_start3A_44 = arith.constant 0 : i32
      %dma_start3A_45 = tpu.memref_slice %arg5[%add3A, %dma_start3A, %dma_start3A_44] : memref<4000x1x80xi32, #tpu.memory_space<hbm>> -> memref<1x1x80xi32, #tpu.memory_space<hbm>>
      %dma_start3A_46 = tpu.memref_squeeze %dma_start3A_45 : memref<1x1x80xi32, #tpu.memory_space<hbm>> -> memref<80xi32, #tpu.memory_space<hbm>>
      tpu.enqueue_dma source(%dma_start3A_46 : memref<80xi32, #tpu.memory_space<hbm>>) target(%arg8 : memref<80xi32, #tpu.memory_space<vmem>>) target_semaphore(%arg15 : memref<!tpu.dma_semaphore, #tpu.memory_space<semaphore_mem>>)
      %dma_start3A_47 = arith.constant 0 : i32
      %dma_start3A_48 = arith.constant 0 : i32
      %dma_start3A_49 = tpu.memref_slice %arg6[%add3A, %dma_start3A_47, %dma_start3A_48] : memref<4000x1x80xi32, #tpu.memory_space<hbm>> -> memref<1x1x80xi32, #tpu.memory_space<hbm>>
      %dma_start3A_50 = tpu.memref_squeeze %dma_start3A_49 : memref<1x1x80xi32, #tpu.memory_space<hbm>> -> memref<80xi32, #tpu.memory_space<hbm>>
      %dma_start3A_51 = arith.constant 0 : i32
      %dma_start3A_52 = tpu.memref_slice %arg6[%add3A, %dma_start3A_47, %dma_start3A_51] : memref<4000x1x80xi32, #tpu.memory_space<hbm>> -> memref<1x1x80xi32, #tpu.memory_space<hbm>>
      %dma_start3A_53 = tpu.memref_squeeze %dma_start3A_52 : memref<1x1x80xi32, #tpu.memory_space<hbm>> -> memref<80xi32, #tpu.memory_space<hbm>>
      tpu.enqueue_dma source(%dma_start3A_53 : memref<80xi32, #tpu.memory_space<hbm>>) target(%arg9 : memref<80xi32, #tpu.memory_space<vmem>>) target_semaphore(%arg15 : memref<!tpu.dma_semaphore, #tpu.memory_space<semaphore_mem>>)
      %dma_wait3A = arith.constant 0 : i32
      %dma_wait3A_54 = arith.constant 0 : i32
      %dma_wait3A_55 = tpu.memref_slice %arg5[%add3A, %dma_wait3A, %dma_wait3A_54] : memref<4000x1x80xi32, #tpu.memory_space<hbm>> -> memref<1x1x80xi32, #tpu.memory_space<hbm>>
      %dma_wait3A_56 = tpu.memref_squeeze %dma_wait3A_55 : memref<1x1x80xi32, #tpu.memory_space<hbm>> -> memref<80xi32, #tpu.memory_space<hbm>>
      %dma_wait3A_57 = arith.constant 0 : i32
      %dma_wait3A_58 = tpu.memref_slice %arg5[%add3A, %dma_wait3A, %dma_wait3A_57] : memref<4000x1x80xi32, #tpu.memory_space<hbm>> -> memref<1x1x80xi32, #tpu.memory_space<hbm>>
      %dma_wait3A_59 = tpu.memref_squeeze %dma_wait3A_58 : memref<1x1x80xi32, #tpu.memory_space<hbm>> -> memref<80xi32, #tpu.memory_space<hbm>>
      tpu.wait_dma2 semaphore(%arg15 : memref<!tpu.dma_semaphore, #tpu.memory_space<semaphore_mem>>) src(%dma_wait3A_59 : memref<80xi32, #tpu.memory_space<hbm>>) dst(%arg8 : memref<80xi32, #tpu.memory_space<vmem>>)
      %dma_wait3A_60 = arith.constant 0 : i32
      %dma_wait3A_61 = arith.constant 0 : i32
      %dma_wait3A_62 = tpu.memref_slice %arg6[%add3A, %dma_wait3A_60, %dma_wait3A_61] : memref<4000x1x80xi32, #tpu.memory_space<hbm>> -> memref<1x1x80xi32, #tpu.memory_space<hbm>>
      %dma_wait3A_63 = tpu.memref_squeeze %dma_wait3A_62 : memref<1x1x80xi32, #tpu.memory_space<hbm>> -> memref<80xi32, #tpu.memory_space<hbm>>
      %dma_wait3A_64 = arith.constant 0 : i32
      %dma_wait3A_65 = tpu.memref_slice %arg6[%add3A, %dma_wait3A_60, %dma_wait3A_64] : memref<4000x1x80xi32, #tpu.memory_space<hbm>> -> memref<1x1x80xi32, #tpu.memory_space<hbm>>
      %dma_wait3A_66 = tpu.memref_squeeze %dma_wait3A_65 : memref<1x1x80xi32, #tpu.memory_space<hbm>> -> memref<80xi32, #tpu.memory_space<hbm>>
      tpu.wait_dma2 semaphore(%arg15 : memref<!tpu.dma_semaphore, #tpu.memory_space<semaphore_mem>>) src(%dma_wait3A_66 : memref<80xi32, #tpu.memory_space<hbm>>) dst(%arg9 : memref<80xi32, #tpu.memory_space<vmem>>)
      %get3A = arith.constant 0 : index
      %get3A_67 = tpu.vector_load %arg8[%get3A] {strides = array<i32>} : memref<80xi32, #tpu.memory_space<vmem>>, vector<16xi32>,
      %get3A_68 = vector.shape_cast %get3A_67 : vector<16xi32> to vector<16xi32>
      %add3A_69 = vector.broadcast %mul3A_18 : i32 to vector<16xi32>
      %add3A_70 = arith.addi %get3A_68, %add3A_69 : vector<16xi32>
      %swap3A = arith.constant 0 : index
      %swap3A_71 = tpu.vector_load %arg8[%swap3A] {strides = array<i32>} : memref<80xi32, #tpu.memory_space<vmem>>, vector<16xi32>,
      %swap3A_72 = vector.shape_cast %swap3A_71 : vector<16xi32> to vector<16xi32>
      %swap3A_73 = vector.shape_cast %add3A_70 : vector<16xi32> to vector<16xi32>
      tpu.vector_store %arg8[%swap3A], %swap3A_73 {strides = array<i32>} : memref<80xi32, #tpu.memory_space<vmem>>, vector<16xi32>,
      %get3A_74 = arith.constant 16 : index
      %get3A_75 = tpu.vector_load %arg8[%get3A_74] {strides = array<i32>} : memref<80xi32, #tpu.memory_space<vmem>>, vector<16xi32>,
      %get3A_76 = vector.shape_cast %get3A_75 : vector<16xi32> to vector<16xi32>
      %add3A_77 = vector.broadcast %mul3A_18 : i32 to vector<16xi32>
      %add3A_78 = arith.addi %get3A_76, %add3A_77 : vector<16xi32>
      %swap3A_79 = arith.constant 16 : index
      %swap3A_80 = tpu.vector_load %arg8[%swap3A_79] {strides = array<i32>} : memref<80xi32, #tpu.memory_space<vmem>>, vector<16xi32>,
      %swap3A_81 = vector.shape_cast %swap3A_80 : vector<16xi32> to vector<16xi32>
      %swap3A_82 = vector.shape_cast %add3A_78 : vector<16xi32> to vector<16xi32>
      tpu.vector_store %arg8[%swap3A_79], %swap3A_82 {strides = array<i32>} : memref<80xi32, #tpu.memory_space<vmem>>, vector<16xi32>,
      %get3A_83 = arith.constant 32 : index
      %get3A_84 = tpu.vector_load %arg8[%get3A_83] {strides = array<i32>} : memref<80xi32, #tpu.memory_space<vmem>>, vector<16xi32>,
      %get3A_85 = vector.shape_cast %get3A_84 : vector<16xi32> to vector<16xi32>
      %add3A_86 = vector.broadcast %mul3A_18 : i32 to vector<16xi32>
      %add3A_87 = arith.addi %get3A_85, %add3A_86 : vector<16xi32>
      %swap3A_88 = arith.constant 32 : index
      %swap3A_89 = tpu.vector_load %arg8[%swap3A_88] {strides = array<i32>} : memref<80xi32, #tpu.memory_space<vmem>>, vector<16xi32>,
      %swap3A_90 = vector.shape_cast %swap3A_89 : vector<16xi32> to vector<16xi32>
      %swap3A_91 = vector.shape_cast %add3A_87 : vector<16xi32> to vector<16xi32>
      tpu.vector_store %arg8[%swap3A_88], %swap3A_91 {strides = array<i32>} : memref<80xi32, #tpu.memory_space<vmem>>, vector<16xi32>,
      %get3A_92 = arith.constant 48 : index
      %get3A_93 = tpu.vector_load %arg8[%get3A_92] {strides = array<i32>} : memref<80xi32, #tpu.memory_space<vmem>>, vector<16xi32>,
      %get3A_94 = vector.shape_cast %get3A_93 : vector<16xi32> to vector<16xi32>
      %add3A_95 = vector.broadcast %mul3A_18 : i32 to vector<16xi32>
      %add3A_96 = arith.addi %get3A_94, %add3A_95 : vector<16xi32>
      %swap3A_97 = arith.constant 48 : index
      %swap3A_98 = tpu.vector_load %arg8[%swap3A_97] {strides = array<i32>} : memref<80xi32, #tpu.memory_space<vmem>>, vector<16xi32>,
      %swap3A_99 = vector.shape_cast %swap3A_98 : vector<16xi32> to vector<16xi32>
      %swap3A_100 = vector.shape_cast %add3A_96 : vector<16xi32> to vector<16xi32>
      tpu.vector_store %arg8[%swap3A_97], %swap3A_100 {strides = array<i32>} : memref<80xi32, #tpu.memory_space<vmem>>, vector<16xi32>,
      %get3A_101 = arith.constant 64 : index
      %get3A_102 = tpu.vector_load %arg8[%get3A_101] {strides = array<i32>} : memref<80xi32, #tpu.memory_space<vmem>>, vector<16xi32>,
      %get3A_103 = vector.shape_cast %get3A_102 : vector<16xi32> to vector<16xi32>
      %add3A_104 = vector.broadcast %mul3A_18 : i32 to vector<16xi32>
      %add3A_105 = arith.addi %get3A_103, %add3A_104 : vector<16xi32>
      %swap3A_106 = arith.constant 64 : index
      %swap3A_107 = tpu.vector_load %arg8[%swap3A_106] {strides = array<i32>} : memref<80xi32, #tpu.memory_space<vmem>>, vector<16xi32>,
      %swap3A_108 = vector.shape_cast %swap3A_107 : vector<16xi32> to vector<16xi32>
      %swap3A_109 = vector.shape_cast %add3A_105 : vector<16xi32> to vector<16xi32>
      tpu.vector_store %arg8[%swap3A_106], %swap3A_109 {strides = array<i32>} : memref<80xi32, #tpu.memory_space<vmem>>, vector<16xi32>,
      %dma_start3A_110 = arith.constant 0 : i32
      %dma_start3A_111 = arith.constant 0 : i32
      %dma_start3A_112 = tpu.memref_slice %arg3[%dma_start3A_110, %dma_start3A_111] : memref<20000x128xf32, #tpu.memory_space<hbm>> -> memref<20000x128xf32, #tpu.memory_space<hbm>>
      tpu.enqueue_indirect_dma source(%dma_start3A_112 : memref<20000x128xf32, #tpu.memory_space<hbm>>) target(%arg10 : memref<80x128xf32, #tpu.memory_space<vmem>>) offsets(%arg8 : memref<80xi32, #tpu.memory_space<vmem>>) semaphore(%arg15 : memref<!tpu.dma_semaphore, #tpu.memory_space<semaphore_mem>>)
      %dma_start3A_113 = arith.constant 0 : i32
      %dma_start3A_114 = arith.constant 0 : i32
      %dma_start3A_115 = tpu.memref_slice %arg2[%dma_start3A_113, %dma_start3A_114] : memref<10000x128xf32, #tpu.memory_space<hbm>> -> memref<10000x128xf32, #tpu.memory_space<hbm>>
      tpu.enqueue_indirect_dma source(%dma_start3A_115 : memref<10000x128xf32, #tpu.memory_space<hbm>>) target(%arg11 : memref<80x128xf32, #tpu.memory_space<vmem>>) offsets(%arg9 : memref<80xi32, #tpu.memory_space<vmem>>) semaphore(%arg15 : memref<!tpu.dma_semaphore, #tpu.memory_space<semaphore_mem>>)
      %mul3A_116 = arith.constant 80 : i32
      %mul3A_117 = arith.muli %add3A, %mul3A_116 : i32
      "tpu.region"() ({
        %run_scoped3A = tpu.sem_alloc : memref<!tpu.dma_semaphore, #tpu.memory_space<semaphore_mem>>
        %dma_start3A_126 = arith.constant 0 : i32
        %dma_start3A_127 = tpu.memref_slice %arg4[%mul3A_117, %dma_start3A_126] : memref<320000x128xf32, #tpu.memory_space<hbm>> -> memref<80x128xf32, #tpu.memory_space<hbm>>
        %dma_start3A_128 = arith.constant 0 : i32
        %dma_start3A_129 = tpu.memref_slice %arg4[%mul3A_117, %dma_start3A_128] : memref<320000x128xf32, #tpu.memory_space<hbm>> -> memref<80x128xf32, #tpu.memory_space<hbm>>
        tpu.enqueue_dma source(%dma_start3A_129 : memref<80x128xf32, #tpu.memory_space<hbm>>) target(%arg12 : memref<80x128xf32, #tpu.memory_space<vmem>>) target_semaphore(%run_scoped3A : memref<!tpu.dma_semaphore, #tpu.memory_space<semaphore_mem>>)
        %dma_wait3A_130 = arith.constant 0 : i32
        %dma_wait3A_131 = tpu.memref_slice %arg4[%mul3A_117, %dma_wait3A_130] : memref<320000x128xf32, #tpu.memory_space<hbm>> -> memref<80x128xf32, #tpu.memory_space<hbm>>
        %dma_wait3A_132 = arith.constant 0 : i32
        %dma_wait3A_133 = tpu.memref_slice %arg4[%mul3A_117, %dma_wait3A_132] : memref<320000x128xf32, #tpu.memory_space<hbm>> -> memref<80x128xf32, #tpu.memory_space<hbm>>
        tpu.wait_dma2 semaphore(%run_scoped3A : memref<!tpu.dma_semaphore, #tpu.memory_space<semaphore_mem>>) src(%dma_wait3A_133 : memref<80x128xf32, #tpu.memory_space<hbm>>) dst(%arg12 : memref<80x128xf32, #tpu.memory_space<vmem>>)
        tpu.yield
      }) : () -> ()
      %dma_wait3A_118 = arith.constant 0 : i32
      %dma_wait3A_119 = arith.constant 0 : i32
      %dma_wait3A_120 = tpu.memref_slice %arg3[%dma_wait3A_118, %dma_wait3A_119] : memref<20000x128xf32, #tpu.memory_space<hbm>> -> memref<20000x128xf32, #tpu.memory_space<hbm>>
      tpu.wait_indirect_dma semaphore(%arg15 : memref<!tpu.dma_semaphore, #tpu.memory_space<semaphore_mem>>) src(%dma_wait3A_120 : memref<20000x128xf32, #tpu.memory_space<hbm>>) dst(%arg10 : memref<80x128xf32, #tpu.memory_space<vmem>>)
      %dma_wait3A_121 = arith.constant 0 : i32
      %dma_wait3A_122 = arith.constant 0 : i32
      %dma_wait3A_123 = tpu.memref_slice %arg2[%dma_wait3A_121, %dma_wait3A_122] : memref<10000x128xf32, #tpu.memory_space<hbm>> -> memref<10000x128xf32, #tpu.memory_space<hbm>>
      tpu.wait_indirect_dma semaphore(%arg15 : memref<!tpu.dma_semaphore, #tpu.memory_space<semaphore_mem>>) src(%dma_wait3A_123 : memref<10000x128xf32, #tpu.memory_space<hbm>>) dst(%arg11 : memref<80x128xf32, #tpu.memory_space<vmem>>)
      %parallel_loop3A = arith.constant 0 : i32
      %parallel_loop3A_124 = arith.constant 80 : i32
      %parallel_loop3A_125 = arith.constant 1 : i32
      scf.for %parallel_loop3A_126 = %parallel_loop3A to %parallel_loop3A_124 step %parallel_loop3A_125  : i32 {
        %parallel_loop3A_127 = arith.constant 0.000000e+00 : f32
        %parallel_loop3A_128 = vector.broadcast %parallel_loop3A_127 : f32 to vector<16xf32>
        %parallel_loop3A_129 = arith.constant 0 : i32
        %parallel_loop3A_130 = arith.addi %mul3A_20, %parallel_loop3A_129 : i32
        %parallel_loop3A_131 = arith.index_cast %parallel_loop3A_126 : i32 to index
        %parallel_loop3A_132 = arith.constant 0 : index
        %parallel_loop3A_133 = tpu.vector_load %arg10[%parallel_loop3A_131, %parallel_loop3A_132] {strides = array<i32>} : memref<80x128xf32, #tpu.memory_space<vmem>>, vector<1x16xf32>,
        %parallel_loop3A_134 = vector.shape_cast %parallel_loop3A_133 : vector<1x16xf32> to vector<16xf32>
        %parallel_loop3A_135 = arith.index_cast %parallel_loop3A_126 : i32 to index
        %parallel_loop3A_136 = arith.index_cast %parallel_loop3A_130 : i32 to index
        %parallel_loop3A_137 = tpu.vector_load %arg11[%parallel_loop3A_135, %parallel_loop3A_136] {strides = array<i32>} : memref<80x128xf32, #tpu.memory_space<vmem>>, vector<1x16xf32>,
        %parallel_loop3A_138 = vector.shape_cast %parallel_loop3A_137 : vector<1x16xf32> to vector<16xf32>
        %parallel_loop3A_139 = arith.mulf %parallel_loop3A_134, %parallel_loop3A_138 : vector<16xf32>
        %parallel_loop3A_140 = arith.index_cast %parallel_loop3A_126 : i32 to index
        %parallel_loop3A_141 = arith.index_cast %parallel_loop3A_130 : i32 to index
        %parallel_loop3A_142 = tpu.vector_load %arg12[%parallel_loop3A_140, %parallel_loop3A_141] {strides = array<i32>} : memref<80x128xf32, #tpu.memory_space<vmem>>, vector<1x16xf32>,
        %parallel_loop3A_143 = vector.shape_cast %parallel_loop3A_142 : vector<1x16xf32> to vector<16xf32>
        %parallel_loop3A_144 = arith.mulf %parallel_loop3A_139, %parallel_loop3A_143 : vector<16xf32>
        %parallel_loop3A_145 = arith.constant 8 : i32
        %parallel_loop3A_146 = vector.broadcast %parallel_loop3A_145 : i32 to vector<16xi32>
        %parallel_loop3A_147 = arith.xori %iota3A, %parallel_loop3A_146 : vector<16xi32>
        %parallel_loop3A_148 = vector.shape_cast %parallel_loop3A_147 : vector<16xi32> to vector<16x1xi32>
        %parallel_loop3A_149 = vector.shape_cast %parallel_loop3A_148 : vector<16x1xi32> to vector<16xi32>
        %parallel_loop3A_150 = tpu.dynamic_gather %parallel_loop3A_144[%parallel_loop3A_149] in [0] : vector<16xf32>, vector<16xi32> -> vector<16xf32>
        %parallel_loop3A_151 = arith.addf %parallel_loop3A_144, %parallel_loop3A_150 : vector<16xf32>
        %parallel_loop3A_152 = arith.constant 4 : i32
        %parallel_loop3A_153 = vector.broadcast %parallel_loop3A_152 : i32 to vector<16xi32>
        %parallel_loop3A_154 = arith.xori %iota3A, %parallel_loop3A_153 : vector<16xi32>
        %parallel_loop3A_155 = vector.shape_cast %parallel_loop3A_154 : vector<16xi32> to vector<16x1xi32>
        %parallel_loop3A_156 = vector.shape_cast %parallel_loop3A_155 : vector<16x1xi32> to vector<16xi32>
        %parallel_loop3A_157 = tpu.dynamic_gather %parallel_loop3A_151[%parallel_loop3A_156] in [0] : vector<16xf32>, vector<16xi32> -> vector<16xf32>
        %parallel_loop3A_158 = arith.addf %parallel_loop3A_151, %parallel_loop3A_157 : vector<16xf32>
        %parallel_loop3A_159 = arith.constant 2 : i32
        %parallel_loop3A_160 = vector.broadcast %parallel_loop3A_159 : i32 to vector<16xi32>
        %parallel_loop3A_161 = arith.xori %iota3A, %parallel_loop3A_160 : vector<16xi32>
        %parallel_loop3A_162 = vector.shape_cast %parallel_loop3A_161 : vector<16xi32> to vector<16x1xi32>
        %parallel_loop3A_163 = vector.shape_cast %parallel_loop3A_162 : vector<16x1xi32> to vector<16xi32>
        %parallel_loop3A_164 = tpu.dynamic_gather %parallel_loop3A_158[%parallel_loop3A_163] in [0] : vector<16xf32>, vector<16xi32> -> vector<16xf32>
        %parallel_loop3A_165 = arith.addf %parallel_loop3A_158, %parallel_loop3A_164 : vector<16xf32>
        %parallel_loop3A_166 = arith.constant 1 : i32
        %parallel_loop3A_167 = vector.broadcast %parallel_loop3A_166 : i32 to vector<16xi32>
        %parallel_loop3A_168 = arith.xori %iota3A, %parallel_loop3A_167 : vector<16xi32>
        %parallel_loop3A_169 = vector.shape_cast %parallel_loop3A_168 : vector<16xi32> to vector<16x1xi32>
        %parallel_loop3A_170 = vector.shape_cast %parallel_loop3A_169 : vector<16x1xi32> to vector<16xi32>
        %parallel_loop3A_171 = tpu.dynamic_gather %parallel_loop3A_165[%parallel_loop3A_170] in [0] : vector<16xf32>, vector<16xi32> -> vector<16xf32>
        %parallel_loop3A_172 = arith.addf %parallel_loop3A_165, %parallel_loop3A_171 : vector<16xf32>
        %parallel_loop3A_173 = arith.constant -5.000000e+00 : f32
        %parallel_loop3A_174 = vector.broadcast %parallel_loop3A_173 : f32 to vector<16xf32>
        %parallel_loop3A_175 = arith.maximumf %parallel_loop3A_172, %parallel_loop3A_174 : vector<16xf32>
        %parallel_loop3A_176 = arith.constant 5.000000e+00 : f32
        %parallel_loop3A_177 = vector.broadcast %parallel_loop3A_176 : f32 to vector<16xf32>
        %parallel_loop3A_178 = arith.minimumf %parallel_loop3A_175, %parallel_loop3A_177 : vector<16xf32>
        %parallel_loop3A_179 = math.exp %parallel_loop3A_178 : vector<16xf32>
        %parallel_loop3A_180 = arith.index_cast %parallel_loop3A_126 : i32 to index
        %parallel_loop3A_181 = arith.constant 64 : index
        %parallel_loop3A_182 = tpu.vector_load %arg10[%parallel_loop3A_180, %parallel_loop3A_181] {strides = array<i32>} : memref<80x128xf32, #tpu.memory_space<vmem>>, vector<1x16xf32>,
        %parallel_loop3A_183 = vector.shape_cast %parallel_loop3A_182 : vector<1x16xf32> to vector<16xf32>
        %parallel_loop3A_184 = arith.mulf %parallel_loop3A_183, %parallel_loop3A_179 : vector<16xf32>
        %parallel_loop3A_185 = arith.index_cast %parallel_loop3A_126 : i32 to index
        %parallel_loop3A_186 = arith.constant 0 : index
        %parallel_loop3A_187 = tpu.vector_load %arg13[%parallel_loop3A_185, %parallel_loop3A_186] {strides = array<i32>} : memref<80x128xf32, #tpu.memory_space<vmem>>, vector<1x16xf32>,
        %parallel_loop3A_188 = vector.shape_cast %parallel_loop3A_187 : vector<1x16xf32> to vector<16xf32>
        %parallel_loop3A_189 = vector.shape_cast %parallel_loop3A_184 : vector<16xf32> to vector<1x16xf32>
        tpu.vector_store %arg13[%parallel_loop3A_185, %parallel_loop3A_186], %parallel_loop3A_189 {strides = array<i32>} : memref<80x128xf32, #tpu.memory_space<vmem>>, vector<1x16xf32>,
        %parallel_loop3A_190 = arith.constant 0 : i32
        %parallel_loop3A_191 = vector.broadcast %parallel_loop3A_190 : i32 to vector<16xi32>
        %parallel_loop3A_192 = arith.cmpi eq, %iota3A, %parallel_loop3A_191 : vector<16xi32>
        %parallel_loop3A_193 = arith.select %parallel_loop3A_192, %parallel_loop3A_179, %parallel_loop3A_128 : vector<16xi1>, vector<16xf32>
        %parallel_loop3A_194 = arith.constant 16 : i32
        %parallel_loop3A_195 = arith.addi %mul3A_20, %parallel_loop3A_194 : i32
        %parallel_loop3A_196 = arith.index_cast %parallel_loop3A_126 : i32 to index
        %parallel_loop3A_197 = arith.constant 16 : index
        %parallel_loop3A_198 = tpu.vector_load %arg10[%parallel_loop3A_196, %parallel_loop3A_197] {strides = array<i32>} : memref<80x128xf32, #tpu.memory_space<vmem>>, vector<1x16xf32>,
        %parallel_loop3A_199 = vector.shape_cast %parallel_loop3A_198 : vector<1x16xf32> to vector<16xf32>
        %parallel_loop3A_200 = arith.index_cast %parallel_loop3A_126 : i32 to index
        %parallel_loop3A_201 = arith.index_cast %parallel_loop3A_195 : i32 to index
        %parallel_loop3A_202 = tpu.vector_load %arg11[%parallel_loop3A_200, %parallel_loop3A_201] {strides = array<i32>} : memref<80x128xf32, #tpu.memory_space<vmem>>, vector<1x16xf32>,
        %parallel_loop3A_203 = vector.shape_cast %parallel_loop3A_202 : vector<1x16xf32> to vector<16xf32>
        %parallel_loop3A_204 = arith.mulf %parallel_loop3A_199, %parallel_loop3A_203 : vector<16xf32>
        %parallel_loop3A_205 = arith.index_cast %parallel_loop3A_126 : i32 to index
        %parallel_loop3A_206 = arith.index_cast %parallel_loop3A_195 : i32 to index
        %parallel_loop3A_207 = tpu.vector_load %arg12[%parallel_loop3A_205, %parallel_loop3A_206] {strides = array<i32>} : memref<80x128xf32, #tpu.memory_space<vmem>>, vector<1x16xf32>,
        %parallel_loop3A_208 = vector.shape_cast %parallel_loop3A_207 : vector<1x16xf32> to vector<16xf32>
        %parallel_loop3A_209 = arith.mulf %parallel_loop3A_204, %parallel_loop3A_208 : vector<16xf32>
        %parallel_loop3A_210 = arith.constant 8 : i32
        %parallel_loop3A_211 = vector.broadcast %parallel_loop3A_210 : i32 to vector<16xi32>
        %parallel_loop3A_212 = arith.xori %iota3A, %parallel_loop3A_211 : vector<16xi32>
        %parallel_loop3A_213 = vector.shape_cast %parallel_loop3A_212 : vector<16xi32> to vector<16x1xi32>
        %parallel_loop3A_214 = vector.shape_cast %parallel_loop3A_213 : vector<16x1xi32> to vector<16xi32>
        %parallel_loop3A_215 = tpu.dynamic_gather %parallel_loop3A_209[%parallel_loop3A_214] in [0] : vector<16xf32>, vector<16xi32> -> vector<16xf32>
        %parallel_loop3A_216 = arith.addf %parallel_loop3A_209, %parallel_loop3A_215 : vector<16xf32>
        %parallel_loop3A_217 = arith.constant 4 : i32
        %parallel_loop3A_218 = vector.broadcast %parallel_loop3A_217 : i32 to vector<16xi32>
        %parallel_loop3A_219 = arith.xori %iota3A, %parallel_loop3A_218 : vector<16xi32>
        %parallel_loop3A_220 = vector.shape_cast %parallel_loop3A_219 : vector<16xi32> to vector<16x1xi32>
        %parallel_loop3A_221 = vector.shape_cast %parallel_loop3A_220 : vector<16x1xi32> to vector<16xi32>
        %parallel_loop3A_222 = tpu.dynamic_gather %parallel_loop3A_216[%parallel_loop3A_221] in [0] : vector<16xf32>, vector<16xi32> -> vector<16xf32>
        %parallel_loop3A_223 = arith.addf %parallel_loop3A_216, %parallel_loop3A_222 : vector<16xf32>
        %parallel_loop3A_224 = arith.constant 2 : i32
        %parallel_loop3A_225 = vector.broadcast %parallel_loop3A_224 : i32 to vector<16xi32>
        %parallel_loop3A_226 = arith.xori %iota3A, %parallel_loop3A_225 : vector<16xi32>
        %parallel_loop3A_227 = vector.shape_cast %parallel_loop3A_226 : vector<16xi32> to vector<16x1xi32>
        %parallel_loop3A_228 = vector.shape_cast %parallel_loop3A_227 : vector<16x1xi32> to vector<16xi32>
        %parallel_loop3A_229 = tpu.dynamic_gather %parallel_loop3A_223[%parallel_loop3A_228] in [0] : vector<16xf32>, vector<16xi32> -> vector<16xf32>
        %parallel_loop3A_230 = arith.addf %parallel_loop3A_223, %parallel_loop3A_229 : vector<16xf32>
        %parallel_loop3A_231 = arith.constant 1 : i32
        %parallel_loop3A_232 = vector.broadcast %parallel_loop3A_231 : i32 to vector<16xi32>
        %parallel_loop3A_233 = arith.xori %iota3A, %parallel_loop3A_232 : vector<16xi32>
        %parallel_loop3A_234 = vector.shape_cast %parallel_loop3A_233 : vector<16xi32> to vector<16x1xi32>
        %parallel_loop3A_235 = vector.shape_cast %parallel_loop3A_234 : vector<16x1xi32> to vector<16xi32>
        %parallel_loop3A_236 = tpu.dynamic_gather %parallel_loop3A_230[%parallel_loop3A_235] in [0] : vector<16xf32>, vector<16xi32> -> vector<16xf32>
        %parallel_loop3A_237 = arith.addf %parallel_loop3A_230, %parallel_loop3A_236 : vector<16xf32>
        %parallel_loop3A_238 = arith.constant -5.000000e+00 : f32
        %parallel_loop3A_239 = vector.broadcast %parallel_loop3A_238 : f32 to vector<16xf32>
        %parallel_loop3A_240 = arith.maximumf %parallel_loop3A_237, %parallel_loop3A_239 : vector<16xf32>
        %parallel_loop3A_241 = arith.constant 5.000000e+00 : f32
        %parallel_loop3A_242 = vector.broadcast %parallel_loop3A_241 : f32 to vector<16xf32>
        %parallel_loop3A_243 = arith.minimumf %parallel_loop3A_240, %parallel_loop3A_242 : vector<16xf32>
        %parallel_loop3A_244 = math.exp %parallel_loop3A_243 : vector<16xf32>
        %parallel_loop3A_245 = arith.index_cast %parallel_loop3A_126 : i32 to index
        %parallel_loop3A_246 = arith.constant 80 : index
        %parallel_loop3A_247 = tpu.vector_load %arg10[%parallel_loop3A_245, %parallel_loop3A_246] {strides = array<i32>} : memref<80x128xf32, #tpu.memory_space<vmem>>, vector<1x16xf32>,
        %parallel_loop3A_248 = vector.shape_cast %parallel_loop3A_247 : vector<1x16xf32> to vector<16xf32>
        %parallel_loop3A_249 = arith.mulf %parallel_loop3A_248, %parallel_loop3A_244 : vector<16xf32>
        %parallel_loop3A_250 = arith.index_cast %parallel_loop3A_126 : i32 to index
        %parallel_loop3A_251 = arith.constant 16 : index
        %parallel_loop3A_252 = tpu.vector_load %arg13[%parallel_loop3A_250, %parallel_loop3A_251] {strides = array<i32>} : memref<80x128xf32, #tpu.memory_space<vmem>>, vector<1x16xf32>,
        %parallel_loop3A_253 = vector.shape_cast %parallel_loop3A_252 : vector<1x16xf32> to vector<16xf32>
        %parallel_loop3A_254 = vector.shape_cast %parallel_loop3A_249 : vector<16xf32> to vector<1x16xf32>
        tpu.vector_store %arg13[%parallel_loop3A_250, %parallel_loop3A_251], %parallel_loop3A_254 {strides = array<i32>} : memref<80x128xf32, #tpu.memory_space<vmem>>, vector<1x16xf32>,
        %parallel_loop3A_255 = arith.constant 1 : i32
        %parallel_loop3A_256 = vector.broadcast %parallel_loop3A_255 : i32 to vector<16xi32>
        %parallel_loop3A_257 = arith.cmpi eq, %iota3A, %parallel_loop3A_256 : vector<16xi32>
        %parallel_loop3A_258 = arith.select %parallel_loop3A_257, %parallel_loop3A_244, %parallel_loop3A_193 : vector<16xi1>, vector<16xf32>
        %parallel_loop3A_259 = arith.constant 32 : i32
        %parallel_loop3A_260 = arith.addi %mul3A_20, %parallel_loop3A_259 : i32
        %parallel_loop3A_261 = arith.index_cast %parallel_loop3A_126 : i32 to index
        %parallel_loop3A_262 = arith.constant 32 : index
        %parallel_loop3A_263 = tpu.vector_load %arg10[%parallel_loop3A_261, %parallel_loop3A_262] {strides = array<i32>} : memref<80x128xf32, #tpu.memory_space<vmem>>, vector<1x16xf32>,
        %parallel_loop3A_264 = vector.shape_cast %parallel_loop3A_263 : vector<1x16xf32> to vector<16xf32>
        %parallel_loop3A_265 = arith.index_cast %parallel_loop3A_126 : i32 to index
        %parallel_loop3A_266 = arith.index_cast %parallel_loop3A_260 : i32 to index
        %parallel_loop3A_267 = tpu.vector_load %arg11[%parallel_loop3A_265, %parallel_loop3A_266] {strides = array<i32>} : memref<80x128xf32, #tpu.memory_space<vmem>>, vector<1x16xf32>,
        %parallel_loop3A_268 = vector.shape_cast %parallel_loop3A_267 : vector<1x16xf32> to vector<16xf32>
        %parallel_loop3A_269 = arith.mulf %parallel_loop3A_264, %parallel_loop3A_268 : vector<16xf32>
        %parallel_loop3A_270 = arith.index_cast %parallel_loop3A_126 : i32 to index
        %parallel_loop3A_271 = arith.index_cast %parallel_loop3A_260 : i32 to index
        %parallel_loop3A_272 = tpu.vector_load %arg12[%parallel_loop3A_270, %parallel_loop3A_271] {strides = array<i32>} : memref<80x128xf32, #tpu.memory_space<vmem>>, vector<1x16xf32>,
        %parallel_loop3A_273 = vector.shape_cast %parallel_loop3A_272 : vector<1x16xf32> to vector<16xf32>
        %parallel_loop3A_274 = arith.mulf %parallel_loop3A_269, %parallel_loop3A_273 : vector<16xf32>
        %parallel_loop3A_275 = arith.constant 8 : i32
        %parallel_loop3A_276 = vector.broadcast %parallel_loop3A_275 : i32 to vector<16xi32>
        %parallel_loop3A_277 = arith.xori %iota3A, %parallel_loop3A_276 : vector<16xi32>
        %parallel_loop3A_278 = vector.shape_cast %parallel_loop3A_277 : vector<16xi32> to vector<16x1xi32>
        %parallel_loop3A_279 = vector.shape_cast %parallel_loop3A_278 : vector<16x1xi32> to vector<16xi32>
        %parallel_loop3A_280 = tpu.dynamic_gather %parallel_loop3A_274[%parallel_loop3A_279] in [0] : vector<16xf32>, vector<16xi32> -> vector<16xf32>
        %parallel_loop3A_281 = arith.addf %parallel_loop3A_274, %parallel_loop3A_280 : vector<16xf32>
        %parallel_loop3A_282 = arith.constant 4 : i32
        %parallel_loop3A_283 = vector.broadcast %parallel_loop3A_282 : i32 to vector<16xi32>
        %parallel_loop3A_284 = arith.xori %iota3A, %parallel_loop3A_283 : vector<16xi32>
        %parallel_loop3A_285 = vector.shape_cast %parallel_loop3A_284 : vector<16xi32> to vector<16x1xi32>
        %parallel_loop3A_286 = vector.shape_cast %parallel_loop3A_285 : vector<16x1xi32> to vector<16xi32>
        %parallel_loop3A_287 = tpu.dynamic_gather %parallel_loop3A_281[%parallel_loop3A_286] in [0] : vector<16xf32>, vector<16xi32> -> vector<16xf32>
        %parallel_loop3A_288 = arith.addf %parallel_loop3A_281, %parallel_loop3A_287 : vector<16xf32>
        %parallel_loop3A_289 = arith.constant 2 : i32
        %parallel_loop3A_290 = vector.broadcast %parallel_loop3A_289 : i32 to vector<16xi32>
        %parallel_loop3A_291 = arith.xori %iota3A, %parallel_loop3A_290 : vector<16xi32>
        %parallel_loop3A_292 = vector.shape_cast %parallel_loop3A_291 : vector<16xi32> to vector<16x1xi32>
        %parallel_loop3A_293 = vector.shape_cast %parallel_loop3A_292 : vector<16x1xi32> to vector<16xi32>
        %parallel_loop3A_294 = tpu.dynamic_gather %parallel_loop3A_288[%parallel_loop3A_293] in [0] : vector<16xf32>, vector<16xi32> -> vector<16xf32>
        %parallel_loop3A_295 = arith.addf %parallel_loop3A_288, %parallel_loop3A_294 : vector<16xf32>
        %parallel_loop3A_296 = arith.constant 1 : i32
        %parallel_loop3A_297 = vector.broadcast %parallel_loop3A_296 : i32 to vector<16xi32>
        %parallel_loop3A_298 = arith.xori %iota3A, %parallel_loop3A_297 : vector<16xi32>
        %parallel_loop3A_299 = vector.shape_cast %parallel_loop3A_298 : vector<16xi32> to vector<16x1xi32>
        %parallel_loop3A_300 = vector.shape_cast %parallel_loop3A_299 : vector<16x1xi32> to vector<16xi32>
        %parallel_loop3A_301 = tpu.dynamic_gather %parallel_loop3A_295[%parallel_loop3A_300] in [0] : vector<16xf32>, vector<16xi32> -> vector<16xf32>
        %parallel_loop3A_302 = arith.addf %parallel_loop3A_295, %parallel_loop3A_301 : vector<16xf32>
        %parallel_loop3A_303 = arith.constant -5.000000e+00 : f32
        %parallel_loop3A_304 = vector.broadcast %parallel_loop3A_303 : f32 to vector<16xf32>
        %parallel_loop3A_305 = arith.maximumf %parallel_loop3A_302, %parallel_loop3A_304 : vector<16xf32>
        %parallel_loop3A_306 = arith.constant 5.000000e+00 : f32
        %parallel_loop3A_307 = vector.broadcast %parallel_loop3A_306 : f32 to vector<16xf32>
        %parallel_loop3A_308 = arith.minimumf %parallel_loop3A_305, %parallel_loop3A_307 : vector<16xf32>
        %parallel_loop3A_309 = math.exp %parallel_loop3A_308 : vector<16xf32>
        %parallel_loop3A_310 = arith.index_cast %parallel_loop3A_126 : i32 to index
        %parallel_loop3A_311 = arith.constant 96 : index
        %parallel_loop3A_312 = tpu.vector_load %arg10[%parallel_loop3A_310, %parallel_loop3A_311] {strides = array<i32>} : memref<80x128xf32, #tpu.memory_space<vmem>>, vector<1x16xf32>,
        %parallel_loop3A_313 = vector.shape_cast %parallel_loop3A_312 : vector<1x16xf32> to vector<16xf32>
        %parallel_loop3A_314 = arith.mulf %parallel_loop3A_313, %parallel_loop3A_309 : vector<16xf32>
        %parallel_loop3A_315 = arith.index_cast %parallel_loop3A_126 : i32 to index
        %parallel_loop3A_316 = arith.constant 32 : index
        %parallel_loop3A_317 = tpu.vector_load %arg13[%parallel_loop3A_315, %parallel_loop3A_316] {strides = array<i32>} : memref<80x128xf32, #tpu.memory_space<vmem>>, vector<1x16xf32>,
        %parallel_loop3A_318 = vector.shape_cast %parallel_loop3A_317 : vector<1x16xf32> to vector<16xf32>
        %parallel_loop3A_319 = vector.shape_cast %parallel_loop3A_314 : vector<16xf32> to vector<1x16xf32>
        tpu.vector_store %arg13[%parallel_loop3A_315, %parallel_loop3A_316], %parallel_loop3A_319 {strides = array<i32>} : memref<80x128xf32, #tpu.memory_space<vmem>>, vector<1x16xf32>,
        %parallel_loop3A_320 = arith.constant 2 : i32
        %parallel_loop3A_321 = vector.broadcast %parallel_loop3A_320 : i32 to vector<16xi32>
        %parallel_loop3A_322 = arith.cmpi eq, %iota3A, %parallel_loop3A_321 : vector<16xi32>
        %parallel_loop3A_323 = arith.select %parallel_loop3A_322, %parallel_loop3A_309, %parallel_loop3A_258 : vector<16xi1>, vector<16xf32>
        %parallel_loop3A_324 = arith.constant 48 : i32
        %parallel_loop3A_325 = arith.addi %mul3A_20, %parallel_loop3A_324 : i32
        %parallel_loop3A_326 = arith.index_cast %parallel_loop3A_126 : i32 to index
        %parallel_loop3A_327 = arith.constant 48 : index
        %parallel_loop3A_328 = tpu.vector_load %arg10[%parallel_loop3A_326, %parallel_loop3A_327] {strides = array<i32>} : memref<80x128xf32, #tpu.memory_space<vmem>>, vector<1x16xf32>,
        %parallel_loop3A_329 = vector.shape_cast %parallel_loop3A_328 : vector<1x16xf32> to vector<16xf32>
        %parallel_loop3A_330 = arith.index_cast %parallel_loop3A_126 : i32 to index
        %parallel_loop3A_331 = arith.index_cast %parallel_loop3A_325 : i32 to index
        %parallel_loop3A_332 = tpu.vector_load %arg11[%parallel_loop3A_330, %parallel_loop3A_331] {strides = array<i32>} : memref<80x128xf32, #tpu.memory_space<vmem>>, vector<1x16xf32>,
        %parallel_loop3A_333 = vector.shape_cast %parallel_loop3A_332 : vector<1x16xf32> to vector<16xf32>
        %parallel_loop3A_334 = arith.mulf %parallel_loop3A_329, %parallel_loop3A_333 : vector<16xf32>
        %parallel_loop3A_335 = arith.index_cast %parallel_loop3A_126 : i32 to index
        %parallel_loop3A_336 = arith.index_cast %parallel_loop3A_325 : i32 to index
        %parallel_loop3A_337 = tpu.vector_load %arg12[%parallel_loop3A_335, %parallel_loop3A_336] {strides = array<i32>} : memref<80x128xf32, #tpu.memory_space<vmem>>, vector<1x16xf32>,
        %parallel_loop3A_338 = vector.shape_cast %parallel_loop3A_337 : vector<1x16xf32> to vector<16xf32>
        %parallel_loop3A_339 = arith.mulf %parallel_loop3A_334, %parallel_loop3A_338 : vector<16xf32>
        %parallel_loop3A_340 = arith.constant 8 : i32
        %parallel_loop3A_341 = vector.broadcast %parallel_loop3A_340 : i32 to vector<16xi32>
        %parallel_loop3A_342 = arith.xori %iota3A, %parallel_loop3A_341 : vector<16xi32>
        %parallel_loop3A_343 = vector.shape_cast %parallel_loop3A_342 : vector<16xi32> to vector<16x1xi32>
        %parallel_loop3A_344 = vector.shape_cast %parallel_loop3A_343 : vector<16x1xi32> to vector<16xi32>
        %parallel_loop3A_345 = tpu.dynamic_gather %parallel_loop3A_339[%parallel_loop3A_344] in [0] : vector<16xf32>, vector<16xi32> -> vector<16xf32>
        %parallel_loop3A_346 = arith.addf %parallel_loop3A_339, %parallel_loop3A_345 : vector<16xf32>
        %parallel_loop3A_347 = arith.constant 4 : i32
        %parallel_loop3A_348 = vector.broadcast %parallel_loop3A_347 : i32 to vector<16xi32>
        %parallel_loop3A_349 = arith.xori %iota3A, %parallel_loop3A_348 : vector<16xi32>
        %parallel_loop3A_350 = vector.shape_cast %parallel_loop3A_349 : vector<16xi32> to vector<16x1xi32>
        %parallel_loop3A_351 = vector.shape_cast %parallel_loop3A_350 : vector<16x1xi32> to vector<16xi32>
        %parallel_loop3A_352 = tpu.dynamic_gather %parallel_loop3A_346[%parallel_loop3A_351] in [0] : vector<16xf32>, vector<16xi32> -> vector<16xf32>
        %parallel_loop3A_353 = arith.addf %parallel_loop3A_346, %parallel_loop3A_352 : vector<16xf32>
        %parallel_loop3A_354 = arith.constant 2 : i32
        %parallel_loop3A_355 = vector.broadcast %parallel_loop3A_354 : i32 to vector<16xi32>
        %parallel_loop3A_356 = arith.xori %iota3A, %parallel_loop3A_355 : vector<16xi32>
        %parallel_loop3A_357 = vector.shape_cast %parallel_loop3A_356 : vector<16xi32> to vector<16x1xi32>
        %parallel_loop3A_358 = vector.shape_cast %parallel_loop3A_357 : vector<16x1xi32> to vector<16xi32>
        %parallel_loop3A_359 = tpu.dynamic_gather %parallel_loop3A_353[%parallel_loop3A_358] in [0] : vector<16xf32>, vector<16xi32> -> vector<16xf32>
        %parallel_loop3A_360 = arith.addf %parallel_loop3A_353, %parallel_loop3A_359 : vector<16xf32>
        %parallel_loop3A_361 = arith.constant 1 : i32
        %parallel_loop3A_362 = vector.broadcast %parallel_loop3A_361 : i32 to vector<16xi32>
        %parallel_loop3A_363 = arith.xori %iota3A, %parallel_loop3A_362 : vector<16xi32>
        %parallel_loop3A_364 = vector.shape_cast %parallel_loop3A_363 : vector<16xi32> to vector<16x1xi32>
        %parallel_loop3A_365 = vector.shape_cast %parallel_loop3A_364 : vector<16x1xi32> to vector<16xi32>
        %parallel_loop3A_366 = tpu.dynamic_gather %parallel_loop3A_360[%parallel_loop3A_365] in [0] : vector<16xf32>, vector<16xi32> -> vector<16xf32>
        %parallel_loop3A_367 = arith.addf %parallel_loop3A_360, %parallel_loop3A_366 : vector<16xf32>
        %parallel_loop3A_368 = arith.constant -5.000000e+00 : f32
        %parallel_loop3A_369 = vector.broadcast %parallel_loop3A_368 : f32 to vector<16xf32>
        %parallel_loop3A_370 = arith.maximumf %parallel_loop3A_367, %parallel_loop3A_369 : vector<16xf32>
        %parallel_loop3A_371 = arith.constant 5.000000e+00 : f32
        %parallel_loop3A_372 = vector.broadcast %parallel_loop3A_371 : f32 to vector<16xf32>
        %parallel_loop3A_373 = arith.minimumf %parallel_loop3A_370, %parallel_loop3A_372 : vector<16xf32>
        %parallel_loop3A_374 = math.exp %parallel_loop3A_373 : vector<16xf32>
        %parallel_loop3A_375 = arith.index_cast %parallel_loop3A_126 : i32 to index
        %parallel_loop3A_376 = arith.constant 112 : index
        %parallel_loop3A_377 = tpu.vector_load %arg10[%parallel_loop3A_375, %parallel_loop3A_376] {strides = array<i32>} : memref<80x128xf32, #tpu.memory_space<vmem>>, vector<1x16xf32>,
        %parallel_loop3A_378 = vector.shape_cast %parallel_loop3A_377 : vector<1x16xf32> to vector<16xf32>
        %parallel_loop3A_379 = arith.mulf %parallel_loop3A_378, %parallel_loop3A_374 : vector<16xf32>
        %parallel_loop3A_380 = arith.index_cast %parallel_loop3A_126 : i32 to index
        %parallel_loop3A_381 = arith.constant 48 : index
        %parallel_loop3A_382 = tpu.vector_load %arg13[%parallel_loop3A_380, %parallel_loop3A_381] {strides = array<i32>} : memref<80x128xf32, #tpu.memory_space<vmem>>, vector<1x16xf32>,
        %parallel_loop3A_383 = vector.shape_cast %parallel_loop3A_382 : vector<1x16xf32> to vector<16xf32>
        %parallel_loop3A_384 = vector.shape_cast %parallel_loop3A_379 : vector<16xf32> to vector<1x16xf32>
        tpu.vector_store %arg13[%parallel_loop3A_380, %parallel_loop3A_381], %parallel_loop3A_384 {strides = array<i32>} : memref<80x128xf32, #tpu.memory_space<vmem>>, vector<1x16xf32>,
        %parallel_loop3A_385 = arith.constant 3 : i32
        %parallel_loop3A_386 = vector.broadcast %parallel_loop3A_385 : i32 to vector<16xi32>
        %parallel_loop3A_387 = arith.cmpi eq, %iota3A, %parallel_loop3A_386 : vector<16xi32>
        %parallel_loop3A_388 = arith.select %parallel_loop3A_387, %parallel_loop3A_374, %parallel_loop3A_323 : vector<16xi1>, vector<16xf32>
        %parallel_loop3A_389 = arith.index_cast %parallel_loop3A_126 : i32 to index
        %parallel_loop3A_390 = arith.constant 64 : index
        %parallel_loop3A_391 = tpu.vector_load %arg13[%parallel_loop3A_389, %parallel_loop3A_390] {strides = array<i32>} : memref<80x128xf32, #tpu.memory_space<vmem>>, vector<1x16xf32>,
        %parallel_loop3A_392 = vector.shape_cast %parallel_loop3A_391 : vector<1x16xf32> to vector<16xf32>
        %parallel_loop3A_393 = vector.shape_cast %parallel_loop3A_388 : vector<16xf32> to vector<1x16xf32>
        tpu.vector_store %arg13[%parallel_loop3A_389, %parallel_loop3A_390], %parallel_loop3A_393 {strides = array<i32>} : memref<80x128xf32, #tpu.memory_space<vmem>>, vector<1x16xf32>,
      } {sc.loop_unroll_factor = 8 : i64, sc.parallel_access}
      "tpu.region"() ({
        %run_scoped3A = tpu.sem_alloc : memref<!tpu.dma_semaphore, #tpu.memory_space<semaphore_mem>>
        %dma_start3A_126 = arith.constant 0 : i32
        %dma_start3A_127 = arith.constant 0 : i32
        %dma_start3A_128 = tpu.memref_slice %arg14[%dma_start3A_126, %dma_start3A_127] : memref<10000x128xf32, #tpu.memory_space<vmem_shared>> -> memref<10000x128xf32, #tpu.memory_space<vmem_shared>>
        tpu.enqueue_indirect_dma source(%arg13 : memref<80x128xf32, #tpu.memory_space<vmem>>) target(%dma_start3A_128 : memref<10000x128xf32, #tpu.memory_space<vmem_shared>>) offsets(%arg9 : memref<80xi32, #tpu.memory_space<vmem>>) semaphore(%run_scoped3A : memref<!tpu.dma_semaphore, #tpu.memory_space<semaphore_mem>>) {add = true}
        %dma_wait3A_129 = arith.constant 0 : i32
        %dma_wait3A_130 = arith.constant 0 : i32
        %dma_wait3A_131 = tpu.memref_slice %arg14[%dma_wait3A_129, %dma_wait3A_130] : memref<10000x128xf32, #tpu.memory_space<vmem_shared>> -> memref<10000x128xf32, #tpu.memory_space<vmem_shared>>
        tpu.wait_indirect_dma semaphore(%run_scoped3A : memref<!tpu.dma_semaphore, #tpu.memory_space<semaphore_mem>>) src(%arg13 : memref<80x128xf32, #tpu.memory_space<vmem>>) dst(%dma_wait3A_131 : memref<10000x128xf32, #tpu.memory_space<vmem_shared>>)
        tpu.yield
      }) : () -> ()
    }
    %scan3A_26 = arith.constant 250 : i32
    %barrier3A_27 = arith.constant 0 : index
    tpu.barrier barrier_id(%barrier3A_27)
    %while3A_28 = arith.constant 0 : i32
    %while3A_29 = arith.constant 0 : i32
    %while3A_30 = arith.subi %select_n3A, %while3A_29 : i32
    %while3A_31 = arith.addi %while3A_29, %while3A_30 : i32
    %while3A_32 = arith.constant 1 : i32
    %while3A_33 = arith.divsi %while3A_30, %while3A_32 : i32
    %while3A_34 = arith.muli %while3A_33, %while3A_32 : i32
    %while3A_35 = arith.addi %while3A_29, %while3A_34 : i32
    %while3A_36 = arith.constant 1 : i32
    scf.for %while3A_38 = %while3A_29 to %while3A_35 step %while3A_36  : i32 {
      %mul3A_39 = arith.constant 80 : i32
      %mul3A_40 = arith.muli %while3A_38, %mul3A_39 : i32
      %add3A = arith.addi %mul3A_0, %mul3A_40 : i32
      "tpu.region"() ({
        %run_scoped3A = tpu.sem_alloc : memref<!tpu.dma_semaphore, #tpu.memory_space<semaphore_mem>>
        %dma_start3A = arith.constant 0 : i32
        %dma_start3A_43 = tpu.memref_slice %arg14[%add3A, %dma_start3A] : memref<10000x128xf32, #tpu.memory_space<vmem_shared>> -> memref<80x128xf32, #tpu.memory_space<vmem_shared>>
        %dma_start3A_44 = arith.constant 0 : i32
        %dma_start3A_45 = tpu.memref_slice %arg14[%add3A, %dma_start3A_44] : memref<10000x128xf32, #tpu.memory_space<vmem_shared>> -> memref<80x128xf32, #tpu.memory_space<vmem_shared>>
        tpu.enqueue_dma source(%dma_start3A_45 : memref<80x128xf32, #tpu.memory_space<vmem_shared>>) target(%arg13 : memref<80x128xf32, #tpu.memory_space<vmem>>) target_semaphore(%run_scoped3A : memref<!tpu.dma_semaphore, #tpu.memory_space<semaphore_mem>>)
        %dma_wait3A = arith.constant 0 : i32
        %dma_wait3A_46 = tpu.memref_slice %arg14[%add3A, %dma_wait3A] : memref<10000x128xf32, #tpu.memory_space<vmem_shared>> -> memref<80x128xf32, #tpu.memory_space<vmem_shared>>
        %dma_wait3A_47 = arith.constant 0 : i32
        %dma_wait3A_48 = tpu.memref_slice %arg14[%add3A, %dma_wait3A_47] : memref<10000x128xf32, #tpu.memory_space<vmem_shared>> -> memref<80x128xf32, #tpu.memory_space<vmem_shared>>
        tpu.wait_dma2 semaphore(%run_scoped3A : memref<!tpu.dma_semaphore, #tpu.memory_space<semaphore_mem>>) src(%dma_wait3A_48 : memref<80x128xf32, #tpu.memory_space<vmem_shared>>) dst(%arg13 : memref<80x128xf32, #tpu.memory_space<vmem>>)
        tpu.yield
      }) : () -> ()
      %parallel_loop3A = arith.constant 0 : i32
      %parallel_loop3A_41 = arith.constant 80 : i32
      %parallel_loop3A_42 = arith.constant 1 : i32
      scf.for %parallel_loop3A_43 = %parallel_loop3A to %parallel_loop3A_41 step %parallel_loop3A_42  : i32 {
        %parallel_loop3A_44 = arith.index_cast %parallel_loop3A_43 : i32 to index
        %parallel_loop3A_45 = arith.constant 64 : index
        %parallel_loop3A_46 = tpu.vector_load %arg13[%parallel_loop3A_44, %parallel_loop3A_45] {strides = array<i32>} : memref<80x128xf32, #tpu.memory_space<vmem>>, vector<1x16xf32>,
        %parallel_loop3A_47 = vector.shape_cast %parallel_loop3A_46 : vector<1x16xf32> to vector<16xf32>
        %parallel_loop3A_48 = arith.constant 0 : i32
        %parallel_loop3A_49 = vector.broadcast %parallel_loop3A_48 : i32 to vector<16xi32>
        %parallel_loop3A_50 = vector.shape_cast %parallel_loop3A_49 : vector<16xi32> to vector<16x1xi32>
        %parallel_loop3A_51 = vector.shape_cast %parallel_loop3A_50 : vector<16x1xi32> to vector<16xi32>
        %parallel_loop3A_52 = tpu.dynamic_gather %parallel_loop3A_47[%parallel_loop3A_51] in [0] : vector<16xf32>, vector<16xi32> -> vector<16xf32>
        %parallel_loop3A_53 = arith.constant 9.99999997E-7 : f32
        %parallel_loop3A_54 = vector.broadcast %parallel_loop3A_53 : f32 to vector<16xf32>
        %parallel_loop3A_55 = arith.addf %parallel_loop3A_52, %parallel_loop3A_54 : vector<16xf32>
        %parallel_loop3A_56 = arith.index_cast %parallel_loop3A_43 : i32 to index
        %parallel_loop3A_57 = arith.constant 0 : index
        %parallel_loop3A_58 = tpu.vector_load %arg13[%parallel_loop3A_56, %parallel_loop3A_57] {strides = array<i32>} : memref<80x128xf32, #tpu.memory_space<vmem>>, vector<1x16xf32>,
        %parallel_loop3A_59 = vector.shape_cast %parallel_loop3A_58 : vector<1x16xf32> to vector<16xf32>
        %parallel_loop3A_60 = arith.divf %parallel_loop3A_59, %parallel_loop3A_55 : vector<16xf32>
        %parallel_loop3A_61 = arith.index_cast %parallel_loop3A_43 : i32 to index
        %parallel_loop3A_62 = arith.constant 0 : index
        %parallel_loop3A_63 = tpu.vector_load %arg13[%parallel_loop3A_61, %parallel_loop3A_62] {strides = array<i32>} : memref<80x128xf32, #tpu.memory_space<vmem>>, vector<1x16xf32>,
        %parallel_loop3A_64 = vector.shape_cast %parallel_loop3A_63 : vector<1x16xf32> to vector<16xf32>
        %parallel_loop3A_65 = vector.shape_cast %parallel_loop3A_60 : vector<16xf32> to vector<1x16xf32>
        tpu.vector_store %arg13[%parallel_loop3A_61, %parallel_loop3A_62], %parallel_loop3A_65 {strides = array<i32>} : memref<80x128xf32, #tpu.memory_space<vmem>>, vector<1x16xf32>,
        %parallel_loop3A_66 = arith.constant 1 : i32
        %parallel_loop3A_67 = vector.broadcast %parallel_loop3A_66 : i32 to vector<16xi32>
        %parallel_loop3A_68 = vector.shape_cast %parallel_loop3A_67 : vector<16xi32> to vector<16x1xi32>
        %parallel_loop3A_69 = vector.shape_cast %parallel_loop3A_68 : vector<16x1xi32> to vector<16xi32>
        %parallel_loop3A_70 = tpu.dynamic_gather %parallel_loop3A_47[%parallel_loop3A_69] in [0] : vector<16xf32>, vector<16xi32> -> vector<16xf32>
        %parallel_loop3A_71 = arith.constant 9.99999997E-7 : f32
        %parallel_loop3A_72 = vector.broadcast %parallel_loop3A_71 : f32 to vector<16xf32>
        %parallel_loop3A_73 = arith.addf %parallel_loop3A_70, %parallel_loop3A_72 : vector<16xf32>
        %parallel_loop3A_74 = arith.index_cast %parallel_loop3A_43 : i32 to index
        %parallel_loop3A_75 = arith.constant 16 : index
        %parallel_loop3A_76 = tpu.vector_load %arg13[%parallel_loop3A_74, %parallel_loop3A_75] {strides = array<i32>} : memref<80x128xf32, #tpu.memory_space<vmem>>, vector<1x16xf32>,
        %parallel_loop3A_77 = vector.shape_cast %parallel_loop3A_76 : vector<1x16xf32> to vector<16xf32>
        %parallel_loop3A_78 = arith.divf %parallel_loop3A_77, %parallel_loop3A_73 : vector<16xf32>
        %parallel_loop3A_79 = arith.index_cast %parallel_loop3A_43 : i32 to index
        %parallel_loop3A_80 = arith.constant 16 : index
        %parallel_loop3A_81 = tpu.vector_load %arg13[%parallel_loop3A_79, %parallel_loop3A_80] {strides = array<i32>} : memref<80x128xf32, #tpu.memory_space<vmem>>, vector<1x16xf32>,
        %parallel_loop3A_82 = vector.shape_cast %parallel_loop3A_81 : vector<1x16xf32> to vector<16xf32>
        %parallel_loop3A_83 = vector.shape_cast %parallel_loop3A_78 : vector<16xf32> to vector<1x16xf32>
        tpu.vector_store %arg13[%parallel_loop3A_79, %parallel_loop3A_80], %parallel_loop3A_83 {strides = array<i32>} : memref<80x128xf32, #tpu.memory_space<vmem>>, vector<1x16xf32>,
        %parallel_loop3A_84 = arith.constant 2 : i32
        %parallel_loop3A_85 = vector.broadcast %parallel_loop3A_84 : i32 to vector<16xi32>
        %parallel_loop3A_86 = vector.shape_cast %parallel_loop3A_85 : vector<16xi32> to vector<16x1xi32>
        %parallel_loop3A_87 = vector.shape_cast %parallel_loop3A_86 : vector<16x1xi32> to vector<16xi32>
        %parallel_loop3A_88 = tpu.dynamic_gather %parallel_loop3A_47[%parallel_loop3A_87] in [0] : vector<16xf32>, vector<16xi32> -> vector<16xf32>
        %parallel_loop3A_89 = arith.constant 9.99999997E-7 : f32
        %parallel_loop3A_90 = vector.broadcast %parallel_loop3A_89 : f32 to vector<16xf32>
        %parallel_loop3A_91 = arith.addf %parallel_loop3A_88, %parallel_loop3A_90 : vector<16xf32>
        %parallel_loop3A_92 = arith.index_cast %parallel_loop3A_43 : i32 to index
        %parallel_loop3A_93 = arith.constant 32 : index
        %parallel_loop3A_94 = tpu.vector_load %arg13[%parallel_loop3A_92, %parallel_loop3A_93] {strides = array<i32>} : memref<80x128xf32, #tpu.memory_space<vmem>>, vector<1x16xf32>,
        %parallel_loop3A_95 = vector.shape_cast %parallel_loop3A_94 : vector<1x16xf32> to vector<16xf32>
        %parallel_loop3A_96 = arith.divf %parallel_loop3A_95, %parallel_loop3A_91 : vector<16xf32>
        %parallel_loop3A_97 = arith.index_cast %parallel_loop3A_43 : i32 to index
        %parallel_loop3A_98 = arith.constant 32 : index
        %parallel_loop3A_99 = tpu.vector_load %arg13[%parallel_loop3A_97, %parallel_loop3A_98] {strides = array<i32>} : memref<80x128xf32, #tpu.memory_space<vmem>>, vector<1x16xf32>,
        %parallel_loop3A_100 = vector.shape_cast %parallel_loop3A_99 : vector<1x16xf32> to vector<16xf32>
        %parallel_loop3A_101 = vector.shape_cast %parallel_loop3A_96 : vector<16xf32> to vector<1x16xf32>
        tpu.vector_store %arg13[%parallel_loop3A_97, %parallel_loop3A_98], %parallel_loop3A_101 {strides = array<i32>} : memref<80x128xf32, #tpu.memory_space<vmem>>, vector<1x16xf32>,
        %parallel_loop3A_102 = arith.constant 3 : i32
        %parallel_loop3A_103 = vector.broadcast %parallel_loop3A_102 : i32 to vector<16xi32>
        %parallel_loop3A_104 = vector.shape_cast %parallel_loop3A_103 : vector<16xi32> to vector<16x1xi32>
        %parallel_loop3A_105 = vector.shape_cast %parallel_loop3A_104 : vector<16x1xi32> to vector<16xi32>
        %parallel_loop3A_106 = tpu.dynamic_gather %parallel_loop3A_47[%parallel_loop3A_105] in [0] : vector<16xf32>, vector<16xi32> -> vector<16xf32>
        %parallel_loop3A_107 = arith.constant 9.99999997E-7 : f32
        %parallel_loop3A_108 = vector.broadcast %parallel_loop3A_107 : f32 to vector<16xf32>
        %parallel_loop3A_109 = arith.addf %parallel_loop3A_106, %parallel_loop3A_108 : vector<16xf32>
        %parallel_loop3A_110 = arith.index_cast %parallel_loop3A_43 : i32 to index
        %parallel_loop3A_111 = arith.constant 48 : index
        %parallel_loop3A_112 = tpu.vector_load %arg13[%parallel_loop3A_110, %parallel_loop3A_111] {strides = array<i32>} : memref<80x128xf32, #tpu.memory_space<vmem>>, vector<1x16xf32>,
        %parallel_loop3A_113 = vector.shape_cast %parallel_loop3A_112 : vector<1x16xf32> to vector<16xf32>
        %parallel_loop3A_114 = arith.divf %parallel_loop3A_113, %parallel_loop3A_109 : vector<16xf32>
        %parallel_loop3A_115 = arith.index_cast %parallel_loop3A_43 : i32 to index
        %parallel_loop3A_116 = arith.constant 48 : index
        %parallel_loop3A_117 = tpu.vector_load %arg13[%parallel_loop3A_115, %parallel_loop3A_116] {strides = array<i32>} : memref<80x128xf32, #tpu.memory_space<vmem>>, vector<1x16xf32>,
        %parallel_loop3A_118 = vector.shape_cast %parallel_loop3A_117 : vector<1x16xf32> to vector<16xf32>
        %parallel_loop3A_119 = vector.shape_cast %parallel_loop3A_114 : vector<16xf32> to vector<1x16xf32>
        tpu.vector_store %arg13[%parallel_loop3A_115, %parallel_loop3A_116], %parallel_loop3A_119 {strides = array<i32>} : memref<80x128xf32, #tpu.memory_space<vmem>>, vector<1x16xf32>,
      } {sc.loop_unroll_factor = 4 : i64, sc.parallel_access}
      "tpu.region"() ({
        %run_scoped3A = tpu.sem_alloc : memref<!tpu.dma_semaphore, #tpu.memory_space<semaphore_mem>>
        %dma_start3A = arith.constant 0 : i32
        %dma_start3A_43 = tpu.memref_slice %arg7[%arg0, %add3A, %dma_start3A] : memref<2x10000x128xf32, #tpu.memory_space<hbm>> -> memref<1x80x128xf32, #tpu.memory_space<hbm>>
        %dma_start3A_44 = tpu.memref_squeeze %dma_start3A_43 : memref<1x80x128xf32, #tpu.memory_space<hbm>> -> memref<80x128xf32, #tpu.memory_space<hbm>>
        %dma_start3A_45 = arith.constant 0 : i32
        %dma_start3A_46 = tpu.memref_slice %arg7[%arg0, %add3A, %dma_start3A_45] : memref<2x10000x128xf32, #tpu.memory_space<hbm>> -> memref<1x80x128xf32, #tpu.memory_space<hbm>>
        %dma_start3A_47 = tpu.memref_squeeze %dma_start3A_46 : memref<1x80x128xf32, #tpu.memory_space<hbm>> -> memref<80x128xf32, #tpu.memory_space<hbm>>
        tpu.enqueue_dma source(%arg13 : memref<80x128xf32, #tpu.memory_space<vmem>>) target(%dma_start3A_47 : memref<80x128xf32, #tpu.memory_space<hbm>>) target_semaphore(%run_scoped3A : memref<!tpu.dma_semaphore, #tpu.memory_space<semaphore_mem>>)
        %dma_wait3A = arith.constant 0 : i32
        %dma_wait3A_48 = tpu.memref_slice %arg7[%arg0, %add3A, %dma_wait3A] : memref<2x10000x128xf32, #tpu.memory_space<hbm>> -> memref<1x80x128xf32, #tpu.memory_space<hbm>>
        %dma_wait3A_49 = tpu.memref_squeeze %dma_wait3A_48 : memref<1x80x128xf32, #tpu.memory_space<hbm>> -> memref<80x128xf32, #tpu.memory_space<hbm>>
        %dma_wait3A_50 = arith.constant 0 : i32
        %dma_wait3A_51 = tpu.memref_slice %arg7[%arg0, %add3A, %dma_wait3A_50] : memref<2x10000x128xf32, #tpu.memory_space<hbm>> -> memref<1x80x128xf32, #tpu.memory_space<hbm>>
        %dma_wait3A_52 = tpu.memref_squeeze %dma_wait3A_51 : memref<1x80x128xf32, #tpu.memory_space<hbm>> -> memref<80x128xf32, #tpu.memory_space<hbm>>
        tpu.wait_dma2 semaphore(%run_scoped3A : memref<!tpu.dma_semaphore, #tpu.memory_space<semaphore_mem>>) src(%arg13 : memref<80x128xf32, #tpu.memory_space<vmem>>) dst(%dma_wait3A_52 : memref<80x128xf32, #tpu.memory_space<hbm>>)
        tpu.yield
      }) : () -> ()
    }
    %while3A_37 = arith.constant 1 : i32
    scf.for %while3A_38 = %while3A_35 to %while3A_31 step %while3A_37  : i32 {
      %mul3A_39 = arith.constant 80 : i32
      %mul3A_40 = arith.muli %while3A_38, %mul3A_39 : i32
      %add3A = arith.addi %mul3A_0, %mul3A_40 : i32
      "tpu.region"() ({
        %run_scoped3A = tpu.sem_alloc : memref<!tpu.dma_semaphore, #tpu.memory_space<semaphore_mem>>
        %dma_start3A = arith.constant 0 : i32
        %dma_start3A_43 = tpu.memref_slice %arg14[%add3A, %dma_start3A] : memref<10000x128xf32, #tpu.memory_space<vmem_shared>> -> memref<80x128xf32, #tpu.memory_space<vmem_shared>>
        %dma_start3A_44 = arith.constant 0 : i32
        %dma_start3A_45 = tpu.memref_slice %arg14[%add3A, %dma_start3A_44] : memref<10000x128xf32, #tpu.memory_space<vmem_shared>> -> memref<80x128xf32, #tpu.memory_space<vmem_shared>>
        tpu.enqueue_dma source(%dma_start3A_45 : memref<80x128xf32, #tpu.memory_space<vmem_shared>>) target(%arg13 : memref<80x128xf32, #tpu.memory_space<vmem>>) target_semaphore(%run_scoped3A : memref<!tpu.dma_semaphore, #tpu.memory_space<semaphore_mem>>)
        %dma_wait3A = arith.constant 0 : i32
        %dma_wait3A_46 = tpu.memref_slice %arg14[%add3A, %dma_wait3A] : memref<10000x128xf32, #tpu.memory_space<vmem_shared>> -> memref<80x128xf32, #tpu.memory_space<vmem_shared>>
        %dma_wait3A_47 = arith.constant 0 : i32
        %dma_wait3A_48 = tpu.memref_slice %arg14[%add3A, %dma_wait3A_47] : memref<10000x128xf32, #tpu.memory_space<vmem_shared>> -> memref<80x128xf32, #tpu.memory_space<vmem_shared>>
        tpu.wait_dma2 semaphore(%run_scoped3A : memref<!tpu.dma_semaphore, #tpu.memory_space<semaphore_mem>>) src(%dma_wait3A_48 : memref<80x128xf32, #tpu.memory_space<vmem_shared>>) dst(%arg13 : memref<80x128xf32, #tpu.memory_space<vmem>>)
        tpu.yield
      }) : () -> ()
      %parallel_loop3A = arith.constant 0 : i32
      %parallel_loop3A_41 = arith.constant 80 : i32
      %parallel_loop3A_42 = arith.constant 1 : i32
      scf.for %parallel_loop3A_43 = %parallel_loop3A to %parallel_loop3A_41 step %parallel_loop3A_42  : i32 {
        %parallel_loop3A_44 = arith.index_cast %parallel_loop3A_43 : i32 to index
        %parallel_loop3A_45 = arith.constant 64 : index
        %parallel_loop3A_46 = tpu.vector_load %arg13[%parallel_loop3A_44, %parallel_loop3A_45] {strides = array<i32>} : memref<80x128xf32, #tpu.memory_space<vmem>>, vector<1x16xf32>,
        %parallel_loop3A_47 = vector.shape_cast %parallel_loop3A_46 : vector<1x16xf32> to vector<16xf32>
        %parallel_loop3A_48 = arith.constant 0 : i32
        %parallel_loop3A_49 = vector.broadcast %parallel_loop3A_48 : i32 to vector<16xi32>
        %parallel_loop3A_50 = vector.shape_cast %parallel_loop3A_49 : vector<16xi32> to vector<16x1xi32>
        %parallel_loop3A_51 = vector.shape_cast %parallel_loop3A_50 : vector<16x1xi32> to vector<16xi32>
        %parallel_loop3A_52 = tpu.dynamic_gather %parallel_loop3A_47[%parallel_loop3A_51] in [0] : vector<16xf32>, vector<16xi32> -> vector<16xf32>
        %parallel_loop3A_53 = arith.constant 9.99999997E-7 : f32
        %parallel_loop3A_54 = vector.broadcast %parallel_loop3A_53 : f32 to vector<16xf32>
        %parallel_loop3A_55 = arith.addf %parallel_loop3A_52, %parallel_loop3A_54 : vector<16xf32>
        %parallel_loop3A_56 = arith.index_cast %parallel_loop3A_43 : i32 to index
        %parallel_loop3A_57 = arith.constant 0 : index
        %parallel_loop3A_58 = tpu.vector_load %arg13[%parallel_loop3A_56, %parallel_loop3A_57] {strides = array<i32>} : memref<80x128xf32, #tpu.memory_space<vmem>>, vector<1x16xf32>,
        %parallel_loop3A_59 = vector.shape_cast %parallel_loop3A_58 : vector<1x16xf32> to vector<16xf32>
        %parallel_loop3A_60 = arith.divf %parallel_loop3A_59, %parallel_loop3A_55 : vector<16xf32>
        %parallel_loop3A_61 = arith.index_cast %parallel_loop3A_43 : i32 to index
        %parallel_loop3A_62 = arith.constant 0 : index
        %parallel_loop3A_63 = tpu.vector_load %arg13[%parallel_loop3A_61, %parallel_loop3A_62] {strides = array<i32>} : memref<80x128xf32, #tpu.memory_space<vmem>>, vector<1x16xf32>,
        %parallel_loop3A_64 = vector.shape_cast %parallel_loop3A_63 : vector<1x16xf32> to vector<16xf32>
        %parallel_loop3A_65 = vector.shape_cast %parallel_loop3A_60 : vector<16xf32> to vector<1x16xf32>
        tpu.vector_store %arg13[%parallel_loop3A_61, %parallel_loop3A_62], %parallel_loop3A_65 {strides = array<i32>} : memref<80x128xf32, #tpu.memory_space<vmem>>, vector<1x16xf32>,
        %parallel_loop3A_66 = arith.constant 1 : i32
        %parallel_loop3A_67 = vector.broadcast %parallel_loop3A_66 : i32 to vector<16xi32>
        %parallel_loop3A_68 = vector.shape_cast %parallel_loop3A_67 : vector<16xi32> to vector<16x1xi32>
        %parallel_loop3A_69 = vector.shape_cast %parallel_loop3A_68 : vector<16x1xi32> to vector<16xi32>
        %parallel_loop3A_70 = tpu.dynamic_gather %parallel_loop3A_47[%parallel_loop3A_69] in [0] : vector<16xf32>, vector<16xi32> -> vector<16xf32>
        %parallel_loop3A_71 = arith.constant 9.99999997E-7 : f32
        %parallel_loop3A_72 = vector.broadcast %parallel_loop3A_71 : f32 to vector<16xf32>
        %parallel_loop3A_73 = arith.addf %parallel_loop3A_70, %parallel_loop3A_72 : vector<16xf32>
        %parallel_loop3A_74 = arith.index_cast %parallel_loop3A_43 : i32 to index
        %parallel_loop3A_75 = arith.constant 16 : index
        %parallel_loop3A_76 = tpu.vector_load %arg13[%parallel_loop3A_74, %parallel_loop3A_75] {strides = array<i32>} : memref<80x128xf32, #tpu.memory_space<vmem>>, vector<1x16xf32>,
        %parallel_loop3A_77 = vector.shape_cast %parallel_loop3A_76 : vector<1x16xf32> to vector<16xf32>
        %parallel_loop3A_78 = arith.divf %parallel_loop3A_77, %parallel_loop3A_73 : vector<16xf32>
        %parallel_loop3A_79 = arith.index_cast %parallel_loop3A_43 : i32 to index
        %parallel_loop3A_80 = arith.constant 16 : index
        %parallel_loop3A_81 = tpu.vector_load %arg13[%parallel_loop3A_79, %parallel_loop3A_80] {strides = array<i32>} : memref<80x128xf32, #tpu.memory_space<vmem>>, vector<1x16xf32>,
        %parallel_loop3A_82 = vector.shape_cast %parallel_loop3A_81 : vector<1x16xf32> to vector<16xf32>
        %parallel_loop3A_83 = vector.shape_cast %parallel_loop3A_78 : vector<16xf32> to vector<1x16xf32>
        tpu.vector_store %arg13[%parallel_loop3A_79, %parallel_loop3A_80], %parallel_loop3A_83 {strides = array<i32>} : memref<80x128xf32, #tpu.memory_space<vmem>>, vector<1x16xf32>,
        %parallel_loop3A_84 = arith.constant 2 : i32
        %parallel_loop3A_85 = vector.broadcast %parallel_loop3A_84 : i32 to vector<16xi32>
        %parallel_loop3A_86 = vector.shape_cast %parallel_loop3A_85 : vector<16xi32> to vector<16x1xi32>
        %parallel_loop3A_87 = vector.shape_cast %parallel_loop3A_86 : vector<16x1xi32> to vector<16xi32>
        %parallel_loop3A_88 = tpu.dynamic_gather %parallel_loop3A_47[%parallel_loop3A_87] in [0] : vector<16xf32>, vector<16xi32> -> vector<16xf32>
        %parallel_loop3A_89 = arith.constant 9.99999997E-7 : f32
        %parallel_loop3A_90 = vector.broadcast %parallel_loop3A_89 : f32 to vector<16xf32>
        %parallel_loop3A_91 = arith.addf %parallel_loop3A_88, %parallel_loop3A_90 : vector<16xf32>
        %parallel_loop3A_92 = arith.index_cast %parallel_loop3A_43 : i32 to index
        %parallel_loop3A_93 = arith.constant 32 : index
        %parallel_loop3A_94 = tpu.vector_load %arg13[%parallel_loop3A_92, %parallel_loop3A_93] {strides = array<i32>} : memref<80x128xf32, #tpu.memory_space<vmem>>, vector<1x16xf32>,
        %parallel_loop3A_95 = vector.shape_cast %parallel_loop3A_94 : vector<1x16xf32> to vector<16xf32>
        %parallel_loop3A_96 = arith.divf %parallel_loop3A_95, %parallel_loop3A_91 : vector<16xf32>
        %parallel_loop3A_97 = arith.index_cast %parallel_loop3A_43 : i32 to index
        %parallel_loop3A_98 = arith.constant 32 : index
        %parallel_loop3A_99 = tpu.vector_load %arg13[%parallel_loop3A_97, %parallel_loop3A_98] {strides = array<i32>} : memref<80x128xf32, #tpu.memory_space<vmem>>, vector<1x16xf32>,
        %parallel_loop3A_100 = vector.shape_cast %parallel_loop3A_99 : vector<1x16xf32> to vector<16xf32>
        %parallel_loop3A_101 = vector.shape_cast %parallel_loop3A_96 : vector<16xf32> to vector<1x16xf32>
        tpu.vector_store %arg13[%parallel_loop3A_97, %parallel_loop3A_98], %parallel_loop3A_101 {strides = array<i32>} : memref<80x128xf32, #tpu.memory_space<vmem>>, vector<1x16xf32>,
        %parallel_loop3A_102 = arith.constant 3 : i32
        %parallel_loop3A_103 = vector.broadcast %parallel_loop3A_102 : i32 to vector<16xi32>
        %parallel_loop3A_104 = vector.shape_cast %parallel_loop3A_103 : vector<16xi32> to vector<16x1xi32>
        %parallel_loop3A_105 = vector.shape_cast %parallel_loop3A_104 : vector<16x1xi32> to vector<16xi32>
        %parallel_loop3A_106 = tpu.dynamic_gather %parallel_loop3A_47[%parallel_loop3A_105] in [0] : vector<16xf32>, vector<16xi32> -> vector<16xf32>
        %parallel_loop3A_107 = arith.constant 9.99999997E-7 : f32
        %parallel_loop3A_108 = vector.broadcast %parallel_loop3A_107 : f32 to vector<16xf32>
        %parallel_loop3A_109 = arith.addf %parallel_loop3A_106, %parallel_loop3A_108 : vector<16xf32>
        %parallel_loop3A_110 = arith.index_cast %parallel_loop3A_43 : i32 to index
        %parallel_loop3A_111 = arith.constant 48 : index
        %parallel_loop3A_112 = tpu.vector_load %arg13[%parallel_loop3A_110, %parallel_loop3A_111] {strides = array<i32>} : memref<80x128xf32, #tpu.memory_space<vmem>>, vector<1x16xf32>,
        %parallel_loop3A_113 = vector.shape_cast %parallel_loop3A_112 : vector<1x16xf32> to vector<16xf32>
        %parallel_loop3A_114 = arith.divf %parallel_loop3A_113, %parallel_loop3A_109 : vector<16xf32>
        %parallel_loop3A_115 = arith.index_cast %parallel_loop3A_43 : i32 to index
        %parallel_loop3A_116 = arith.constant 48 : index
        %parallel_loop3A_117 = tpu.vector_load %arg13[%parallel_loop3A_115, %parallel_loop3A_116] {strides = array<i32>} : memref<80x128xf32, #tpu.memory_space<vmem>>, vector<1x16xf32>,
        %parallel_loop3A_118 = vector.shape_cast %parallel_loop3A_117 : vector<1x16xf32> to vector<16xf32>
        %parallel_loop3A_119 = vector.shape_cast %parallel_loop3A_114 : vector<16xf32> to vector<1x16xf32>
        tpu.vector_store %arg13[%parallel_loop3A_115, %parallel_loop3A_116], %parallel_loop3A_119 {strides = array<i32>} : memref<80x128xf32, #tpu.memory_space<vmem>>, vector<1x16xf32>,
      } {sc.loop_unroll_factor = 4 : i64, sc.parallel_access}
      "tpu.region"() ({
        %run_scoped3A = tpu.sem_alloc : memref<!tpu.dma_semaphore, #tpu.memory_space<semaphore_mem>>
        %dma_start3A = arith.constant 0 : i32
        %dma_start3A_43 = tpu.memref_slice %arg7[%arg0, %add3A, %dma_start3A] : memref<2x10000x128xf32, #tpu.memory_space<hbm>> -> memref<1x80x128xf32, #tpu.memory_space<hbm>>
        %dma_start3A_44 = tpu.memref_squeeze %dma_start3A_43 : memref<1x80x128xf32, #tpu.memory_space<hbm>> -> memref<80x128xf32, #tpu.memory_space<hbm>>
        %dma_start3A_45 = arith.constant 0 : i32
        %dma_start3A_46 = tpu.memref_slice %arg7[%arg0, %add3A, %dma_start3A_45] : memref<2x10000x128xf32, #tpu.memory_space<hbm>> -> memref<1x80x128xf32, #tpu.memory_space<hbm>>
        %dma_start3A_47 = tpu.memref_squeeze %dma_start3A_46 : memref<1x80x128xf32, #tpu.memory_space<hbm>> -> memref<80x128xf32, #tpu.memory_space<hbm>>
        tpu.enqueue_dma source(%arg13 : memref<80x128xf32, #tpu.memory_space<vmem>>) target(%dma_start3A_47 : memref<80x128xf32, #tpu.memory_space<hbm>>) target_semaphore(%run_scoped3A : memref<!tpu.dma_semaphore, #tpu.memory_space<semaphore_mem>>)
        %dma_wait3A = arith.constant 0 : i32
        %dma_wait3A_48 = tpu.memref_slice %arg7[%arg0, %add3A, %dma_wait3A] : memref<2x10000x128xf32, #tpu.memory_space<hbm>> -> memref<1x80x128xf32, #tpu.memory_space<hbm>>
        %dma_wait3A_49 = tpu.memref_squeeze %dma_wait3A_48 : memref<1x80x128xf32, #tpu.memory_space<hbm>> -> memref<80x128xf32, #tpu.memory_space<hbm>>
        %dma_wait3A_50 = arith.constant 0 : i32
        %dma_wait3A_51 = tpu.memref_slice %arg7[%arg0, %add3A, %dma_wait3A_50] : memref<2x10000x128xf32, #tpu.memory_space<hbm>> -> memref<1x80x128xf32, #tpu.memory_space<hbm>>
        %dma_wait3A_52 = tpu.memref_squeeze %dma_wait3A_51 : memref<1x80x128xf32, #tpu.memory_space<hbm>> -> memref<80x128xf32, #tpu.memory_space<hbm>>
        tpu.wait_dma2 semaphore(%run_scoped3A : memref<!tpu.dma_semaphore, #tpu.memory_space<semaphore_mem>>) src(%arg13 : memref<80x128xf32, #tpu.memory_space<vmem>>) dst(%dma_wait3A_52 : memref<80x128xf32, #tpu.memory_space<hbm>>)
        tpu.yield
      }) : () -> ()
    }
    return
  }
}

module attributes {stable_mosaic.version = 14 : i64} {
  func.func @_e_body(%arg0: i32, %arg1: memref<512x128xf32, #tpu.memory_space<vmem>>, %arg2: memref<128x128xf32, #tpu.memory_space<vmem>>, %arg3: memref<512x128xf32, #tpu.memory_space<vmem>>) attributes {dimension_semantics = [#tpu.dimension_semantics<arbitrary>], iteration_bounds = array<i64: 625>, scalar_prefetch = 0 : i64, scratch_operands = 0 : i64, tpu.core_type = #tpu.core_type<tc>, window_params = [{transform_indices = @transform_0, window_bounds = array<i64: 512, 128>}, {pipeline_mode = #tpu.pipeline_mode<synchronous>, transform_indices = @transform_1, window_bounds = array<i64: 128, 128>}, {transform_indices = @transform_2, window_bounds = array<i64: 512, 128>}]} {
    %get3A = arith.constant 0 : index
    %get3A_0 = arith.constant 0 : index
    %get3A_1 = vector.load %arg1[%get3A, %get3A_0] : memref<512x128xf32, #tpu.memory_space<vmem>>, vector<512x128xf32>
    %get3A_2 = arith.constant 0 : index
    %get3A_3 = arith.constant 0 : index
    %get3A_4 = vector.load %arg2[%get3A_2, %get3A_3] : memref<128x128xf32, #tpu.memory_space<vmem>>, vector<128x128xf32>
    %dot_general3A = arith.constant dense<0.000000e+00> : vector<512x128xf32>
    %dot_general3A_5 = tpu.matmul %get3A_1, %get3A_4, %dot_general3A {dimension_numbers = #tpu.dot_dimension_numbers<[1], [1], [0], [0], [0, 0, 1, 0], [], []>, transpose_lhs_hint = false} : vector<512x128xf32>, vector<128x128xf32>, vector<512x128xf32> -> vector<512x128xf32>
    %swap3A = arith.constant 0 : index
    %swap3A_6 = arith.constant 0 : index
    %swap3A_7 = vector.load %arg3[%swap3A, %swap3A_6] : memref<512x128xf32, #tpu.memory_space<vmem>>, vector<512x128xf32>
    tpu.vector_store %arg3[%swap3A, %swap3A_6], %dot_general3A_5 {strides = array<i32>} : memref<512x128xf32, #tpu.memory_space<vmem>>, vector<512x128xf32>,
    return
  }
  func.func @transform_0(%arg0: i32) -> (i32, i32) {
    %c0_i32 = arith.constant 0 : i32
    %c0_i32_0 = arith.constant 0 : i32
    return %arg0, %c0_i32 : i32, i32
  }
  func.func @transform_1(%arg0: i32) -> (i32, i32) {
    %c0_i32 = arith.constant 0 : i32
    %c0_i32_0 = arith.constant 0 : i32
    %c0_i32_1 = arith.constant 0 : i32
    return %c0_i32, %c0_i32_0 : i32, i32
  }
  func.func @transform_2(%arg0: i32) -> (i32, i32) {
    %c0_i32 = arith.constant 0 : i32
    %c0_i32_0 = arith.constant 0 : i32
    return %arg0, %c0_i32 : i32, i32
  }
}

module attributes {stable_mosaic.version = 14 : i64} {
  func.func @_qkv_body(%arg0: i32, %arg1: memref<10000x128xf32, #tpu.memory_space<vmem>>, %arg2: memref<10000x128xf32, #tpu.memory_space<vmem>>, %arg3: memref<128x128xf32, #tpu.memory_space<vmem>>, %arg4: memref<1x64x128xf32, #tpu.memory_space<vmem>>, %arg5: memref<1x64x128xf32, #tpu.memory_space<vmem>>, %arg6: memref<10000x128xf32, #tpu.memory_space<vmem>>, %arg7: memref<1x10000x128xf32, #tpu.memory_space<vmem>>) attributes {dimension_semantics = [#tpu.dimension_semantics<arbitrary>], iteration_bounds = array<i64: 2>, scalar_prefetch = 0 : i64, scratch_operands = 0 : i64, tpu.core_type = #tpu.core_type<tc>, window_params = [{pipeline_mode = #tpu.pipeline_mode<synchronous>, transform_indices = @transform_0, window_bounds = array<i64: 10000, 128>}, {pipeline_mode = #tpu.pipeline_mode<synchronous>, transform_indices = @transform_1, window_bounds = array<i64: 10000, 128>}, {pipeline_mode = #tpu.pipeline_mode<synchronous>, transform_indices = @transform_2, window_bounds = array<i64: 128, 128>}, {transform_indices = @transform_3, window_bounds = array<i64: 1, 64, 128>}, {transform_indices = @transform_4, window_bounds = array<i64: 1, 64, 128>}, {pipeline_mode = #tpu.pipeline_mode<synchronous>, transform_indices = @transform_5, window_bounds = array<i64: 10000, 128>}, {transform_indices = @transform_6, window_bounds = array<i64: 1, 10000, 128>}]} {
    %get3A = arith.constant 0 : index
    %get3A_0 = arith.constant 0 : index
    %get3A_1 = vector.load %arg1[%get3A, %get3A_0] : memref<10000x128xf32, #tpu.memory_space<vmem>>, vector<10000x128xf32>
    %get3A_2 = arith.constant 0 : index
    %get3A_3 = arith.constant 0 : index
    %get3A_4 = vector.load %arg2[%get3A_2, %get3A_3] : memref<10000x128xf32, #tpu.memory_space<vmem>>, vector<10000x128xf32>
    %get3A_5 = arith.constant 0 : index
    %get3A_6 = arith.constant 0 : index
    %get3A_7 = vector.load %arg3[%get3A_5, %get3A_6] : memref<128x128xf32, #tpu.memory_space<vmem>>, vector<128x128xf32>
    %dot_general3A = arith.constant dense<0.000000e+00> : vector<10000x128xf32>
    %dot_general3A_8 = tpu.matmul %get3A_1, %get3A_7, %dot_general3A {dimension_numbers = #tpu.dot_dimension_numbers<[1], [1], [0], [0], [0, 0, 1, 0], [], []>, transpose_lhs_hint = false} : vector<10000x128xf32>, vector<128x128xf32>, vector<10000x128xf32> -> vector<10000x128xf32>
    %swap3A = arith.constant 0 : index
    %swap3A_9 = arith.constant 0 : index
    %swap3A_10 = vector.load %arg6[%swap3A, %swap3A_9] : memref<10000x128xf32, #tpu.memory_space<vmem>>, vector<10000x128xf32>
    tpu.vector_store %arg6[%swap3A, %swap3A_9], %dot_general3A_8 {strides = array<i32>} : memref<10000x128xf32, #tpu.memory_space<vmem>>, vector<10000x128xf32>,
    %get3A_11 = arith.constant 0 : index
    %get3A_12 = arith.constant 0 : index
    %get3A_13 = arith.constant 0 : index
    %get3A_14 = vector.load %arg4[%get3A_11, %get3A_12, %get3A_13] : memref<1x64x128xf32, #tpu.memory_space<vmem>>, vector<1x64x128xf32>
    %get3A_15 = vector.shape_cast %get3A_14 : vector<1x64x128xf32> to vector<64x128xf32>
    %dot_general3A_16 = arith.constant dense<0.000000e+00> : vector<10000x64xf32>
    %dot_general3A_17 = tpu.matmul %get3A_1, %get3A_15, %dot_general3A_16 {dimension_numbers = #tpu.dot_dimension_numbers<[1], [1], [0], [0], [0, 0, 1, 0], [], []>, transpose_lhs_hint = false} : vector<10000x128xf32>, vector<64x128xf32>, vector<10000x64xf32> -> vector<10000x64xf32>
    %get3A_18 = arith.constant 0 : index
    %get3A_19 = arith.constant 0 : index
    %get3A_20 = arith.constant 0 : index
    %get3A_21 = vector.load %arg5[%get3A_18, %get3A_19, %get3A_20] : memref<1x64x128xf32, #tpu.memory_space<vmem>>, vector<1x64x128xf32>
    %get3A_22 = vector.shape_cast %get3A_21 : vector<1x64x128xf32> to vector<64x128xf32>
    %dot_general3A_23 = arith.constant dense<0.000000e+00> : vector<10000x64xf32>
    %dot_general3A_24 = tpu.matmul %get3A_4, %get3A_22, %dot_general3A_23 {dimension_numbers = #tpu.dot_dimension_numbers<[1], [1], [0], [0], [0, 0, 1, 0], [], []>, transpose_lhs_hint = false} : vector<10000x128xf32>, vector<64x128xf32>, vector<10000x64xf32> -> vector<10000x64xf32>
    %concatenate3A = tpu.concatenate %dot_general3A_17, %dot_general3A_24 in 1 : vector<10000x64xf32>, vector<10000x64xf32> -> vector<10000x128xf32>
    %broadcast_in_dim3A = vector.shape_cast %concatenate3A : vector<10000x128xf32> to vector<1x10000x128xf32>
    %swap3A_25 = arith.constant 0 : index
    %swap3A_26 = arith.constant 0 : index
    %swap3A_27 = arith.constant 0 : index
    %swap3A_28 = vector.load %arg7[%swap3A_25, %swap3A_26, %swap3A_27] : memref<1x10000x128xf32, #tpu.memory_space<vmem>>, vector<1x10000x128xf32>
    tpu.vector_store %arg7[%swap3A_25, %swap3A_26, %swap3A_27], %broadcast_in_dim3A {strides = array<i32>} : memref<1x10000x128xf32, #tpu.memory_space<vmem>>, vector<1x10000x128xf32>,
    return
  }
  func.func @transform_0(%arg0: i32) -> (i32, i32) {
    %c0_i32 = arith.constant 0 : i32
    %c0_i32_0 = arith.constant 0 : i32
    %c0_i32_1 = arith.constant 0 : i32
    return %c0_i32, %c0_i32_0 : i32, i32
  }
  func.func @transform_1(%arg0: i32) -> (i32, i32) {
    %c0_i32 = arith.constant 0 : i32
    %c0_i32_0 = arith.constant 0 : i32
    %c0_i32_1 = arith.constant 0 : i32
    return %c0_i32, %c0_i32_0 : i32, i32
  }
  func.func @transform_2(%arg0: i32) -> (i32, i32) {
    %c0_i32 = arith.constant 0 : i32
    %c0_i32_0 = arith.constant 0 : i32
    %c0_i32_1 = arith.constant 0 : i32
    return %c0_i32, %c0_i32_0 : i32, i32
  }
  func.func @transform_3(%arg0: i32) -> (i32, i32, i32) {
    %c0_i32 = arith.constant 0 : i32
    %c0_i32_0 = arith.constant 0 : i32
    %c0_i32_1 = arith.constant 0 : i32
    return %arg0, %c0_i32, %c0_i32_0 : i32, i32, i32
  }
  func.func @transform_4(%arg0: i32) -> (i32, i32, i32) {
    %c0_i32 = arith.constant 0 : i32
    %c0_i32_0 = arith.constant 0 : i32
    %c0_i32_1 = arith.constant 0 : i32
    return %arg0, %c0_i32, %c0_i32_0 : i32, i32, i32
  }
  func.func @transform_5(%arg0: i32) -> (i32, i32) {
    %c0_i32 = arith.constant 0 : i32
    %c0_i32_0 = arith.constant 0 : i32
    %c0_i32_1 = arith.constant 0 : i32
    return %c0_i32, %c0_i32_0 : i32, i32
  }
  func.func @transform_6(%arg0: i32) -> (i32, i32, i32) {
    %c0_i32 = arith.constant 0 : i32
    %c0_i32_0 = arith.constant 0 : i32
    %c0_i32_1 = arith.constant 0 : i32
    return %arg0, %c0_i32, %c0_i32_0 : i32, i32, i32
  }
}

</mosaic_0001>

<sc_bundles>
// kernel: kernel.5.cloned.1.call-start
scs
__scs_entry_jumppad:
0x0: {  	(pc) =	sbr.rel $0x88, $3  }
0x1: {  	(tag) =	ssettag $0x0;
	lr =	simm.s32 $0x1  }
0x2: {  	[smem:$0x3F99] =	sst lr;
	_ =	strace $0xD0000000  }
0x3: {  	_ = 	snop  }
0x4: {  	_ = 	snop  }
0x5: {  	_ = 	snop  }
0x6: {  	_ = 	snop  }
0x7: {  	_ = 	snop  }
__scs_overlays_trampoline_lowered:
0x8: {  	[smem:$0x3FA8] =	sst s0  }
0x9: {  	[smem:$0x3FA9] =	sst s1  }
0xa: {  	[smem:$0x3FAA] =	sst s2  }
0xb: {  	[smem:$0x3FAB] =	sst s3  }
0xc: {  	[smem:$0x3FAC] =	sst s4  }
0xd: {  	[smem:$0x3FAD] =	sst s5  }
0xe: {  	[smem:$0x3FAE] =	sst s6  }
0xf: {  	[smem:$0x3FAF] =	sst s7  }
0x10: {  	[smem:$0x3FB0] =	sst s8  }
0x11: {  	[smem:$0x3FB1] =	sst s9;
	s0 =	simm.s32 @!p0 $0x0  }
0x12: {  	s1 =	sld [smem:$0x3F97];
	s0 =	simm.s32 @p0 $0x1  }
0x13: {  	[smem:$0x3FB2] =	sst s0;
	s0 =	simm.s32 @!p1 $0x0  }
0x14: {  	s2 =	sld [smem:$0x3F96];
	s0 =	simm.s32 @p1 $0x1  }
0x15: {  	[smem:$0x3FB3] =	sst s0;
	s0 =	simm.s32 @!p2 $0x0  }
0x16: {  	s3 =	sld [smem:$0x3FDB];
	s0 =	simm.s32 @p2 $0x1  }
0x17: {  	s4 =	simm.s32 $0x1BF5;
	[smem:$0x3FB5] =	sst s0  }
0x18: {  	s0 =	sld [smem:$0x3F98];
	_ =	swait.ge [sflag:s4], $0x0  }
0x19: {  	s7 =	sld [smem:$0x3F99]  }
0x1a: {  	s8 =	sadd.s32 $0xFFFFE003, lr  }
0x1b: {  	s9 =	sadd.s32 $0xFFFFFEF7, lr;
	s5 =	simm.s32 $0xFFFFFFFF;
	p2 =	slt.u32 s8, $0xFFFFF086  }
0x1c: {  	p1 =	slt.u32 s9, $0xF7A;
	s5 =	simm.s32 @!p2 $0x0  }
0x1d: {  	s5 =	simm.s32 @p1 $0x1;
	p0 =	seq.s32 s7, s2  }
0x1e: {  	s7 =	smul.u32 @!p0 $0xF7A, s2;
	p2 =	seq.s32 @!p0 s5, $0x0  }
0x1f: {  	s9 =	smul.u32 $0xF7A, s1;
	s8 =	simm.s32 @!p0 $0x1BF5;
	p2 =	por !p2, p0  }
0x20: {  	[sflag:s8] =	ssyncset.s32 @!p0 $0xFFFFF086;
	s6 =	sadd.s32 @!p0 s3, s7;
	s7 =	simm.s32 @!p0 $0x108  }
0x21: {  	s3 =	sadd.s32 s3, s9;
	s6 =	sadd.s32 @!p0 $0x88, s6;
	s7 =	simm.s32 @p2 $0x1082  }
0x22: {  	[simem:s7], [sflag:s8] =	dma.local @!p0 [hbm:s6], $0xF7A  }
0x23: {  	s9 =	sor.u32 $0xD0000000, s2;
	s6 =	simm.s32 $0x108;
	_ =	swait.ge @!p0 [sflag:s8], $0x0  }
0x24: {  	s3 =	sadd.s32 $0x88, s3;
	s6 =	simm.s32 @!p1 $0x1082;
	[sflag:s4] =	ssyncset.s32 $0xFFFFF086  }
0x25: {  	[simem:s6], [sflag:s4] =	dma.local [hbm:s3], $0xF7A  }
0x26: {  	[smem:$0x3F99] =	sst s1;
	(tag) =	ssettag s2;
	_ =	strace s9  }
0x27: {  	s1 =	sld [smem:$0x3FA9]  }
0x28: {  	s2 =	sld [smem:$0x3FAA]  }
0x29: {  	s4 =	sld [smem:$0x3FAC]  }
0x2a: {  	p0 =	seq.s32 s5, $0x0;
	s5 =	sld [smem:$0x3FAD]  }
0x2b: {  	s6 =	sld [smem:$0x3FAE]  }
0x2c: {  	s7 =	sld [smem:$0x3FAF]  }
0x2d: {  	s3 =	simm.s32 $0x108;
	s8 =	sld [smem:$0x3FB0]  }
0x2e: {  	s3 =	simm.s32 @!p0 $0x1082;
	s9 =	sld [smem:$0x3FB1]  }
0x2f: {  	lr =	sadd.s32 s0, s3;
	s0 =	sld [smem:$0x3FA8]  }
0x30: {  	s3 =	sld [smem:$0x3FAB]  }
0x31: {  	[smem:$0x3FB4] =	sst s10  }
0x32: {  	s10 =	sld [smem:$0x3FB2];
	_ =	sdelay $0x3  }
0x33: {  	p0 =	seq.s32 s10, $0x1;
	s10 =	sld [smem:$0x3FB4];
	_ =	sdelay $0x3  }
0x34: {  	[smem:$0x3FB4] =	sst s10  }
0x35: {  	s10 =	sld [smem:$0x3FB3];
	_ =	sdelay $0x3  }
0x36: {  	p1 =	seq.s32 s10, $0x1;
	s10 =	sld [smem:$0x3FB4];
	_ =	sdelay $0x3  }
0x37: {  	[smem:$0x3FB4] =	sst s10  }
0x38: {  	s10 =	sld [smem:$0x3FB5]  }
0x39: {  	_ = 	snop;
	(pc) =	sbr.ind lr, $3  }
0x3a: {  	_ = 	snop  }
0x3b: {  	_ = 	snop  }
0x3c: {  	p2 =	seq.s32 s10, $0x1;
	s10 =	sld [smem:$0x3FB4]  }
0x3d: {  	_ =	shalt  }
0x3e: {  	_ =	shalt  }
0x3f: {  	_ =	shalt  }
0x40: {  	_ =	shalt  }
0x41: {  	_ =	shalt  }
0x42: {  	_ =	shalt  }
0x43: {  	_ =	shalt  }
0x44: {  	_ =	shalt  }
0x45: {  	_ =	shalt  }
0x46: {  	_ =	shalt  }
0x47: {  	_ =	shalt  }
0x48: {  	_ =	shalt  }
0x49: {  	_ =	shalt  }
0x4a: {  	_ =	shalt  }
0x4b: {  	_ =	shalt  }
0x4c: {  	_ =	shalt  }
0x4d: {  	_ =	shalt  }
0x4e: {  	_ =	shalt  }
0x4f: {  	_ =	shalt  }
0x50: {  	_ =	shalt  }
0x51: {  	_ =	shalt  }
0x52: {  	_ =	shalt  }
0x53: {  	_ =	shalt  }
0x54: {  	_ =	shalt  }
0x55: {  	_ =	shalt  }
0x56: {  	_ =	shalt  }
0x57: {  	_ =	shalt  }
0x58: {  	_ =	shalt  }
0x59: {  	_ =	shalt  }
0x5a: {  	_ =	shalt  }
0x5b: {  	_ =	shalt  }
0x5c: {  	_ =	shalt  }
0x5d: {  	_ =	shalt  }
0x5e: {  	_ =	shalt  }
0x5f: {  	_ =	shalt  }
0x60: {  	_ =	shalt  }
0x61: {  	_ =	shalt  }
0x62: {  	_ =	shalt  }
0x63: {  	_ =	shalt  }
0x64: {  	_ =	shalt  }
0x65: {  	_ =	shalt  }
0x66: {  	_ =	shalt  }
0x67: {  	_ =	shalt  }
0x68: {  	_ =	shalt  }
0x69: {  	_ =	shalt  }
0x6a: {  	_ =	shalt  }
0x6b: {  	_ =	shalt  }
0x6c: {  	_ =	shalt  }
0x6d: {  	_ =	shalt  }
0x6e: {  	_ =	shalt  }
0x6f: {  	_ =	shalt  }
0x70: {  	_ =	shalt  }
0x71: {  	_ =	shalt  }
0x72: {  	_ =	shalt  }
0x73: {  	_ =	shalt  }
0x74: {  	_ =	shalt  }
0x75: {  	_ =	shalt  }
0x76: {  	_ =	shalt  }
0x77: {  	_ =	shalt  }
0x78: {  	_ =	shalt  }
0x79: {  	_ =	shalt  }
0x7a: {  	_ =	shalt  }
0x7b: {  	_ =	shalt  }
0x7c: {  	_ =	shalt  }
0x7d: {  	_ =	shalt  }
0x7e: {  	_ =	shalt  }
0x7f: {  	_ =	shalt  }
0x80: {  	_ =	shalt  }
0x81: {  	_ =	shalt  }
0x82: {  	_ =	shalt  }
0x83: {  	_ =	shalt  }
0x84: {  	_ =	shalt  }
0x85: {  	_ =	shalt  }
0x86: {  	_ =	shalt  }
0x87: {  	_ =	shalt  }
.Lfunc_end0:
.L_simem_size_0:
called_computation_lowered:
.L_overlay_start_0:
0x88: {  	s2 =	sld [smem:$0x3FD9]  }
0x89: {  	s3 =	sld [smem:$0x3FFE];
	_ =	sdelay $0x1  }
0x8a: {  	s1 =	srdreg.scid  }
0x8b: {  	s0 =	sand.u32 $0x1, s1  }
0x8c: {  	s14 =	sshll.u32 s0, $0xA;
	s2 =	sadd.s32 s3, s2  }
0x8d: {  	s2 =	sadd.s32 s2, s14  }
0x8e: {  	[smem:$0x3FC0] =	sst s2  }
0x8f: {  	_ = 	snop  }
0x90: {  	s2 =	sld [smem:$0x3FD0];
	_ =	sdelay $0x2  }
0x91: {  	s15 =	simm.s32 $0xA;
	s4 =	simm.s32 $0x10  }
0x92: {  	[smem:s4], [sflag:s15] =	dma.local [hbm:s2], $0x1  }
0x93: {  	_ =	swait.eq [sflag:s15], $0x1  }
0x94: {  	[sflag:s15] =	ssyncset.done $0x0  }
0x95: {  	s16 =	sld [smem:$0x10];
	[sflag:s15] =	ssyncadd.s32 $0xFFFFFFFF  }
0x96: {  	s17 =	sld [smem:$0x11];
	(tm) =	ssettm $0x1  }
0x97: {  	s18 =	sld [smem:$0x3FFB];
	_ =	sdelay $0x3  }
0x98: {  	_ =	strace s18  }
0x99: {  	s4 =	sld [smem:$0x3FFC];
	_ =	sdelay $0x3  }
0x9a: {  	_ =	strace s4  }
0x9b: {  	s4 =	sld [smem:$0x3FFD];
	_ =	sdelay $0x3  }
0x9c: {  	_ =	strace s4  }
0x9d: {  	_ =	strace $0x8FFFFFFF  }
0x9e: {  	s19 =	sld [smem:$0x3FDB];
	_ =	sdelay $0x1  }
0x9f: {  	s5 =	simm.s32 $_scs_section_size  }
0xa0: {  	s6 =	simm.s32 $_size__tile_overlayer_lowered;
	s7 =	simm.s32 $_tile_overlayer_lowered  }
0xa1: {  	s22 =	simm.s32 $0x1BFF;
	s21 =	sshll.u32 s7, $0x1;
	s4 =	sadd.s32 s5, s19  }
0xa2: {  	s8 =	simm.s32 $0x0;
	s20 =	sshll.u32 s6, $0x1;
	s6 =	sadd.s32 s21, s4  }
0xa3: {  	[timem:s8], [sflag:s22] =	dma.local [hbm:s6], s20  }
0xa4: {  	_ =	swait.ge [sflag:s22], s20  }
0xa5: {  	s5 =	ssub.s32 $0x0, s20;
	[sflag:s22] =	ssyncset.done $0x0  }
0xa6: {  	[sflag:s22] =	ssyncadd.s32 s5;
	_ =	sdelay $0x1  }
0xa7: {  	s23 =	simm.s32 $0x1B8B  }
0xa8: {  	_ =	swait.ge [sflag:s23], $0x1  }
0xa9: {  	[sflag:s23] =	ssyncset.done $0x0  }
0xaa: {  	s25 =	simm.s32 $0x1B8E;
	s24 =	sld [smem:$0x3FFE];
	[sflag:s23] =	ssyncadd.s32 $0xFFFFFFFF  }
0xab: {  	s26 =	simm.s32 $execute0_lowered;
	[smem:$0x3FD2] =	sst s25  }
0xac: {  	s6 =	sshll.u32 s26, $0x1;
	_ =	strace $0x80000046;
	[dreg:$0x1] =	wrdreg $0xFFFFFFFF  }
0xad: {  	s28 =	simm.s32 $_size_execute0_lowered;
	s4 =	sadd.s32 s4, s6;
	[dreg:$0x0] =	wrdreg $0x0  }
0xae: {  	s6 =	sshll.u32 s28, $0x1;
	[dreg:$0x2] =	wrdreg s4  }
0xaf: {  	[dreg:$0x3] =	wrdreg s6  }
0xb0: {  	[dreg:$0x4] =	wrdreg $0xC0  }
0xb1: {  	_ =	task [dreg:s8], $0x5FFFF  }
0xb2: {  	[dreg:$0x1] =	wrdreg $0xFFFFFFFF  }
0xb3: {  	[dreg:$0x0] =	wrdreg $0x60  }
0xb4: {  	[dreg:$0x2] =	wrdreg s16  }
0xb5: {  	[dreg:$0x3] =	wrdreg s24  }
0xb6: {  	[dreg:$0x4] =	wrdreg s17  }
0xb7: {  	[dreg:$0x5] =	wrdreg $0xA1000  }
0xb8: {  	[dreg:$0x6] =	wrdreg $0x9  }
0xb9: {  	_ =	task.clear_ibuf [dreg:s8], $0x7FFFF;
	_ =	strace $0x90000046  }
0xba: {  	s29 =	simm.s32 $0x9;
	_ =	strace $0x80000048  }
0xbb: {  	_ =	swait.ge [sflag:s29], $0x1  }
0xbc: {  	[sflag:s29] =	ssyncadd.s32 $0xFFFFFFFF  }
0xbd: {  	_ =	strace $0x90000048  }
0xbe: {  	_ =	sfence  }
0xbf: {  	s30 =	sld [smem:$0x0];
	_ =	sdelay $0x2  }
0xc0: {  	s31 =	sshll.u32 s1, $0xD;
	s1 =	sshrl.u32 s1, $0x2  }
0xc1: {  	s3 =	sand.u32 $0x4000, s31;
	s1 =	sadd.s32 s1, s30  }
0xc2: {  	s0 =	sor.u32 s3, s0;
	s1 =	sshll.u32 s1, $0x11  }
0xc3: {  	s0 =	sor.u32 s1, s0  }
0xc4: {  	s0 =	sadd.s32 $0x8F2B, s0  }
0xc5: {  	[sflag:s0] =	ssyncadd.remote.s32 $0x1  }
0xc6: {  	_ =	sfence.sel $0xFFFF  }
0xc7: {  	[dreg:$0x0] =	wrdreg $0xFFFFFFFF;
	(pc) =	sbr.abs _section_cstart, $3  }
0xc8: {  	[dreg:$0x1] =	wrdreg $0xFFFFFFFF  }
0xc9: {  	_ =	task.clear_ibuf [dreg:s8], $0x2FFFF;
	_ =	strace $0x9FFFFFFF  }
0xca: {  	(tm) =	ssettm $0x7FFFFFFF  }
0xcb: {  	_ =	shalt  }
tec
execute0_lowered:
.L_overlay_start_1:
0x0: {  	(tag) =	ssettag $0x1  }
0x1: {  	s1 =	rddreg [dreg:$0x1]  }
0x2: {  	s0 =	srdreg.scid;
	s3 =	rddreg [dreg:$0x3];
	v1 =	vimm.s32 $0xFEDCBA98;
	v2 =	vimm.s32 $0xBA98FEDC  }
0x3: {  	s4 =	simm.s32 $0x0;
	v3 =	vimm.s32 $0x32107654;
	v4 =	vimm.s32 $0xDCFE98BA;
	v5 =	vimm.s32 $0x54761032;
	s5 =	stileid.u32;
	s12 =	simm.s32 $0x5  }
0x4: {  	v6 =	vimm.s32 $0xEFCDAB89;
	v7 =	vimm.s32 $0x67452301;
	v8 =	vimm.f32 $0.0e+00;
	s18 =	simm.s32 $0x7900;
	s19 =	simm.s32 $0x2;
	s20 =	simm.s32 $0x80  }
0x5: {  	vm0 =	vmmov $0x1;
	vm1 =	vcmask $0x310;
	s21 =	simm.s32 $0x1;
	s22 =	simm.s32 $0x50;
	s0 =	sand.u32 $0x1, s0;
	v1 =	vunpack.c.l.s4.s8 v1  }
0x6: {  	s24 =	simm.s32 $0x2900;
	s25 =	simm.s32 $0x5100;
	v2 =	vunpack.c.l.s4.s8 v2;
	v3 =	vunpack.c.l.s4.s8 v3;
	v4 =	vunpack.c.l.s4.s8 v4;
	s2 =	smul.u32 $0x2710, s0  }
0x7: {  	[smem:$0x7FF] =	sst s4;
	s6 =	sadd.s32 $0x20C00, s1;
	s7 =	sadd.s32 $0x11200, s1;
	v5 =	vunpack.c.l.s4.s8 v5;
	v6 =	vunpack.c.l.s4.s8 v6;
	v7 =	vunpack.c.l.s4.s8 v7  }
0x8: {  	s8 =	sadd.s32 $0x1800, s1;
	s9 =	smul.u32 $0x280, s5;
	s10 =	sadd.s32 $0x6EE00, s1;
	v2 =	vunpack.c.0.s8.s32 v2;
	v3 =	vunpack.c.0.s8.s32 v3;
	v0 =	vmov s2  }
0x9: {  	s11 =	smul.u32 $0xFA, s5;
	p0 =	seq.s32 s5, $0xF;
	s29 =	ssub.s32 $0x2, s0;
	v4 =	vunpack.c.0.s8.s32 v4;
	v5 =	vunpack.c.0.s8.s32 v5;
	[tilespmem:$0x1FFF0] =	vst v0;
	v0 =	vimm.s32 $0x76543210  }
0xa: {  	s5 =	smul.u32 $0x50000, s5;
	s12 =	simm.s32 @!p0 $0x8;
	s30 =	sshrl.u32 s29, $0x1;
	v6 =	vunpack.c.0.s8.s32 v6;
	v7 =	vunpack.c.0.s8.s32 v7;
	v0 =	vunpack.c.l.s4.s8 v0  }
0xb: {  	vm2 =	vcmask $0x710;
	s13 =	smul.u32 $0x138800, s0;
	s0 =	sshll.u32 s0, $0x6;
	v1 =	vunpack.c.0.s8.s32 v1;
	s1 =	ssub.s32 s29, s30;
	v3 =	vcombine.low v3, v2  }
0xc: {  	s31 =	sshrl.u32 s5, $0x2;
	s16 =	sor.u32 $0x5300, s0;
	v4 =	vcombine.low v5, v4;
	s1 =	smax.u32 s1, $0x1;
	v5 =	vcombine.low v7, v6;
	v0 =	vunpack.c.0.s8.s32 v0  }
0xd: {  	vm3 =	vcmask $0xB10;
	v1 =	vand.u32 $0xF, v1;
	_ =	strace $0x80000047;
	[dreg:$0x5] =	wrdreg s1;
	s1 =	sadd.s32 s31, s3;
	v3 =	vand.u32 $0xF, v3  }
0xe: {  	s17 =	sor.u32 $0x2B00, s0;
	[dreg:$0x6] =	wrdreg s1;
	v4 =	vand.u32 $0xF, v4;
	v5 =	vand.u32 $0xF, v5;
	s1 =	simm.s32 $0x0;
	v2 =	vcombine.low v1, v0  }
.LBB2_1:
0xf: {  	[dreg:$0x7] =	wrdreg s1;
	s0 =	simm.s32 $0x0;
	s1 =	simm.s32 $0x200  }
.LBB2_2:
0x10: {  	p0 =	sne.s32 s1, $0x9E00;
	[tilespmem:s0+$0x7970] =	vst v8  }
0x11: {  	[tilespmem:s0+$0x7900] =	vst v8  }
0x12: {  	[tilespmem:s0+$0x7910] =	vst v8  }
.Ltmp0:
0x13: {  	[tilespmem:s0+$0x7920] =	vst v8;
	(pc) =	sbr.rel @p0 .LBB2_2-.Ltmp0, $4  }
0x14: {  	[tilespmem:s0+$0x7930] =	vst v8  }
0x15: {  	[tilespmem:s0+$0x7940] =	vst v8  }
0x16: {  	[tilespmem:s0+$0x7950] =	vst v8  }
0x17: {  	[tilespmem:s0+$0x7960] =	vst v8;
	s0 =	sshra.s32 s1, $0x2;
	s1 =	sadd.s32 $0x200, s1  }
0x18: {  	[tilespmem:s0+$0x7970] =	vst v8  }
0x19: {  	[tilespmem:s0+$0x7900] =	vst v8  }
0x1a: {  	[tilespmem:s0+$0x7910] =	vst v8  }
0x1b: {  	[tilespmem:s0+$0x7920] =	vst v8  }
0x1c: {  	[tilespmem:s0+$0x7930] =	vst v8  }
0x1d: {  	[tilespmem:s0+$0x7940] =	vst v8;
	p0 =	sne.s32 s12, $0x1  }
.Ltmp1:
0x1e: {  	[tilespmem:s0+$0x7950] =	vst v8;
	(pc) =	sbr.rel @!p0 .LBB2_5-.Ltmp1, $4  }
0x1f: {  	[tilespmem:s0+$0x7960] =	vst v8;
	s1 =	rddreg [dreg:$0x6]  }
0x20: {  	[spmem:s1] =	stream.linear.scatter [tilespmem:s18], [sflag:$0x2], $0x2800, $0x38;
	[tilespmem:$0x1D980] =	vst v63  }
0x21: {  	_ =	swait.ge [sflag:s19], $0x2800  }
0x22: {  	s0 =	sadd.s32 $0xFFFFFFFF, s12;
	[sflag:s19] =	ssyncset.done $0x0  }
.LBB2_4:
0x23: {  	p0 =	sne.s32 s0, $0x1;
	[sflag:s19] =	ssyncadd.s32 $0xFFFFD800;
	s1 =	sadd.s32 $0x2800, s1  }
.Ltmp2:
0x24: {  	s0 =	sadd.s32 $0xFFFFFFFF, s0;
	(pc) =	sbr.rel @p0 .LBB2_4-.Ltmp2, $4  }
0x25: {  	_ = 	snop  }
0x26: {  	[spmem:s1] =	stream.linear.scatter [tilespmem:s18], [sflag:$0x2], $0x2800, $0x38;
	[tilespmem:$0x1D980] =	vst v63  }
0x27: {  	_ =	swait.ge [sflag:s19], $0x2800  }
0x28: {  	[sflag:s19] =	ssyncset.done $0x0  }
.LBB2_5:
0x29: {  	[sflag:s19] =	ssyncadd.s32 $0xFFFFD800  }
0x2a: {  	s28 =	simm.s32 $0x0;
	[bflag:$0x0] =	sbarrier.arrive $0xFFFF  }
.LBB2_6:
0x2b: {  	s0 =	sadd.s32 s11, s28  }
0x2c: {  	s1 =	sshll.u32 s0, $0x4  }
0x2d: {  	s2 =	sadd.s32 s7, s1  }
0x2e: {  	[tilespmem:s4], [sflag:$0x1] =	stream.linear.gather [hbm4b:s2+s4], $0x80, $0x38;
	[tilespmem:$0x1D980] =	vst v63  }
0x2f: {  	s1 =	sadd.s32 s8, s1  }
0x30: {  	[tilespmem:s20], [sflag:$0x1] =	stream.linear.gather [hbm4b:s1+s4], $0x80, $0x38;
	[tilespmem:$0x1D980] =	vst v63  }
0x31: {  	_ =	swait.ge [sflag:s21], $0x80  }
0x32: {  	[sflag:s21] =	ssyncset.done $0x0  }
0x33: {  	[sflag:s21] =	ssyncadd.s32 $0xFFFFFF80  }
0x34: {  	_ =	swait.ge [sflag:s21], $0x80  }
0x35: {  	[sflag:s21] =	ssyncset.done $0x0  }
0x36: {  	v9 =	vld [tilespmem:$0x1FFF0];
	[sflag:s21] =	ssyncadd.s32 $0xFFFFFF80  }
0x37: {  	v0 =	vld [tilespmem:$0x0]  }
0x38: {  	v1 =	vld [tilespmem:$0x10]  }
0x39: {  	v6 =	vld [tilespmem:$0x20]  }
0x3a: {  	v7 =	vld [tilespmem:$0x30]  }
0x3b: {  	v8 =	vld [tilespmem:$0x40]  }
0x3c: {  	v0 =	vadd.s32 v9, v0  }
0x3d: {  	[tilespmem:$0x0] =	vst v0;
	v0 =	vadd.s32 v9, v1  }
0x3e: {  	[tilespmem:$0x10] =	vst v0;
	v0 =	vadd.s32 v9, v6  }
0x3f: {  	[tilespmem:$0x20] =	vst v0;
	v0 =	vadd.s32 v9, v7  }
0x40: {  	[tilespmem:$0x30] =	vst v0;
	v0 =	vadd.s32 v9, v8  }
0x41: {  	s15 =	simm.s32 $0x100;
	s23 =	rddreg [dreg:$0x0];
	[tilespmem:$0x40] =	vst v0  }
0x42: {  	[tilespmem:s15], [sflag:$0x1] =	stream.indirect.gather [hbm4b:s6+s22], $0x80, s4, s22, $0xb8;
	[tilespmem:$0x1D980] =	vst v63  }
0x43: {  	s0 =	smul.u32 $0x500, s0;
	s26 =	rddreg [dreg:$0x2]  }
0x44: {  	[tilespmem:s24], [sflag:$0x1] =	stream.indirect.gather [hbm4b:s23+s22], $0x80, s20, s22, $0xb8;
	[tilespmem:$0x1D980] =	vst v63  }
0x45: {  	s0 =	sadd.s32 s26, s0  }
0x46: {  	[tilespmem:s25], [sflag:$0x2] =	stream.linear.gather [hbm4b:s0+s4], $0x2800, $0x38;
	[tilespmem:$0x1D980] =	vst v63  }
0x47: {  	_ =	swait.ge [sflag:s19], $0x2800  }
0x48: {  	[sflag:s19] =	ssyncset.done $0x0  }
0x49: {  	[sflag:s19] =	ssyncadd.s32 $0xFFFFD800  }
0x4a: {  	_ =	swait.ge [sflag:s21], $0x2800  }
0x4b: {  	[sflag:s21] =	ssyncset.done $0x0  }
0x4c: {  	[sflag:s21] =	ssyncadd.s32 $0xFFFFD800  }
0x4d: {  	_ =	swait.ge [sflag:s21], $0x2800  }
0x4e: {  	[sflag:s21] =	ssyncset.done $0x0  }
0x4f: {  	s1 =	simm.s32 $0x300;
	[sflag:s21] =	ssyncadd.s32 $0xFFFFD800  }
0x50: {  	v0 =	vld [tilespmem:s1+$0x180]  }
0x51: {  	v1 =	vld [tilespmem:s17+$0x180];
	_ =	sdelay $0x1  }
0x52: {  	v6 =	vld [tilespmem:s16+$0x180];
	_ =	sdelay $0x2  }
0x53: {  	v0 =	vmul.f32 v1, v0;
	_ =	sdelay $0x1  }
0x54: {  	v0 =	vmul.f32 v6, v0;
	_ =	sdelay $0x1  }
0x55: {  	v1 =	vperm.xlane v0, v2;
	_ =	sdelay $0x1  }
0x56: {  	v0 =	vadd.f32 v1, v0  }
0x57: {  	v7 =	vld [tilespmem:s1+$0xFFFFFE80]  }
0x58: {  	v8 =	vld [tilespmem:s1+$0xFFFFFF00];
	v1 =	vperm.xlane v0, v3  }
0x59: {  	v10 =	vld [tilespmem:s17+$0xFFFFFF00]  }
0x5a: {  	v11 =	vld [tilespmem:s1+$0xFFFFFF80];
	v0 =	vadd.f32 v1, v0  }
0x5b: {  	v12 =	vld [tilespmem:s1+$0x0]  }
0x5c: {  	v14 =	vld [tilespmem:s17+$0x0];
	v9 =	vperm.xlane v0, v4  }
0x5d: {  	v15 =	vld [tilespmem:s1+$0x80]  }
0x5e: {  	v16 =	vld [tilespmem:s1+$0x100];
	v0 =	vadd.f32 v9, v0  }
0x5f: {  	v17 =	vld [tilespmem:s17+$0x100]  }
0x60: {  	v18 =	vld [tilespmem:s1+$0xFFFFFE00];
	v13 =	vperm.xlane v0, v5  }
0x61: {  	v6 =	vld [tilespmem:s17+$0xFFFFFE00]  }
0x62: {  	v1 =	vld [tilespmem:s17+$0xFFFFFE80];
	v0 =	vadd.f32 v13, v0  }
0x63: {  	v19 =	vld [tilespmem:s16+$0xFFFFFE00]  }
0x64: {  	v20 =	vld [tilespmem:s16+$0xFFFFFE80];
	v0 =	vmax.f32 v0, $-5.000000000e+00  }
0x65: {  	v9 =	vld [tilespmem:s17+$0xFFFFFF80];
	v0 =	vmin.f32 v0, $5.000000000e+00  }
0x66: {  	v6 =	vmul.f32 v6, v18;
	v13 =	vld [tilespmem:s17+$0x80];
	v0 =	vmul.f32 $1.442695020e+00, v0  }
0x67: {  	v1 =	vmul.f32 v1, v7;
	v7 =	vmul.f32 v10, v8;
	v8 =	vld [tilespmem:s16+$0xFFFFFF80]  }
0x68: {  	(erf) = vpow2.f32 v0;
	v0 =	vld [tilespmem:s16+$0xFFFFFF00]  }
0x69: {  	v6 =	vmul.f32 v19, v6  }
0x6a: {  	v10 =	vld [tilespmem:s16+$0x0];
	v1 =	vmul.f32 v20, v1;
	v9 =	vmul.f32 v9, v11  }
0x6b: {  	v11 =	vmul.f32 v14, v12;
	v12 =	vmul.f32 v13, v15;
	v13 =	vld [tilespmem:s16+$0x80]  }
0x6c: {  	v14 =	vmul.f32 v17, v16;
	v16 =	vld [tilespmem:s16+$0x100];
	v8 =	vmul.f32 v8, v9  }
0x6d: {  	v9 =	vperm.xlane v1, v2;
	v15 =	vld [tilespmem:s1+$0x1C0];
	v0 =	vmul.f32 v0, v7  }
0x6e: {  	v7 =	vperm.xlane v6, v2  }
0x6f: {  	v10 =	vmul.f32 v10, v11;
	v1 =	vadd.f32 v9, v1;
	v11 =	vperm.xlane v0, v2  }
0x70: {  	v13 =	vmul.f32 v13, v12;
	v6 =	vadd.f32 v7, v6;
	v7 =	vperm.xlane v8, v2  }
0x71: {  	v9 =	vperm.xlane v10, v2;
	v14 =	vmul.f32 v16, v14;
	v12 =	vpop (erf);
	v0 =	vadd.f32 v11, v0  }
0x72: {  	v11 =	vperm.xlane v13, v2;
	v7 =	vadd.f32 v7, v8;
	v15 =	vmul.f32 v12, v15  }
0x73: {  	s29 =	simm.s32 $0x7B00;
	v8 =	vadd.f32 v9, v10;
	v9 =	vperm.xlane v14, v2;
	v10 =	vperm.xlane v6, v3;
	[tilespmem:$0x1FE50] =	vst v12  }
0x74: {  	v16 =	vperm.xlane v1, v3;
	v11 =	vadd.f32 v11, v13;
	v13 =	vperm.xlane v0, v3;
	[tilespmem:s29+$0x180] =	vst v15  }
0x75: {  	v18 =	vperm.xlane v7, v3;
	v9 =	vadd.f32 v9, v14;
	v6 =	vadd.f32 v10, v6;
	v15 =	vld [tilespmem:s1+$0x190]  }
0x76: {  	v1 =	vadd.f32 v16, v1;
	v10 =	vperm.xlane v8, v3;
	v17 =	vld [tilespmem:s17+$0x190];
	v14 =	vperm.xlane v11, v3  }
0x77: {  	v0 =	vadd.f32 v13, v0;
	v13 =	vperm.xlane v9, v3;
	v19 =	vperm.xlane v6, v4  }
0x78: {  	v16 =	vld [tilespmem:s16+$0x190];
	v7 =	vadd.f32 v18, v7;
	v8 =	vadd.f32 v10, v8;
	v10 =	vperm.xlane v1, v4  }
0x79: {  	v11 =	vadd.f32 v14, v11;
	v9 =	vadd.f32 v13, v9;
	v14 =	vperm.xlane v0, v4  }
0x7a: {  	v6 =	vadd.f32 v19, v6;
	v1 =	vadd.f32 v10, v1;
	v10 =	vperm.xlane v8, v4  }
0x7b: {  	v0 =	vadd.f32 v14, v0;
	v14 =	vperm.xlane v9, v4;
	v13 =	vmul.f32 v17, v15  }
0x7c: {  	v8 =	vadd.f32 v10, v8;
	v10 =	vperm.xlane v1, v5;
	v15 =	vperm.xlane v7, v4  }
0x7d: {  	v17 =	vperm.xlane v6, v5;
	v9 =	vadd.f32 v14, v9;
	v13 =	vmul.f32 v16, v13  }
0x7e: {  	v14 =	vperm.xlane v0, v5;
	v1 =	vadd.f32 v10, v1;
	v16 =	vperm.xlane v11, v4  }
0x7f: {  	v7 =	vadd.f32 v15, v7;
	v6 =	vadd.f32 v17, v6;
	v15 =	vperm.xlane v13, v2  }
0x80: {  	v0 =	vadd.f32 v14, v0;
	v14 =	vperm.xlane v9, v5;
	v1 =	vmax.f32 v1, $-5.000000000e+00  }
0x81: {  	v11 =	vadd.f32 v16, v11;
	v6 =	vmax.f32 v6, $-5.000000000e+00;
	v13 =	vadd.f32 v15, v13  }
0x82: {  	v16 =	vperm.xlane v8, v5;
	v1 =	vmin.f32 v1, $5.000000000e+00;
	v6 =	vmin.f32 v6, $5.000000000e+00  }
0x83: {  	v0 =	vmax.f32 v0, $-5.000000000e+00;
	v1 =	vmul.f32 $1.442695020e+00, v1;
	v17 =	vperm.xlane v13, v3  }
0x84: {  	v9 =	vadd.f32 v14, v9;
	v15 =	vperm.xlane v7, v5;
	v6 =	vmul.f32 $1.442695020e+00, v6  }
0x85: {  	v10 =	vperm.xlane v11, v5;
	v8 =	vadd.f32 v16, v8;
	v13 =	vadd.f32 v17, v13  }
0x86: {  	v0 =	vmin.f32 v0, $5.000000000e+00;
	v7 =	vadd.f32 v15, v7;
	(erf) = vpow2.f32 v6  }
0x87: {  	v10 =	vadd.f32 v10, v11;
	v8 =	vmax.f32 v8, $-5.000000000e+00;
	v11 =	vperm.xlane v13, v4  }
0x88: {  	v0 =	vmul.f32 $1.442695020e+00, v0;
	v8 =	vmin.f32 v8, $5.000000000e+00;
	v7 =	vmax.f32 v7, $-5.000000000e+00  }
0x89: {  	(erf) = vpow2.f32 v1;
	v7 =	vmin.f32 v7, $5.000000000e+00;
	v6 =	vadd.f32 v11, v13  }
0x8a: {  	v10 =	vmax.f32 v10, $-5.000000000e+00;
	v8 =	vmul.f32 $1.442695020e+00, v8;
	v7 =	vmul.f32 $1.442695020e+00, v7  }
0x8b: {  	(erf) = vpow2.f32 v0;
	v1 =	vmin.f32 v10, $5.000000000e+00;
	v10 =	vld [tilespmem:s1+$0xFFFFFE40];
	v11 =	vperm.xlane v6, v5  }
0x8c: {  	v9 =	vmax.f32 v9, $-5.000000000e+00;
	(erf) = vpow2.f32 v7  }
0x8d: {  	v0 =	vmul.f32 $1.442695020e+00, v1;
	(erf) = vpow2.f32 v8;
	v6 =	vadd.f32 v11, v6  }
0x8e: {  	v9 =	vmin.f32 v9, $5.000000000e+00  }
0x8f: {  	v7 =	vmul.f32 $1.442695020e+00, v9;
	(erf) = vpow2.f32 v0;
	v13 =	vpop (erf);
	v1 =	vmax.f32 v6, $-5.000000000e+00;
	v6 =	vld [tilespmem:s1+$0xFFFFFEC0]  }
0x90: {  	v8 =	vld [tilespmem:s1+$0xFFFFFF40];
	v9 =	vmul.f32 v13, v10;
	v1 =	vmin.f32 v1, $5.000000000e+00  }
0x91: {  	(erf) = vpow2.f32 v7;
	v7 =	vld [tilespmem:s1+$0x40];
	v0 =	vmul.f32 $1.442695020e+00, v1  }
0x92: {  	v10 =	vld [tilespmem:s1+$0x140];
	[tilespmem:s29+$0xFFFFFE00] =	vst v9  }
0x93: {  	v14 =	vpop (erf);
	v9 =	vld [tilespmem:s1+$0xFFFFFE10];
	(erf) = vpow2.f32 v0  }
0x94: {  	v15 =	vpop (erf);
	v11 =	vld [tilespmem:s17+$0xFFFFFE10];
	v6 =	vmul.f32 v14, v6  }
0x95: {  	v1 =	vld [tilespmem:s1+$0xFFFFFFC0];
	v16 =	vpop (erf)  }
0x96: {  	v8 =	vmul.f32 v15, v8;
	v0 =	vld [tilespmem:s1+$0xC0];
	v12 =	vpop (erf);
	[tilespmem:s29+$0xFFFFFE80] =	vst v6  }
0x97: {  	v6 =	vld [tilespmem:s1+$0x1D0];
	[tilespmem:$0x1FE60] =	vst v12  }
0x98: {  	v17 =	vpop (erf);
	[tilespmem:s29+$0xFFFFFF00] =	vst v8  }
0x99: {  	v21 =	vld [tilespmem:s1+$0xFFFFFE90];
	[tilespmem:$0x1FE70] =	vst v17  }
0x9a: {  	v1 =	vmul.f32 v16, v1;
	v8 =	vld [tilespmem:s17+$0xFFFFFE90]  }
0x9b: {  	v19 =	vpop (erf);
	v22 =	vld [tilespmem:s1+$0xFFFFFF10]  }
0x9c: {  	[tilespmem:s29+$0xFFFFFF80] =	vst v1;
	v1 =	vld [tilespmem:s17+$0xFFFFFF10];
	v20 =	vpop (erf)  }
0x9d: {  	v29 =	vld [tilespmem:s16+$0xFFFFFE10];
	v6 =	vmul.f32 v20, v6  }
0x9e: {  	v9 =	vmul.f32 v11, v9;
	v11 =	vld [tilespmem:s16+$0xFFFFFF10]  }
0x9f: {  	v23 =	vld [tilespmem:s1+$0xFFFFFF90];
	[tilespmem:s29+$0x190] =	vst v6  }
0xa0: {  	v7 =	vmul.f32 v12, v7;
	v6 =	vld [tilespmem:s1+$0x1A0]  }
0xa1: {  	v0 =	vmul.f32 v17, v0;
	v25 =	vld [tilespmem:s17+$0x1A0]  }
0xa2: {  	[tilespmem:s29+$0x0] =	vst v7;
	v7 =	vld [tilespmem:s17+$0xFFFFFF90]  }
0xa3: {  	[tilespmem:s29+$0x80] =	vst v0;
	v0 =	vld [tilespmem:s16+$0x1A0]  }
0xa4: {  	v24 =	vld [tilespmem:s1+$0x10]  }
0xa5: {  	v10 =	vmul.f32 v19, v10;
	v26 =	vld [tilespmem:s17+$0x10]  }
0xa6: {  	v27 =	vld [tilespmem:s1+$0x90];
	v6 =	vmul.f32 v25, v6  }
0xa7: {  	[tilespmem:s29+$0x100] =	vst v10;
	v10 =	vld [tilespmem:s17+$0x90]  }
0xa8: {  	v28 =	vld [tilespmem:s1+$0x110];
	v0 =	vmul.f32 v0, v6  }
0xa9: {  	v50 =	vld [tilespmem:s17+$0x110]  }
0xaa: {  	v1 =	vmul.f32 v1, v22;
	v22 =	vld [tilespmem:s16+$0xFFFFFF90];
	v30 =	vperm.xlane v0, v2  }
0xab: {  	v8 =	vmul.f32 v8, v21;
	v9 =	vmul.f32 v29, v9;
	v6 =	vld [tilespmem:s16+$0xFFFFFE90]  }
0xac: {  	v7 =	vmul.f32 v7, v23;
	v21 =	vmul.f32 v26, v24;
	v23 =	vld [tilespmem:s16+$0x10];
	v0 =	vadd.f32 v30, v0  }
0xad: {  	v10 =	vmul.f32 v10, v27;
	v1 =	vmul.f32 v11, v1;
	v11 =	vld [tilespmem:s16+$0x110]  }
0xae: {  	v52 =	vperm.xlane v9, v2;
	v51 =	vperm.xlane v0, v3  }
0xaf: {  	v53 =	vperm.xlane v1, v2;
	v7 =	vmul.f32 v22, v7  }
0xb0: {  	v25 =	vmul.f32 v50, v28;
	v6 =	vmul.f32 v6, v8;
	v8 =	vld [tilespmem:s16+$0x90];
	v0 =	vadd.f32 v51, v0  }
0xb1: {  	v21 =	vmul.f32 v23, v21;
	v1 =	vadd.f32 v53, v1;
	v23 =	vperm.xlane v7, v2  }
0xb2: {  	v11 =	vmul.f32 v11, v25;
	v22 =	vperm.xlane v0, v4  }
0xb3: {  	v9 =	vadd.f32 v52, v9;
	v56 =	vperm.xlane v1, v3;
	v7 =	vadd.f32 v23, v7  }
0xb4: {  	v23 =	vperm.xlane v11, v2;
	v27 =	vperm.xlane v6, v2;
	v0 =	vadd.f32 v22, v0  }
0xb5: {  	v1 =	vadd.f32 v56, v1;
	v8 =	vmul.f32 v8, v10;
	v10 =	vperm.xlane v21, v2  }
0xb6: {  	v57 =	vperm.xlane v7, v3;
	v6 =	vadd.f32 v27, v6;
	v55 =	vperm.xlane v0, v5  }
0xb7: {  	v22 =	vperm.xlane v9, v3;
	v54 =	vperm.xlane v8, v2;
	v10 =	vadd.f32 v10, v21  }
0xb8: {  	v11 =	vadd.f32 v23, v11;
	v21 =	vperm.xlane v6, v3;
	v0 =	vadd.f32 v55, v0  }
0xb9: {  	v8 =	vadd.f32 v54, v8;
	v9 =	vadd.f32 v22, v9;
	v22 =	vperm.xlane v10, v3  }
0xba: {  	v6 =	vadd.f32 v21, v6;
	v21 =	vperm.xlane v11, v3;
	v0 =	vmax.f32 v0, $-5.000000000e+00  }
0xbb: {  	v23 =	vperm.xlane v8, v3;
	v58 =	vperm.xlane v9, v4;
	v0 =	vmin.f32 v0, $5.000000000e+00  }
0xbc: {  	v7 =	vadd.f32 v57, v7;
	v59 =	vperm.xlane v6, v4;
	v0 =	vmul.f32 $1.442695020e+00, v0  }
0xbd: {  	v10 =	vadd.f32 v22, v10;
	v22 =	vperm.xlane v1, v4;
	v9 =	vadd.f32 v58, v9  }
0xbe: {  	v11 =	vadd.f32 v21, v11;
	v8 =	vadd.f32 v23, v8;
	(erf) = vpow2.f32 v0  }
0xbf: {  	v6 =	vadd.f32 v59, v6;
	v60 =	vperm.xlane v9, v5;
	v0 =	vperm.xlane v7, v4  }
0xc0: {  	v23 =	vperm.xlane v10, v4;
	v1 =	vadd.f32 v22, v1;
	v21 =	vperm.xlane v8, v4  }
0xc1: {  	v9 =	vadd.f32 v60, v9;
	v0 =	vadd.f32 v0, v7;
	v7 =	vperm.xlane v6, v5  }
0xc2: {  	v22 =	vperm.xlane v11, v4;
	v10 =	vadd.f32 v23, v10;
	v8 =	vadd.f32 v21, v8  }
0xc3: {  	v21 =	vperm.xlane v1, v5;
	v9 =	vmax.f32 v9, $-5.000000000e+00;
	v6 =	vadd.f32 v7, v6;
	v7 =	vld [tilespmem:s1+$0x1E0]  }
0xc4: {  	v23 =	vperm.xlane v10, v5;
	v9 =	vmin.f32 v9, $5.000000000e+00  }
0xc5: {  	v11 =	vadd.f32 v22, v11;
	v22 =	vperm.xlane v0, v5;
	v9 =	vmul.f32 $1.442695020e+00, v9  }
0xc6: {  	v1 =	vadd.f32 v21, v1;
	v10 =	vadd.f32 v23, v10;
	v6 =	vmax.f32 v6, $-5.000000000e+00  }
0xc7: {  	v0 =	vadd.f32 v22, v0;
	(erf) = vpow2.f32 v9;
	v6 =	vmin.f32 v6, $5.000000000e+00;
	v21 =	vpop (erf)  }
0xc8: {  	v1 =	vmax.f32 v1, $-5.000000000e+00;
	v6 =	vmul.f32 $1.442695020e+00, v6;
	v7 =	vmul.f32 v21, v7  }
0xc9: {  	v1 =	vmin.f32 v1, $5.000000000e+00;
	v9 =	vperm.xlane v8, v5;
	v0 =	vmax.f32 v0, $-5.000000000e+00  }
0xca: {  	v1 =	vmul.f32 $1.442695020e+00, v1;
	v0 =	vmin.f32 v0, $5.000000000e+00;
	(erf) = vpow2.f32 v6;
	[tilespmem:s29+$0x1A0] =	vst v7  }
0xcb: {  	v6 =	vperm.xlane v11, v5;
	v7 =	vadd.f32 v9, v8;
	v9 =	vmax.f32 v10, $-5.000000000e+00;
	v8 =	vld [tilespmem:s1+$0x1B0]  }
0xcc: {  	v0 =	vmul.f32 $1.442695020e+00, v0;
	(erf) = vpow2.f32 v1;
	v1 =	vld [tilespmem:s17+$0x1B0];
	v9 =	vmin.f32 v9, $5.000000000e+00  }
0xcd: {  	v10 =	vld [tilespmem:s1+$0xFFFFFE50];
	v6 =	vadd.f32 v6, v11;
	v9 =	vmul.f32 $1.442695020e+00, v9  }
0xce: {  	(erf) = vpow2.f32 v0;
	v11 =	vld [tilespmem:s1+$0xFFFFFED0];
	v7 =	vmax.f32 v7, $-5.000000000e+00  }
0xcf: {  	v0 =	vld [tilespmem:s16+$0x1B0];
	v6 =	vmax.f32 v6, $-5.000000000e+00;
	v7 =	vmin.f32 v7, $5.000000000e+00;
	(erf) = vpow2.f32 v9  }
0xd0: {  	v61 =	vld [tilespmem:s1+$0xFFFFFF50];
	v6 =	vmin.f32 v6, $5.000000000e+00;
	v7 =	vmul.f32 $1.442695020e+00, v7  }
0xd1: {  	v22 =	vpop (erf);
	v9 =	vld [tilespmem:s1+$0xFFFFFFD0];
	v6 =	vmul.f32 $1.442695020e+00, v6;
	v1 =	vmul.f32 v1, v8  }
0xd2: {  	v8 =	vld [tilespmem:s1+$0x50];
	(erf) = vpow2.f32 v7;
	v7 =	vmul.f32 v22, v10  }
0xd3: {  	v10 =	vld [tilespmem:s1+$0xD0];
	v23 =	vpop (erf);
	(erf) = vpow2.f32 v6  }
0xd4: {  	v0 =	vmul.f32 v0, v1;
	v1 =	vld [tilespmem:s1+$0x150];
	v6 =	vmul.f32 v23, v11;
	[tilespmem:s29+$0xFFFFFE10] =	vst v7  }
0xd5: {  	v24 =	vpop (erf);
	v11 =	vld [tilespmem:s1+$0xFFFFFE20]  }
0xd6: {  	v62 =	vmul.f32 v24, v61;
	v7 =	vperm.xlane v0, v2;
	[tilespmem:s29+$0xFFFFFE90] =	vst v6;
	v6 =	vld [tilespmem:s17+$0xFFFFFE20]  }
0xd7: {  	v25 =	vpop (erf);
	v27 =	vld [tilespmem:s17+$0xFFFFFEA0]  }
0xd8: {  	v9 =	vmul.f32 v25, v9;
	[tilespmem:s29+$0xFFFFFF10] =	vst v62;
	v0 =	vadd.f32 v7, v0;
	v7 =	vld [tilespmem:s1+$0xFFFFFEA0];
	v28 =	vpop (erf)  }
0xd9: {  	v30 =	vld [tilespmem:s1+$0xFFFFFF20]  }
0xda: {  	[tilespmem:s29+$0xFFFFFF90] =	vst v9;
	v9 =	vld [tilespmem:s17+$0xFFFFFF20]  }
0xdb: {  	s0 =	sadd.s32 $0x400, s17;
	v40 =	vld [tilespmem:s16+$0xFFFFFE20]  }
0xdc: {  	s26 =	simm.s32 $0x700;
	v43 =	vld [tilespmem:s0+$0x180]  }
0xdd: {  	v29 =	vperm.xlane v0, v3;
	v53 =	vld [tilespmem:s26+$0xFFFFFE80]  }
0xde: {  	v55 =	vld [tilespmem:s0+$0xFFFFFE80]  }
0xdf: {  	v8 =	vmul.f32 v28, v8;
	v31 =	vld [tilespmem:s1+$0xFFFFFFA0];
	v0 =	vadd.f32 v29, v0  }
0xe0: {  	v6 =	vmul.f32 v6, v11;
	v11 =	vld [tilespmem:s16+$0xFFFFFEA0]  }
0xe1: {  	v26 =	vpop (erf);
	[tilespmem:s29+$0x10] =	vst v8;
	v8 =	vld [tilespmem:s17+$0xFFFFFFA0];
	v32 =	vperm.xlane v0, v4  }
0xe2: {  	v10 =	vmul.f32 v26, v10;
	v33 =	vld [tilespmem:s1+$0x20]  }
0xe3: {  	v7 =	vmul.f32 v27, v7;
	v27 =	vld [tilespmem:s16+$0xFFFFFF20];
	v0 =	vadd.f32 v32, v0  }
0xe4: {  	v29 =	vpop (erf);
	[tilespmem:s29+$0x90] =	vst v10;
	v10 =	vld [tilespmem:s17+$0x20]  }
0xe5: {  	v1 =	vmul.f32 v29, v1;
	v63 =	vld [tilespmem:s1+$0xA0];
	v34 =	vperm.xlane v0, v5  }
0xe6: {  	v9 =	vmul.f32 v9, v30;
	v30 =	vld [tilespmem:s16+$0xFFFFFFA0]  }
0xe7: {  	[tilespmem:s29+$0x110] =	vst v1;
	v1 =	vld [tilespmem:s17+$0xA0];
	v0 =	vadd.f32 v34, v0  }
0xe8: {  	v8 =	vmul.f32 v8, v31;
	v31 =	vld [tilespmem:s16+$0x20]  }
0xe9: {  	v6 =	vmul.f32 v40, v6;
	v35 =	vld [tilespmem:s1+$0x120];
	v0 =	vmax.f32 v0, $-5.000000000e+00  }
0xea: {  	v61 =	vmul.f32 v55, v53;
	v36 =	vld [tilespmem:s17+$0x120];
	v9 =	vmul.f32 v27, v9;
	v0 =	vmin.f32 v0, $5.000000000e+00  }
0xeb: {  	v42 =	vld [tilespmem:s16+$0xA0];
	v10 =	vmul.f32 v10, v33;
	v0 =	vmul.f32 $1.442695020e+00, v0  }
0xec: {  	v8 =	vmul.f32 v30, v8;
	v30 =	vld [tilespmem:s26+$0x180];
	v1 =	vmul.f32 v1, v63  }
0xed: {  	(erf) = vpow2.f32 v0;
	v0 =	vmul.f32 v11, v7  }
0xee: {  	v10 =	vmul.f32 v31, v10;
	v7 =	vld [tilespmem:s16+$0x120];
	v11 =	vperm.xlane v6, v2  }
0xef: {  	v41 =	vmul.f32 v36, v35;
	v27 =	vperm.xlane v0, v2  }
0xf0: {  	v1 =	vmul.f32 v42, v1;
	v6 =	vadd.f32 v11, v6;
	v11 =	vperm.xlane v9, v2  }
0xf1: {  	v30 =	vmul.f32 v43, v30;
	v0 =	vadd.f32 v27, v0;
	v27 =	vperm.xlane v8, v2  }
0xf2: {  	v9 =	vadd.f32 v11, v9;
	v11 =	vperm.xlane v10, v2;
	v31 =	vperm.xlane v6, v3  }
0xf3: {  	v7 =	vmul.f32 v7, v41;
	v8 =	vadd.f32 v27, v8;
	v27 =	vperm.xlane v1, v2  }
0xf4: {  	v44 =	vperm.xlane v0, v3;
	v10 =	vadd.f32 v11, v10;
	v45 =	vperm.xlane v9, v3  }
0xf5: {  	s23 =	sadd.s32 $0x400, s16;
	v6 =	vadd.f32 v31, v6;
	v11 =	vperm.xlane v7, v2;
	v46 =	vperm.xlane v8, v3  }
0xf6: {  	v1 =	vadd.f32 v27, v1;
	v27 =	vld [tilespmem:s23+$0x180];
	v47 =	vperm.xlane v10, v3;
	v0 =	vadd.f32 v44, v0  }
0xf7: {  	v9 =	vadd.f32 v45, v9;
	v48 =	vperm.xlane v6, v4;
	v7 =	vadd.f32 v11, v7  }
0xf8: {  	v11 =	vperm.xlane v1, v3;
	v8 =	vadd.f32 v46, v8;
	v33 =	vperm.xlane v0, v4  }
0xf9: {  	v10 =	vadd.f32 v47, v10;
	v6 =	vadd.f32 v48, v6;
	v31 =	vperm.xlane v7, v3  }
0xfa: {  	v1 =	vadd.f32 v11, v1;
	v11 =	vperm.xlane v9, v4;
	v0 =	vadd.f32 v33, v0  }
0xfb: {  	v27 =	vmul.f32 v27, v30;
	v7 =	vadd.f32 v31, v7;
	v30 =	vperm.xlane v8, v4  }
0xfc: {  	v31 =	vperm.xlane v10, v4;
	v9 =	vadd.f32 v11, v9;
	v11 =	vperm.xlane v6, v5  }
0xfd: {  	v52 =	vperm.xlane v0, v5;
	v49 =	vperm.xlane v27, v2;
	v8 =	vadd.f32 v30, v8  }
0xfe: {  	v10 =	vadd.f32 v31, v10;
	v31 =	vperm.xlane v9, v5;
	v6 =	vadd.f32 v11, v6  }
0xff: {  	v56 =	vld [tilespmem:s26+$0xFFFFFF00];
	v50 =	vperm.xlane v1, v4;
	v0 =	vadd.f32 v52, v0;
	v27 =	vadd.f32 v49, v27  }
0x100: {  	v57 =	vld [tilespmem:s0+$0xFFFFFF00];
	v54 =	vperm.xlane v8, v5;
	v11 =	vperm.xlane v10, v5;
	v9 =	vadd.f32 v31, v9  }
0x101: {  	v60 =	vld [tilespmem:s26+$0x0];
	v6 =	vmax.f32 v6, $-5.000000000e+00;
	v0 =	vmax.f32 v0, $-5.000000000e+00;
	v37 =	vperm.xlane v27, v3  }
0x102: {  	v39 =	vld [tilespmem:s0+$0x0];
	v8 =	vadd.f32 v54, v8;
	v10 =	vadd.f32 v11, v10;
	v6 =	vmin.f32 v6, $5.000000000e+00  }
0x103: {  	v40 =	vld [tilespmem:s26+$0x100];
	v0 =	vmin.f32 v0, $5.000000000e+00;
	v9 =	vmax.f32 v9, $-5.000000000e+00;
	v6 =	vmul.f32 $1.442695020e+00, v6  }
0x104: {  	v45 =	vld [tilespmem:s0+$0x100];
	v0 =	vmul.f32 $1.442695020e+00, v0;
	v27 =	vadd.f32 v37, v27;
	v9 =	vmin.f32 v9, $5.000000000e+00  }
0x105: {  	v31 =	vld [tilespmem:s26+$0xFFFFFF80];
	v8 =	vmax.f32 v8, $-5.000000000e+00;
	v10 =	vmax.f32 v10, $-5.000000000e+00;
	v9 =	vmul.f32 $1.442695020e+00, v9  }
0x106: {  	v11 =	vld [tilespmem:s0+$0xFFFFFF80];
	v8 =	vmin.f32 v8, $5.000000000e+00;
	(erf) = vpow2.f32 v6;
	v59 =	vperm.xlane v27, v4  }
0x107: {  	v62 =	vld [tilespmem:s26+$0x80];
	v10 =	vmin.f32 v10, $5.000000000e+00;
	v8 =	vmul.f32 $1.442695020e+00, v8;
	(erf) = vpow2.f32 v0  }
0x108: {  	v10 =	vmul.f32 $1.442695020e+00, v10;
	(erf) = vpow2.f32 v9;
	v9 =	vld [tilespmem:s23+$0xFFFFFF00];
	v27 =	vadd.f32 v59, v27  }
0x109: {  	v32 =	vmul.f32 v57, v56;
	v30 =	vld [tilespmem:s0+$0xFFFFFE00];
	(erf) = vpow2.f32 v8  }
0x10a: {  	v1 =	vadd.f32 v50, v1;
	(erf) = vpow2.f32 v10;
	v10 =	vld [tilespmem:s23+$0x0];
	v44 =	vperm.xlane v27, v5  }
0x10b: {  	v48 =	vmul.f32 v45, v40;
	v11 =	vmul.f32 v11, v31;
	v31 =	vld [tilespmem:s26+$0xFFFFFE00]  }
0x10c: {  	v63 =	vld [tilespmem:s0+$0x80];
	v51 =	vperm.xlane v7, v4;
	v38 =	vperm.xlane v1, v5;
	v27 =	vadd.f32 v44, v27  }
0x10d: {  	v46 =	vld [tilespmem:s23+$0xFFFFFE00];
	v6 =	vmul.f32 v39, v60;
	v9 =	vmul.f32 v9, v32  }
0x10e: {  	v7 =	vadd.f32 v51, v7;
	v49 =	vld [tilespmem:s23+$0x100];
	v1 =	vadd.f32 v38, v1;
	v0 =	vmax.f32 v27, $-5.000000000e+00  }
0x10f: {  	v27 =	vld [tilespmem:s23+$0xFFFFFE80];
	v6 =	vmul.f32 v10, v6;
	v10 =	vperm.xlane v9, v2;
	v0 =	vmin.f32 v0, $5.000000000e+00  }
0x110: {  	v47 =	vld [tilespmem:s23+$0x80];
	v1 =	vmax.f32 v1, $-5.000000000e+00;
	v30 =	vmul.f32 v30, v31;
	v8 =	vmul.f32 $1.442695020e+00, v0  }
0x111: {  	v58 =	vperm.xlane v7, v5;
	v0 =	vmin.f32 v1, $5.000000000e+00;
	v1 =	vld [tilespmem:s23+$0xFFFFFF80];
	v9 =	vadd.f32 v10, v9  }
0x112: {  	v30 =	vmul.f32 v46, v30;
	(erf) = vpow2.f32 v8  }
0x113: {  	v8 =	vmul.f32 v63, v62;
	v56 =	vperm.xlane v9, v3  }
0x114: {  	v38 =	vmul.f32 v49, v48;
	v27 =	vmul.f32 v27, v61  }
0x115: {  	v50 =	vperm.xlane v30, v2;
	v8 =	vmul.f32 v47, v8;
	v9 =	vadd.f32 v56, v9  }
0x116: {  	v7 =	vadd.f32 v58, v7;
	v31 =	vpop (erf);
	v1 =	vmul.f32 v1, v11;
	v11 =	vperm.xlane v27, v2  }
0x117: {  	v35 =	vpop (erf);
	v52 =	vadd.f32 v50, v30;
	v10 =	vperm.xlane v8, v2;
	v62 =	vperm.xlane v9, v4  }
0x118: {  	v51 =	vld [tilespmem:s26+$0x1C0];
	v36 =	vpop (erf);
	v53 =	vperm.xlane v1, v2;
	v11 =	vadd.f32 v11, v27;
	v27 =	vperm.xlane v6, v2  }
0x119: {  	v33 =	vpop (erf);
	v54 =	vperm.xlane v52, v3;
	v8 =	vadd.f32 v10, v8;
	v9 =	vadd.f32 v62, v9  }
0x11a: {  	v30 =	vpop (erf);
	v1 =	vadd.f32 v53, v1;
	v6 =	vadd.f32 v27, v6;
	v27 =	vperm.xlane v38, v2  }
0x11b: {  	v32 =	vpop (erf);
	v34 =	vadd.f32 v54, v52;
	v55 =	vperm.xlane v11, v3;
	v58 =	vperm.xlane v8, v3  }
0x11c: {  	v56 =	vperm.xlane v9, v5;
	v43 =	vpop (erf);
	v41 =	vperm.xlane v1, v3;
	v27 =	vadd.f32 v27, v38  }
0x11d: {  	v57 =	vperm.xlane v6, v3;
	v10 =	vmul.f32 v43, v51;
	v8 =	vadd.f32 v58, v8  }
0x11e: {  	s30 =	simm.s32 $0x7F00;
	v9 =	vadd.f32 v56, v9;
	v41 =	vadd.f32 v41, v1  }
0x11f: {  	v18 =	vld [tilespmem:s1+$0x1F0];
	v60 =	vperm.xlane v34, v4;
	v6 =	vadd.f32 v57, v6;
	[tilespmem:s30+$0x180] =	vst v10;
	v10 =	vadd.f32 v55, v11  }
0x120: {  	v11 =	vperm.xlane v27, v3;
	v46 =	vperm.xlane v8, v4;
	v9 =	vmax.f32 v9, $-5.000000000e+00;
	v59 =	vld [tilespmem:s26+$0x190]  }
0x121: {  	v61 =	vld [tilespmem:s0+$0x190];
	v63 =	vperm.xlane v41, v4;
	v45 =	vperm.xlane v6, v4;
	v9 =	vmin.f32 v9, $5.000000000e+00  }
0x122: {  	v17 =	vld [tilespmem:s1+$0xE0];
	v1 =	vperm.xlane v10, v4;
	v11 =	vadd.f32 v11, v27;
	v27 =	vadd.f32 v60, v34  }
0x123: {  	v52 =	vld [tilespmem:s23+$0x190];
	v8 =	vadd.f32 v46, v8;
	v9 =	vmul.f32 $1.442695020e+00, v9;
	v39 =	vadd.f32 v63, v41  }
0x124: {  	v42 =	vld [tilespmem:s1+$0xFFFFFE60];
	v10 =	vadd.f32 v1, v10;
	v53 =	vperm.xlane v11, v4;
	v48 =	vperm.xlane v27, v5  }
0x125: {  	v37 =	vld [tilespmem:s1+$0xFFFFFFE0];
	v54 =	vadd.f32 v45, v6;
	v49 =	vperm.xlane v8, v5;
	v57 =	vperm.xlane v39, v5  }
0x126: {  	v44 =	vld [tilespmem:s1+$0xFFFFFEE0];
	v6 =	vmul.f32 v61, v59;
	v55 =	vperm.xlane v10, v5  }
0x127: {  	v50 =	vld [tilespmem:s26+$0xFFFFFE40];
	v58 =	vperm.xlane v54, v5;
	v11 =	vadd.f32 v53, v11;
	v27 =	vadd.f32 v48, v27  }
0x128: {  	v47 =	vld [tilespmem:s1+$0xFFFFFF60];
	v8 =	vadd.f32 v49, v8;
	v40 =	vmul.f32 v52, v6;
	v10 =	vadd.f32 v55, v10  }
0x129: {  	v62 =	vld [tilespmem:s26+$0xFFFFFFC0];
	v39 =	vadd.f32 v57, v39;
	v38 =	vadd.f32 v58, v54;
	v27 =	vmax.f32 v27, $-5.000000000e+00  }
0x12a: {  	v51 =	vld [tilespmem:s26+$0xFFFFFEC0];
	v27 =	vmin.f32 v27, $5.000000000e+00;
	v59 =	vperm.xlane v40, v2;
	v10 =	vmax.f32 v10, $-5.000000000e+00  }
0x12b: {  	v34 =	vld [tilespmem:s1+$0x60];
	v60 =	vperm.xlane v11, v5;
	v27 =	vmul.f32 $1.442695020e+00, v27;
	v10 =	vmin.f32 v10, $5.000000000e+00  }
0x12c: {  	v45 =	vld [tilespmem:s1+$0x160];
	v8 =	vmax.f32 v8, $-5.000000000e+00;
	v40 =	vadd.f32 v59, v40;
	v10 =	vmul.f32 $1.442695020e+00, v10  }
0x12d: {  	v61 =	vld [tilespmem:s26+$0xFFFFFF40];
	v39 =	vmax.f32 v39, $-5.000000000e+00;
	(erf) = vpow2.f32 v27;
	v27 =	vmul.f32 v35, v42  }
0x12e: {  	v53 =	vld [tilespmem:s26+$0x40];
	v8 =	vmin.f32 v8, $5.000000000e+00;
	v39 =	vmin.f32 v39, $5.000000000e+00;
	v52 =	vperm.xlane v40, v3  }
0x12f: {  	v11 =	vadd.f32 v60, v11;
	v8 =	vmul.f32 $1.442695020e+00, v8;
	v42 =	vld [tilespmem:s26+$0xC0];
	(erf) = vpow2.f32 v10;
	[tilespmem:s29+$0xFFFFFE20] =	vst v27  }
0x130: {  	v10 =	vmul.f32 v36, v44;
	v27 =	vmul.f32 $1.442695020e+00, v39;
	v49 =	vld [tilespmem:s1+$0xFFFFFE30];
	v40 =	vadd.f32 v52, v40  }
0x131: {  	(erf) = vpow2.f32 v9;
	v9 =	vmul.f32 v33, v47;
	v47 =	vld [tilespmem:s17+$0xFFFFFE30]  }
0x132: {  	v11 =	vmax.f32 v11, $-5.000000000e+00;
	v52 =	vld [tilespmem:s26+$0x140];
	[tilespmem:s29+$0xFFFFFEA0] =	vst v10;
	v10 =	vmax.f32 v38, $-5.000000000e+00;
	v63 =	vperm.xlane v40, v4  }
0x133: {  	(erf) = vpow2.f32 v27;
	v27 =	vmul.f32 v30, v37;
	v48 =	vld [tilespmem:s1+$0xFFFFFEB0];
	v10 =	vmin.f32 v10, $5.000000000e+00  }
0x134: {  	v11 =	vmin.f32 v11, $5.000000000e+00;
	[tilespmem:s29+$0xFFFFFF20] =	vst v9;
	v12 =	vld [tilespmem:s17+$0xFFFFFEB0];
	v10 =	vmul.f32 $1.442695020e+00, v10;
	v44 =	vadd.f32 v63, v40  }
0x135: {  	v11 =	vmul.f32 $1.442695020e+00, v11;
	v54 =	vld [tilespmem:s1+$0xFFFFFF30];
	[tilespmem:s29+$0xFFFFFFA0] =	vst v27;
	v27 =	vmul.f32 v32, v34  }
0x136: {  	v7 =	vmax.f32 v7, $-5.000000000e+00;
	v55 =	vld [tilespmem:s17+$0xFFFFFF30];
	(erf) = vpow2.f32 v10;
	v37 =	vpop (erf);
	v39 =	vperm.xlane v44, v5  }
0x137: {  	v7 =	vmin.f32 v7, $5.000000000e+00;
	v56 =	vld [tilespmem:s1+$0xFFFFFFB0];
	[tilespmem:s29+$0x20] =	vst v27;
	(erf) = vpow2.f32 v8;
	v27 =	vmul.f32 v37, v50  }
0x138: {  	v0 =	vmul.f32 $1.442695020e+00, v0;
	v57 =	vld [tilespmem:s1+$0x30];
	(erf) = vpow2.f32 v11;
	v10 =	vadd.f32 v39, v44  }
0x139: {  	v7 =	vmul.f32 $1.442695020e+00, v7;
	v50 =	vld [tilespmem:s17+$0xFFFFFFB0];
	v38 =	vpop (erf);
	[tilespmem:s30+$0xFFFFFE00] =	vst v27  }
0x13a: {  	(erf) = vpow2.f32 v0;
	v58 =	vld [tilespmem:s26+$0xFFFFFE10];
	v8 =	vmax.f32 v10, $-5.000000000e+00;
	v10 =	vmul.f32 v38, v51  }
0x13b: {  	(erf) = vpow2.f32 v7;
	v46 =	vld [tilespmem:s0+$0xFFFFFE10];
	v39 =	vpop (erf);
	v8 =	vmin.f32 v8, $5.000000000e+00  }
0x13c: {  	v51 =	vld [tilespmem:s17+$0x30];
	v7 =	vmul.f32 v39, v61;
	v0 =	vmul.f32 $1.442695020e+00, v8;
	[tilespmem:s30+$0xFFFFFE80] =	vst v10  }
0x13d: {  	v40 =	vpop (erf);
	v59 =	vld [tilespmem:s26+$0xFFFFFE90]  }
0x13e: {  	[tilespmem:s30+$0xFFFFFF00] =	vst v7;
	v60 =	vld [tilespmem:s0+$0xFFFFFE90];
	(erf) = vpow2.f32 v0;
	v0 =	vmul.f32 v40, v62  }
0x13f: {  	v41 =	vpop (erf);
	v61 =	vld [tilespmem:s26+$0xFFFFFF10]  }
0x140: {  	v62 =	vld [tilespmem:s0+$0xFFFFFF10];
	v1 =	vpop (erf);
	[tilespmem:s30+$0xFFFFFF80] =	vst v0  }
0x141: {  	v8 =	vmul.f32 v1, v42;
	v0 =	vmul.f32 v41, v53;
	v53 =	vld [tilespmem:s26+$0xFFFFFF90];
	[tilespmem:$0x1FE80] =	vst v1;
	v1 =	vpop (erf)  }
0x142: {  	v7 =	vld [tilespmem:s26+$0x1D0];
	[tilespmem:$0x1FE90] =	vst v1  }
0x143: {  	[tilespmem:s30+$0x0] =	vst v0  }
0x144: {  	[tilespmem:s30+$0x80] =	vst v8  }
0x145: {  	v0 =	vmul.f32 v1, v52;
	v1 =	vld [tilespmem:$0x1FE50];
	_ =	sdelay $0x1  }
0x146: {  	v63 =	vld [tilespmem:s0+$0xFFFFFF90]  }
0x147: {  	v34 =	vld [tilespmem:s26+$0x10]  }
0x148: {  	v42 =	vpop (erf);
	v10 =	vld [tilespmem:s0+$0x10];
	[tilespmem:s30+$0x100] =	vst v0  }
0x149: {  	v52 =	vpop (erf);
	v27 =	vnsel vm0, $0x0, v1;
	v1 =	vld [tilespmem:$0x1FE70]  }
0x14a: {  	v11 =	vld [tilespmem:s26+$0x90];
	v44 =	vpop (erf)  }
0x14b: {  	v9 =	vld [tilespmem:s0+$0x90];
	v7 =	vmul.f32 v44, v7  }
0x14c: {  	v18 =	vmul.f32 v31, v18;
	v8 =	vld [tilespmem:s26+$0x110]  }
0x14d: {  	v13 =	vnsel vm0, $0x0, v13;
	v0 =	vld [tilespmem:$0x1FE60];
	[tilespmem:s30+$0x190] =	vst v7  }
0x14e: {  	v15 =	vnsel vm0, $0x0, v15;
	v14 =	vnsel vm0, $0x0, v14;
	v6 =	vnsel vm0, $0x0, v1;
	v1 =	vld [tilespmem:s0+$0x110];
	[tilespmem:$0x1FFB0] =	vst v18  }
0x14f: {  	v16 =	vnsel vm0, $0x0, v16;
	v19 =	vnsel vm0, $0x0, v19;
	v47 =	vmul.f32 v47, v49;
	v49 =	vld [tilespmem:s26+$0x1A0]  }
0x150: {  	v15 =	vsel vm1, v15, v24;
	v7 =	vsel vm1, v27, v20;
	v20 =	vmul.f32 v12, v48;
	v12 =	vld [tilespmem:s0+$0x1A0]  }
0x151: {  	v50 =	vmul.f32 v50, v56;
	v18 =	vsel vm2, v7, v21;
	v21 =	vsel vm1, v13, v22;
	v13 =	vld [tilespmem:s23+$0xFFFFFE10]  }
0x152: {  	v56 =	vmul.f32 v60, v59;
	v22 =	vsel vm1, v14, v23;
	v23 =	vmul.f32 v52, v45;
	v45 =	vld [tilespmem:s23+$0x1A0]  }
0x153: {  	v16 =	vsel vm1, v16, v25;
	v59 =	vmul.f32 v63, v53;
	v48 =	vmul.f32 v51, v57;
	v57 =	vld [tilespmem:s23+$0xFFFFFE90]  }
0x154: {  	v9 =	vmul.f32 v9, v11;
	v0 =	vnsel vm0, $0x0, v0;
	v7 =	vmul.f32 v55, v54;
	v60 =	vld [tilespmem:s23+$0xFFFFFF10]  }
0x155: {  	v54 =	vmul.f32 v42, v17;
	v17 =	vsel vm1, v0, v28;
	v0 =	vmul.f32 v10, v34;
	v10 =	vld [tilespmem:s23+$0xFFFFFF90]  }
0x156: {  	v30 =	vsel vm2, v16, v30;
	v14 =	vmul.f32 v46, v58;
	v28 =	vmul.f32 v12, v49  }
0x157: {  	v58 =	vmul.f32 v62, v61;
	v61 =	vld [tilespmem:s23+$0x10];
	v21 =	vsel vm2, v21, v35;
	v1 =	vmul.f32 v1, v8  }
0x158: {  	v11 =	vmul.f32 v13, v14;
	v14 =	vsel vm1, v6, v26;
	v8 =	vmul.f32 v45, v28  }
0x159: {  	v6 =	vld [tilespmem:s23+$0x90];
	v13 =	vsel vm1, v19, v29;
	v19 =	vmul.f32 v57, v56;
	[tilespmem:$0x1FF10] =	vst v21;
	v25 =	vmul.f32 v60, v58  }
0x15a: {  	v12 =	vnsel vm0, $0x0, v43;
	v10 =	vmul.f32 v10, v59;
	v63 =	vld [tilespmem:s23+$0x110];
	v28 =	vperm.xlane v8, v2  }
0x15b: {  	v21 =	vsel vm2, v22, v36;
	v62 =	vperm.xlane v11, v2;
	v36 =	vperm.xlane v25, v2  }
0x15c: {  	v0 =	vmul.f32 v61, v0;
	v43 =	vperm.xlane v10, v2;
	v8 =	vadd.f32 v28, v8  }
0x15d: {  	v29 =	vperm.xlane v19, v2;
	v11 =	vadd.f32 v62, v11;
	v25 =	vadd.f32 v36, v25  }
0x15e: {  	v10 =	vadd.f32 v43, v10;
	v6 =	vmul.f32 v6, v9;
	v28 =	vperm.xlane v8, v3  }
0x15f: {  	v9 =	vadd.f32 v29, v19;
	v19 =	vperm.xlane v0, v2;
	v1 =	vmul.f32 v63, v1  }
0x160: {  	v45 =	vperm.xlane v11, v3;
	v29 =	vperm.xlane v25, v3;
	v8 =	vadd.f32 v28, v8  }
0x161: {  	v27 =	vsel vm2, v15, v33;
	v51 =	vperm.xlane v10, v3;
	v46 =	vperm.xlane v6, v2  }
0x162: {  	v0 =	vadd.f32 v19, v0;
	v11 =	vadd.f32 v45, v11;
	v49 =	vperm.xlane v8, v4  }
0x163: {  	v19 =	vperm.xlane v1, v2;
	v25 =	vadd.f32 v29, v25;
	v10 =	vadd.f32 v51, v10  }
0x164: {  	v6 =	vadd.f32 v46, v6;
	v28 =	vperm.xlane v9, v3;
	v8 =	vadd.f32 v49, v8  }
0x165: {  	v1 =	vadd.f32 v19, v1;
	v19 =	vperm.xlane v0, v3;
	v57 =	vperm.xlane v10, v4  }
0x166: {  	v53 =	vperm.xlane v6, v3;
	v9 =	vadd.f32 v28, v9;
	v29 =	vperm.xlane v8, v5  }
0x167: {  	v55 =	vperm.xlane v1, v3;
	v28 =	vperm.xlane v11, v4;
	v0 =	vadd.f32 v19, v0  }
0x168: {  	v19 =	vperm.xlane v25, v4;
	v10 =	vadd.f32 v57, v10;
	v8 =	vadd.f32 v29, v8  }
0x169: {  	[tilespmem:$0x1FF20] =	vst v21;
	v6 =	vadd.f32 v53, v6;
	v56 =	vperm.xlane v9, v4;
	v1 =	vadd.f32 v55, v1  }
0x16a: {  	[tilespmem:s29+$0xA0] =	vst v54;
	v57 =	vld [tilespmem:s16+$0xFFFFFF30];
	v11 =	vadd.f32 v28, v11;
	v58 =	vperm.xlane v0, v4;
	v8 =	vmax.f32 v8, $-5.000000000e+00  }
0x16b: {  	v63 =	vld [tilespmem:s1+$0xB0];
	v19 =	vadd.f32 v19, v25;
	v62 =	vperm.xlane v10, v5;
	v8 =	vmin.f32 v8, $5.000000000e+00  }
0x16c: {  	v53 =	vld [tilespmem:s17+$0xB0];
	v28 =	vperm.xlane v6, v4;
	v9 =	vadd.f32 v56, v9;
	v8 =	vmul.f32 $1.442695020e+00, v8  }
0x16d: {  	v59 =	vperm.xlane v1, v4;
	v0 =	vadd.f32 v58, v0;
	v61 =	vperm.xlane v19, v5  }
0x16e: {  	v10 =	vadd.f32 v62, v10;
	v6 =	vadd.f32 v28, v6;
	(erf) = vpow2.f32 v8  }
0x16f: {  	v7 =	vmul.f32 v57, v7;
	v29 =	vperm.xlane v11, v5;
	v1 =	vadd.f32 v59, v1  }
0x170: {  	v60 =	vperm.xlane v9, v5;
	v28 =	vperm.xlane v0, v5;
	v19 =	vadd.f32 v61, v19  }
0x171: {  	[tilespmem:s29+$0x120] =	vst v23;
	v10 =	vmax.f32 v10, $-5.000000000e+00;
	v15 =	vmul.f32 v53, v63;
	v23 =	vperm.xlane v1, v5  }
0x172: {  	v54 =	vld [tilespmem:s1+$0x130];
	v10 =	vmin.f32 v10, $5.000000000e+00;
	v11 =	vadd.f32 v29, v11;
	v9 =	vadd.f32 v60, v9  }
0x173: {  	v29 =	vperm.xlane v6, v5;
	v0 =	vadd.f32 v28, v0;
	v1 =	vadd.f32 v23, v1;
	v23 =	vld [tilespmem:s26+$0x1E0]  }
0x174: {  	v55 =	vld [tilespmem:s16+$0xFFFFFE30];
	v19 =	vmax.f32 v19, $-5.000000000e+00;
	v10 =	vmul.f32 $1.442695020e+00, v10;
	v11 =	vmax.f32 v11, $-5.000000000e+00  }
0x175: {  	v56 =	vld [tilespmem:s16+$0xFFFFFEB0];
	v9 =	vmax.f32 v9, $-5.000000000e+00;
	v0 =	vmax.f32 v0, $-5.000000000e+00;
	v11 =	vmin.f32 v11, $5.000000000e+00  }
0x176: {  	v60 =	vld [tilespmem:s16+$0x30];
	v9 =	vmin.f32 v9, $5.000000000e+00;
	v0 =	vmin.f32 v0, $5.000000000e+00;
	v11 =	vmul.f32 $1.442695020e+00, v11  }
0x177: {  	v58 =	vld [tilespmem:s16+$0xFFFFFFB0];
	v6 =	vadd.f32 v29, v6;
	v9 =	vmul.f32 $1.442695020e+00, v9;
	v59 =	vmul.f32 $1.442695020e+00, v0;
	v26 =	vpop (erf)  }
0x178: {  	v28 =	vld [tilespmem:s17+$0x130];
	v19 =	vmin.f32 v19, $5.000000000e+00;
	(erf) = vpow2.f32 v11;
	v0 =	vmul.f32 v26, v23  }
0x179: {  	v19 =	vmul.f32 $1.442695020e+00, v19;
	v8 =	vld [tilespmem:s26+$0xFFFFFE50];
	v6 =	vmax.f32 v6, $-5.000000000e+00;
	v1 =	vmax.f32 v1, $-5.000000000e+00  }
0x17a: {  	v6 =	vmin.f32 v6, $5.000000000e+00;
	v11 =	vld [tilespmem:s16+$0xB0];
	(erf) = vpow2.f32 v9;
	[tilespmem:s30+$0x1A0] =	vst v0;
	v0 =	vsel vm2, v17, v32  }
0x17b: {  	v63 =	vmul.f32 v60, v48;
	v48 =	vperm.xlane v7, v2;
	v16 =	vld [tilespmem:s26+$0x1B0];
	[tilespmem:$0x1FF90] =	vst v0;
	v0 =	vsel vm3, v18, v31  }
0x17c: {  	v1 =	vmin.f32 v1, $5.000000000e+00;
	v6 =	vmul.f32 $1.442695020e+00, v6;
	(erf) = vpow2.f32 v19;
	v61 =	vld [tilespmem:s0+$0x1B0];
	[tilespmem:$0x1FFC0] =	vst v0  }
0x17d: {  	v1 =	vmul.f32 $1.442695020e+00, v1;
	v19 =	vmul.f32 v55, v47;
	v31 =	vld [tilespmem:s16+$0x130]  }
0x17e: {  	(erf) = vpow2.f32 v10;
	v10 =	vmul.f32 v56, v20;
	v20 =	vld [tilespmem:s23+$0x1B0]  }
0x17f: {  	(erf) = vpow2.f32 v59;
	v47 =	vperm.xlane v19, v2;
	v62 =	vld [tilespmem:s26+$0xFFFFFED0]  }
0x180: {  	v11 =	vmul.f32 v11, v15;
	(erf) = vpow2.f32 v6;
	v45 =	vld [tilespmem:s26+$0xFFFFFF50]  }
0x181: {  	v14 =	vsel vm2, v14, v42;
	(erf) = vpow2.f32 v1;
	v1 =	vpop (erf);
	v46 =	vld [tilespmem:s26+$0xFFFFFFD0];
	v15 =	vmul.f32 v61, v16  }
0x182: {  	v8 =	vmul.f32 v1, v8;
	v0 =	vnsel vm0, $0x0, v37;
	v37 =	vsel vm1, v12, v44;
	v12 =	vld [tilespmem:s26+$0x50];
	[tilespmem:$0x1FFA0] =	vst v14  }
0x183: {  	v21 =	vnsel vm0, $0x0, v41;
	v33 =	vpop (erf);
	v14 =	vld [tilespmem:s26+$0xD0];
	v15 =	vmul.f32 v20, v15;
	v20 =	vperm.xlane v10, v2  }
0x184: {  	v17 =	vnsel vm0, $0x0, v40;
	v40 =	vadd.f32 v47, v19;
	v49 =	vld [tilespmem:s26+$0x150];
	[tilespmem:s30+$0xFFFFFE10] =	vst v8;
	v19 =	vmul.f32 v33, v62  }
0x185: {  	v25 =	vnsel vm0, $0x0, v38;
	v9 =	vmul.f32 v28, v54;
	v51 =	vperm.xlane v63, v2;
	v24 =	vpop (erf);
	v41 =	vld [tilespmem:s26+$0xFFFFFE20]  }
0x186: {  	v7 =	vadd.f32 v48, v7;
	v6 =	vmul.f32 v58, v50;
	v53 =	vld [tilespmem:s0+$0xFFFFFE20];
	v35 =	vmul.f32 v24, v45;
	[tilespmem:s30+$0xFFFFFE90] =	vst v19  }
0x187: {  	v55 =	vperm.xlane v11, v2;
	v8 =	vperm.xlane v15, v2;
	v10 =	vadd.f32 v20, v10;
	v45 =	vld [tilespmem:s26+$0xFFFFFEA0];
	v20 =	vpop (erf)  }
0x188: {  	v34 =	vadd.f32 v51, v63;
	v50 =	vperm.xlane v6, v2;
	[tilespmem:s30+$0xFFFFFF10] =	vst v35;
	v32 =	vld [tilespmem:s0+$0xFFFFFEA0];
	v36 =	vmul.f32 v20, v46  }
0x189: {  	v58 =	vperm.xlane v40, v3;
	v9 =	vmul.f32 v31, v9;
	v60 =	vld [tilespmem:s0+$0xFFFFFF20];
	v8 =	vadd.f32 v8, v15;
	v19 =	vpop (erf)  }
0x18a: {  	v11 =	vadd.f32 v55, v11;
	v61 =	vperm.xlane v7, v3;
	v46 =	vld [tilespmem:s26+$0xFFFFFF20];
	v54 =	vmul.f32 v19, v12;
	[tilespmem:s30+$0xFFFFFF90] =	vst v36  }
0x18b: {  	v18 =	vnsel vm0, $0x0, v39;
	v57 =	vperm.xlane v9, v2;
	v16 =	vpop (erf);
	v56 =	vperm.xlane v8, v3;
	v63 =	vld [tilespmem:s26+$0xFFFFFFA0]  }
0x18c: {  	v6 =	vadd.f32 v50, v6;
	v38 =	vmul.f32 v53, v41;
	v14 =	vmul.f32 v16, v14;
	[tilespmem:s30+$0x10] =	vst v54;
	v53 =	vld [tilespmem:s0+$0xFFFFFFA0]  }
0x18d: {  	v35 =	vadd.f32 v61, v7;
	v59 =	vperm.xlane v10, v3;
	v15 =	vpop (erf);
	v8 =	vadd.f32 v56, v8;
	v56 =	vld [tilespmem:s26+$0x20]  }
0x18e: {  	v62 =	vperm.xlane v6, v3;
	v9 =	vadd.f32 v57, v9;
	v39 =	vmul.f32 v15, v49;
	[tilespmem:s30+$0x90] =	vst v14;
	v57 =	vld [tilespmem:s0+$0x20]  }
0x18f: {  	v55 =	vperm.xlane v34, v3;
	v61 =	vperm.xlane v35, v4;
	v10 =	vadd.f32 v59, v10;
	v47 =	vld [tilespmem:s26+$0xA0]  }
0x190: {  	v7 =	vperm.xlane v9, v3;
	v36 =	vadd.f32 v58, v40;
	[tilespmem:s30+$0x110] =	vst v39;
	v39 =	vadd.f32 v62, v6;
	v6 =	vld [tilespmem:s0+$0xA0]  }
0x191: {  	v45 =	vmul.f32 v32, v45;
	v40 =	vadd.f32 v55, v34;
	v14 =	vperm.xlane v11, v3;
	v62 =	vld [tilespmem:s23+$0xFFFFFE20]  }
0x192: {  	v48 =	vadd.f32 v7, v9;
	v54 =	vperm.xlane v8, v4;
	v44 =	vmul.f32 v60, v46;
	v60 =	vld [tilespmem:s26+$0x120]  }
0x193: {  	v34 =	vadd.f32 v61, v35;
	v58 =	vperm.xlane v36, v4;
	v49 =	vperm.xlane v40, v4;
	v9 =	vld [tilespmem:s0+$0x120]  }
0x194: {  	v61 =	vld [tilespmem:s23+$0xA0];
	v11 =	vadd.f32 v14, v11;
	v14 =	vperm.xlane v10, v4;
	v8 =	vadd.f32 v54, v8  }
0x195: {  	v7 =	vadd.f32 v58, v36;
	v58 =	vld [tilespmem:s23+$0xFFFFFF20];
	v42 =	vperm.xlane v39, v4;
	v41 =	vmul.f32 v53, v63  }
0x196: {  	v23 =	vsel vm2, v37, v26;
	v63 =	vld [tilespmem:s23+$0xFFFFFEA0];
	v53 =	vperm.xlane v48, v4;
	v59 =	vperm.xlane v8, v5  }
0x197: {  	v43 =	vmul.f32 v57, v56;
	v47 =	vmul.f32 v6, v47;
	v6 =	vadd.f32 v14, v10;
	v10 =	vld [tilespmem:s23+$0x20]  }
0x198: {  	v57 =	vperm.xlane v11, v4;
	v8 =	vadd.f32 v59, v8;
	v59 =	vld [tilespmem:s23+$0xFFFFFFA0];
	v14 =	vmul.f32 v9, v60  }
0x199: {  	v32 =	vsel vm2, v13, v52;
	v9 =	vperm.xlane v7, v5;
	v60 =	vmul.f32 v62, v38;
	v62 =	vld [tilespmem:s23+$0x120]  }
0x19a: {  	v44 =	vmul.f32 v58, v44;
	v52 =	vmul.f32 v61, v47;
	v8 =	vmax.f32 v8, $-5.000000000e+00  }
0x19b: {  	v45 =	vmul.f32 v63, v45;
	v63 =	vperm.xlane v60, v2;
	v8 =	vmin.f32 v8, $5.000000000e+00  }
0x19c: {  	v35 =	vadd.f32 v57, v11;
	v11 =	vperm.xlane v44, v2;
	v8 =	vmul.f32 $1.442695020e+00, v8  }
0x19d: {  	v37 =	vadd.f32 v42, v39;
	v50 =	vperm.xlane v45, v2;
	v10 =	vmul.f32 v10, v43  }
0x19e: {  	s5 =	sadd.s32 $0x400, s0;
	v26 =	vadd.f32 v63, v60;
	v41 =	vmul.f32 v59, v41;
	v39 =	vmul.f32 v62, v14  }
0x19f: {  	s31 =	simm.s32 $0xB00;
	v11 =	vadd.f32 v11, v44;
	v63 =	vld [tilespmem:s5+$0x180];
	v14 =	vperm.xlane v52, v2;
	(erf) = vpow2.f32 v8  }
0x1a0: {  	v36 =	vadd.f32 v49, v40;
	v62 =	vld [tilespmem:s31+$0x180];
	v55 =	vperm.xlane v10, v2;
	v56 =	vperm.xlane v26, v3  }
0x1a1: {  	v40 =	vadd.f32 v50, v45;
	v59 =	vperm.xlane v11, v3;
	v51 =	vperm.xlane v41, v2  }
0x1a2: {  	v58 =	vperm.xlane v39, v2;
	v10 =	vadd.f32 v55, v10;
	v26 =	vadd.f32 v56, v26  }
0x1a3: {  	s14 =	sadd.s32 $0x400, s23;
	v57 =	vperm.xlane v40, v3;
	v11 =	vadd.f32 v59, v11;
	v41 =	vadd.f32 v51, v41  }
0x1a4: {  	v56 =	vld [tilespmem:s14+$0x180];
	v39 =	vadd.f32 v58, v39;
	v61 =	vperm.xlane v10, v3;
	v55 =	vperm.xlane v26, v4  }
0x1a5: {  	v40 =	vadd.f32 v57, v40;
	v58 =	vperm.xlane v11, v4;
	v44 =	vmul.f32 v63, v62  }
0x1a6: {  	v38 =	vadd.f32 v53, v48;
	v60 =	vperm.xlane v41, v3;
	v46 =	vperm.xlane v39, v3  }
0x1a7: {  	v54 =	vld [tilespmem:s26+$0x1F0];
	v10 =	vadd.f32 v61, v10;
	v57 =	vperm.xlane v40, v4;
	v47 =	vadd.f32 v55, v26  }
0x1a8: {  	v26 =	vsel vm1, v0, v1;
	v11 =	vadd.f32 v58, v11;
	v41 =	vadd.f32 v60, v41  }
0x1a9: {  	v39 =	vadd.f32 v46, v39;
	v1 =	vmul.f32 v56, v44;
	v60 =	vperm.xlane v10, v4  }
0x1aa: {  	v7 =	vadd.f32 v9, v7;
	v0 =	vperm.xlane v47, v5;
	v49 =	vperm.xlane v11, v5  }
0x1ab: {  	v53 =	vld [tilespmem:s5+$0x0];
	v43 =	vadd.f32 v14, v52;
	v22 =	vpop (erf);
	v59 =	vperm.xlane v41, v4;
	v62 =	vperm.xlane v39, v4  }
0x1ac: {  	v51 =	vld [tilespmem:s31+$0xFFFFFF80];
	v40 =	vadd.f32 v57, v40;
	v48 =	vperm.xlane v1, v2;
	v31 =	vmul.f32 v22, v54  }
0x1ad: {  	v58 =	vld [tilespmem:s31+$0xFFFFFF00];
	v54 =	vperm.xlane v43, v3;
	v10 =	vadd.f32 v60, v10;
	v0 =	vadd.f32 v0, v47  }
0x1ae: {  	v46 =	vld [tilespmem:s5+$0xFFFFFE00];
	v63 =	vperm.xlane v40, v5;
	v11 =	vadd.f32 v49, v11;
	v41 =	vadd.f32 v59, v41  }
0x1af: {  	v8 =	vperm.xlane v6, v5;
	v60 =	vld [tilespmem:s5+$0xFFFFFF00];
	v50 =	vadd.f32 v62, v39;
	v1 =	vadd.f32 v48, v1  }
0x1b0: {  	v47 =	vld [tilespmem:s31+$0xFFFFFE00];
	v42 =	vadd.f32 v54, v43;
	v57 =	vperm.xlane v10, v5;
	v40 =	vadd.f32 v63, v40  }
0x1b1: {  	v39 =	vld [tilespmem:s5+$0xFFFFFE80];
	v0 =	vmax.f32 v0, $-5.000000000e+00;
	v11 =	vmax.f32 v11, $-5.000000000e+00;
	v56 =	vperm.xlane v41, v5  }
0x1b2: {  	v43 =	vld [tilespmem:s31+$0xFFFFFE80];
	v49 =	vperm.xlane v50, v5;
	v0 =	vmin.f32 v0, $5.000000000e+00;
	v11 =	vmin.f32 v11, $5.000000000e+00  }
0x1b3: {  	v62 =	vld [tilespmem:s5+$0xFFFFFF80];
	v61 =	vperm.xlane v42, v4;
	v10 =	vadd.f32 v57, v10;
	v40 =	vmax.f32 v40, $-5.000000000e+00  }
0x1b4: {  	v54 =	vld [tilespmem:s31+$0x80];
	v11 =	vmul.f32 $1.442695020e+00, v11;
	v41 =	vadd.f32 v56, v41;
	v40 =	vmin.f32 v40, $5.000000000e+00  }
0x1b5: {  	v44 =	vmul.f32 v60, v58;
	v60 =	vld [tilespmem:s5+$0x80];
	v42 =	vadd.f32 v61, v42;
	v61 =	vperm.xlane v1, v3  }
0x1b6: {  	v58 =	vld [tilespmem:s14+$0xFFFFFE00];
	v46 =	vmul.f32 v46, v47;
	v10 =	vmax.f32 v10, $-5.000000000e+00;
	v40 =	vmul.f32 $1.442695020e+00, v40  }
0x1b7: {  	v48 =	vld [tilespmem:s31+$0x0];
	v41 =	vmax.f32 v41, $-5.000000000e+00;
	v43 =	vmul.f32 v39, v43;
	v1 =	vadd.f32 v61, v1  }
0x1b8: {  	v56 =	vld [tilespmem:s31+$0x100];
	v10 =	vmin.f32 v10, $5.000000000e+00;
	v59 =	vperm.xlane v42, v5;
	v61 =	vmul.f32 $1.442695020e+00, v0  }
0x1b9: {  	v0 =	vmin.f32 v41, $5.000000000e+00;
	v41 =	vmul.f32 v62, v51;
	v62 =	vld [tilespmem:s5+$0x100];
	v63 =	vperm.xlane v1, v4  }
0x1ba: {  	v10 =	vmul.f32 $1.442695020e+00, v10;
	v42 =	vadd.f32 v59, v42;
	v59 =	vld [tilespmem:s14+$0xFFFFFE80];
	(erf) = vpow2.f32 v61  }
0x1bb: {  	v9 =	vmul.f32 v60, v54;
	v60 =	vld [tilespmem:s14+$0xFFFFFF00];
	v54 =	vmul.f32 v58, v46;
	v1 =	vadd.f32 v63, v1  }
0x1bc: {  	v61 =	vld [tilespmem:s14+$0xFFFFFF80];
	(erf) = vpow2.f32 v40;
	v63 =	vmul.f32 $1.442695020e+00, v0  }
0x1bd: {  	v42 =	vmax.f32 v42, $-5.000000000e+00;
	(erf) = vpow2.f32 v11;
	v45 =	vperm.xlane v1, v5  }
0x1be: {  	v0 =	vmin.f32 v42, $5.000000000e+00;
	v42 =	vmul.f32 v53, v48;
	v11 =	vmul.f32 v62, v56;
	v62 =	vld [tilespmem:s14+$0x0]  }
0x1bf: {  	v56 =	vld [tilespmem:s14+$0x100];
	(erf) = vpow2.f32 v63;
	v43 =	vmul.f32 v59, v43;
	v1 =	vadd.f32 v45, v1  }
0x1c0: {  	v6 =	vadd.f32 v8, v6;
	v63 =	vld [tilespmem:s14+$0x80];
	(erf) = vpow2.f32 v10;
	v8 =	vmul.f32 v60, v44  }
0x1c1: {  	v10 =	vperm.xlane v54, v2;
	v40 =	vmul.f32 v61, v41;
	v1 =	vmax.f32 v1, $-5.000000000e+00  }
0x1c2: {  	v57 =	vperm.xlane v43, v2;
	v59 =	vperm.xlane v8, v2;
	v1 =	vmin.f32 v1, $5.000000000e+00  }
0x1c3: {  	v60 =	vperm.xlane v40, v2;
	v1 =	vmul.f32 $1.442695020e+00, v1  }
0x1c4: {  	v10 =	vadd.f32 v10, v54;
	v58 =	vmul.f32 v62, v42;
	v11 =	vmul.f32 v56, v11  }
0x1c5: {  	v39 =	vsel vm1, v25, v33;
	v9 =	vmul.f32 v63, v9;
	(erf) = vpow2.f32 v1  }
0x1c6: {  	v33 =	vadd.f32 v57, v43;
	v8 =	vadd.f32 v59, v8;
	v57 =	vperm.xlane v10, v3  }
0x1c7: {  	v55 =	vadd.f32 v49, v50;
	v61 =	vperm.xlane v58, v2;
	v63 =	vperm.xlane v11, v2  }
0x1c8: {  	v25 =	vadd.f32 v60, v40;
	v62 =	vperm.xlane v9, v2;
	v59 =	vperm.xlane v8, v3  }
0x1c9: {  	v46 =	vpop (erf);
	v10 =	vadd.f32 v57, v10;
	v43 =	vadd.f32 v61, v58;
	v58 =	vperm.xlane v33, v3  }
0x1ca: {  	v48 =	vld [tilespmem:s31+$0x1C0];
	v42 =	vpop (erf);
	v54 =	vperm.xlane v25, v3;
	v1 =	vmax.f32 v55, $-5.000000000e+00;
	v9 =	vadd.f32 v62, v9  }
0x1cb: {  	v41 =	vpop (erf);
	v11 =	vadd.f32 v63, v11;
	v63 =	vperm.xlane v10, v4;
	v33 =	vadd.f32 v58, v33  }
0x1cc: {  	v40 =	vpop (erf);
	v8 =	vadd.f32 v59, v8;
	v25 =	vadd.f32 v54, v25;
	v61 =	vperm.xlane v9, v3  }
0x1cd: {  	v47 =	vpop (erf);
	v60 =	vperm.xlane v43, v3;
	v10 =	vadd.f32 v63, v10;
	v59 =	vperm.xlane v33, v4  }
0x1ce: {  	v62 =	vperm.xlane v11, v3;
	v9 =	vadd.f32 v61, v9;
	v61 =	vperm.xlane v25, v4;
	v52 =	vpop (erf)  }
0x1cf: {  	v58 =	vperm.xlane v10, v5;
	v33 =	vadd.f32 v59, v33;
	v48 =	vmul.f32 v52, v48  }
0x1d0: {  	s15 =	simm.s32 $0x8300;
	v43 =	vadd.f32 v60, v43;
	v11 =	vadd.f32 v62, v11;
	v60 =	vperm.xlane v8, v4  }
0x1d1: {  	v56 =	vld [tilespmem:s26+$0xFFFFFE60];
	v25 =	vadd.f32 v61, v25;
	v10 =	vadd.f32 v58, v10;
	v45 =	vperm.xlane v33, v5;
	[tilespmem:s15+$0x180] =	vst v48  }
0x1d2: {  	v62 =	vperm.xlane v43, v4;
	v8 =	vadd.f32 v60, v8;
	v63 =	vperm.xlane v9, v4;
	v49 =	vld [tilespmem:s31+$0x190]  }
0x1d3: {  	v61 =	vperm.xlane v25, v5;
	v10 =	vmax.f32 v10, $-5.000000000e+00;
	v33 =	vadd.f32 v45, v33;
	v44 =	vld [tilespmem:s5+$0x190]  }
0x1d4: {  	v54 =	vld [tilespmem:s26+$0xFFFFFEE0];
	v43 =	vadd.f32 v62, v43;
	v57 =	vadd.f32 v63, v9;
	v10 =	vmin.f32 v10, $5.000000000e+00  }
0x1d5: {  	v25 =	vadd.f32 v61, v25;
	v10 =	vmul.f32 $1.442695020e+00, v10;
	v33 =	vmax.f32 v33, $-5.000000000e+00;
	v53 =	vld [tilespmem:s14+$0x190]  }
0x1d6: {  	v55 =	vperm.xlane v57, v5;
	v48 =	vperm.xlane v11, v4;
	v33 =	vmin.f32 v33, $5.000000000e+00  }
0x1d7: {  	v13 =	vld [tilespmem:s26+$0xE0];
	(erf) = vpow2.f32 v10;
	v10 =	vmul.f32 v46, v56;
	v25 =	vmax.f32 v25, $-5.000000000e+00  }
0x1d8: {  	v14 =	vld [tilespmem:s26+$0x160];
	v11 =	vadd.f32 v48, v11;
	v48 =	vperm.xlane v8, v5;
	v44 =	vmul.f32 v44, v49  }
0x1d9: {  	v59 =	vld [tilespmem:s26+$0xFFFFFF60];
	v33 =	vmul.f32 $1.442695020e+00, v33;
	v25 =	vmin.f32 v25, $5.000000000e+00;
	[tilespmem:s30+$0xFFFFFE20] =	vst v10;
	v10 =	vmul.f32 v42, v54  }
0x1da: {  	v60 =	vld [tilespmem:s26+$0xFFFFFFE0];
	v48 =	vadd.f32 v48, v8;
	v61 =	vperm.xlane v11, v5;
	v44 =	vmul.f32 v53, v44  }
0x1db: {  	v58 =	vld [tilespmem:s26+$0x60];
	v25 =	vmul.f32 $1.442695020e+00, v25;
	v49 =	vperm.xlane v43, v5  }
0x1dc: {  	v62 =	vld [tilespmem:s31+$0xFFFFFF40];
	v48 =	vmax.f32 v48, $-5.000000000e+00;
	v11 =	vadd.f32 v61, v11;
	v45 =	vperm.xlane v44, v2  }
0x1dd: {  	v63 =	vld [tilespmem:s31+$0xFFFFFFC0];
	(erf) = vpow2.f32 v33;
	v48 =	vmin.f32 v48, $5.000000000e+00;
	v43 =	vadd.f32 v49, v43  }
0x1de: {  	v9 =	vld [tilespmem:s31+$0x140];
	v49 =	vadd.f32 v55, v57;
	v11 =	vmax.f32 v11, $-5.000000000e+00;
	v44 =	vadd.f32 v45, v44  }
0x1df: {  	v56 =	vld [tilespmem:s31+$0xC0];
	[tilespmem:s30+$0xFFFFFEA0] =	vst v10;
	v61 =	vmul.f32 v41, v59;
	v48 =	vmul.f32 $1.442695020e+00, v48;
	v11 =	vmin.f32 v11, $5.000000000e+00  }
0x1e0: {  	v59 =	vld [tilespmem:s26+$0xFFFFFEB0];
	v54 =	vmax.f32 v43, $-5.000000000e+00;
	v10 =	vmax.f32 v49, $-5.000000000e+00;
	v45 =	vperm.xlane v44, v3  }
0x1e1: {  	v53 =	vld [tilespmem:s31+$0xFFFFFE40];
	(erf) = vpow2.f32 v48;
	v33 =	vmin.f32 v54, $5.000000000e+00;
	v10 =	vmin.f32 v10, $5.000000000e+00  }
0x1e2: {  	v55 =	vld [tilespmem:s31+$0xFFFFFEC0];
	v33 =	vmul.f32 $1.442695020e+00, v33;
	v10 =	vmul.f32 $1.442695020e+00, v10;
	v43 =	vadd.f32 v45, v44  }
0x1e3: {  	v57 =	vld [tilespmem:s31+$0x40];
	[tilespmem:s30+$0xFFFFFF20] =	vst v61;
	v11 =	vmul.f32 $1.442695020e+00, v11;
	(erf) = vpow2.f32 v25  }
0x1e4: {  	v61 =	vld [tilespmem:s26+$0xFFFFFF30];
	(erf) = vpow2.f32 v33;
	v49 =	vperm.xlane v43, v4  }
0x1e5: {  	v12 =	vmul.f32 $1.442695020e+00, v0;
	v54 =	vld [tilespmem:s0+$0xFFFFFE30];
	v48 =	vpop (erf);
	(erf) = vpow2.f32 v10  }
0x1e6: {  	v44 =	vld [tilespmem:s26+$0xFFFFFE30];
	v45 =	vmul.f32 v40, v60;
	(erf) = vpow2.f32 v11;
	v10 =	vpop (erf);
	v43 =	vadd.f32 v49, v43  }
0x1e7: {  	v60 =	vld [tilespmem:s0+$0xFFFFFEB0];
	(erf) = vpow2.f32 v12;
	v12 =	vmul.f32 v10, v55  }
0x1e8: {  	[tilespmem:s30+$0xFFFFFFA0] =	vst v45;
	v45 =	vmul.f32 v47, v58;
	v58 =	vld [tilespmem:s0+$0xFFFFFF30];
	v33 =	vperm.xlane v43, v5  }
0x1e9: {  	v7 =	vmax.f32 v7, $-5.000000000e+00;
	v6 =	vmax.f32 v6, $-5.000000000e+00;
	v1 =	vmin.f32 v1, $5.000000000e+00;
	[tilespmem:s15+$0xFFFFFE80] =	vst v12;
	v49 =	vld [tilespmem:s26+$0xFFFFFFB0]  }
0x1ea: {  	v1 =	vmul.f32 $1.442695020e+00, v1;
	[tilespmem:s30+$0x20] =	vst v45;
	v45 =	vmul.f32 v48, v53;
	v53 =	vld [tilespmem:s0+$0xFFFFFFB0];
	v11 =	vadd.f32 v33, v43  }
0x1eb: {  	v8 =	vmin.f32 v7, $5.000000000e+00;
	v7 =	vmin.f32 v6, $5.000000000e+00;
	v6 =	vld [tilespmem:s31+$0xFFFFFE90]  }
0x1ec: {  	v20 =	vsel vm1, v17, v20;
	(erf) = vpow2.f32 v1;
	v29 =	vpop (erf);
	v0 =	vld [tilespmem:s5+$0xFFFFFE90];
	v1 =	vmax.f32 v11, $-5.000000000e+00  }
0x1ed: {  	v17 =	vperm.xlane v37, v5;
	v62 =	vmul.f32 v29, v62;
	v55 =	vld [tilespmem:s0+$0x30];
	[tilespmem:s15+$0xFFFFFE00] =	vst v45;
	v1 =	vmin.f32 v1, $5.000000000e+00  }
0x1ee: {  	v18 =	vsel vm1, v18, v24;
	v8 =	vmul.f32 $1.442695020e+00, v8;
	v25 =	vpop (erf);
	v24 =	vld [tilespmem:s31+$0xFFFFFE10];
	v1 =	vmul.f32 $1.442695020e+00, v1  }
0x1ef: {  	v63 =	vmul.f32 v25, v63;
	v12 =	vld [tilespmem:s5+$0xFFFFFE10];
	v43 =	vperm.xlane v36, v5  }
0x1f0: {  	v19 =	vsel vm1, v21, v19;
	v45 =	vperm.xlane v34, v5;
	[tilespmem:s15+$0xFFFFFF00] =	vst v62;
	v33 =	vld [tilespmem:s26+$0x30];
	(erf) = vpow2.f32 v1  }
0x1f1: {  	v37 =	vadd.f32 v17, v37;
	v7 =	vmul.f32 $1.442695020e+00, v7;
	v21 =	vmul.f32 v54, v44;
	v44 =	vld [tilespmem:s31+$0xFFFFFF10];
	v62 =	vpop (erf)  }
0x1f2: {  	v54 =	vperm.xlane v38, v5;
	[tilespmem:s15+$0xFFFFFF80] =	vst v63;
	v34 =	vadd.f32 v45, v34;
	v17 =	vmul.f32 v62, v57;
	v57 =	vld [tilespmem:s5+$0xFFFFFF10]  }
0x1f3: {  	v49 =	vmul.f32 v53, v49;
	v63 =	vadd.f32 v43, v36;
	v36 =	vmul.f32 v60, v59;
	v59 =	vld [tilespmem:s31+$0xFFFFFF90];
	v43 =	vpop (erf)  }
0x1f4: {  	v45 =	vmax.f32 v34, $-5.000000000e+00;
	v34 =	vmul.f32 v58, v61;
	v61 =	vld [tilespmem:s5+$0xFFFFFF90];
	v58 =	vpop (erf);
	v1 =	vperm.xlane v35, v5  }
0x1f5: {  	v38 =	vadd.f32 v54, v38;
	[tilespmem:s15+$0x0] =	vst v17;
	v56 =	vmul.f32 v43, v56;
	v33 =	vmul.f32 v55, v33;
	v55 =	vld [tilespmem:s31+$0x1D0];
	v53 =	vpop (erf)  }
0x1f6: {  	v12 =	vmul.f32 v12, v24;
	v9 =	vmul.f32 v58, v9;
	v54 =	vpop (erf);
	v35 =	vadd.f32 v1, v35;
	v1 =	vld [tilespmem:s31+$0x10]  }
0x1f7: {  	v45 =	vmin.f32 v45, $5.000000000e+00;
	v17 =	vmul.f32 v53, v13;
	[tilespmem:s15+$0x80] =	vst v56;
	v13 =	vmul.f32 v54, v14;
	v14 =	vld [tilespmem:s5+$0x10]  }
0x1f8: {  	v24 =	vmax.f32 v37, $-5.000000000e+00;
	v37 =	vmul.f32 v0, v6;
	v44 =	vmul.f32 v57, v44;
	v60 =	vld [tilespmem:s31+$0x90]  }
0x1f9: {  	(erf) = vpow2.f32 v8;
	[tilespmem:s15+$0x100] =	vst v9;
	v9 =	vmul.f32 $1.442695020e+00, v45;
	v56 =	vld [tilespmem:s5+$0x90];
	v0 =	vpop (erf)  }
0x1fa: {  	(erf) = vpow2.f32 v7;
	v57 =	vld [tilespmem:s31+$0x110];
	v7 =	vmul.f32 v0, v55  }
0x1fb: {  	v8 =	vmax.f32 v38, $-5.000000000e+00;
	v38 =	vld [tilespmem:s5+$0x110]  }
0x1fc: {  	(erf) = vpow2.f32 v9;
	v9 =	vld [tilespmem:s14+$0xFFFFFE10];
	[tilespmem:s15+$0x190] =	vst v7  }
0x1fd: {  	v6 =	vmax.f32 v63, $-5.000000000e+00;
	v11 =	vld [tilespmem:$0x1FE80]  }
0x1fe: {  	v24 =	vmin.f32 v24, $5.000000000e+00;
	v35 =	vmax.f32 v35, $-5.000000000e+00;
	v1 =	vmul.f32 v14, v1;
	v14 =	vld [tilespmem:s14+$0xFFFFFF10]  }
0x1ff: {  	v6 =	vmin.f32 v6, $5.000000000e+00;
	v24 =	vmul.f32 $1.442695020e+00, v24;
	v35 =	vmin.f32 v35, $5.000000000e+00;
	v55 =	vld [tilespmem:s14+$0xFFFFFE90]  }
0x200: {  	v7 =	vmin.f32 v8, $5.000000000e+00;
	v8 =	vmul.f32 $1.442695020e+00, v35;
	v35 =	vmul.f32 v61, v59;
	v59 =	vld [tilespmem:s31+$0x1A0]  }
0x201: {  	v6 =	vmul.f32 $1.442695020e+00, v6;
	(erf) = vpow2.f32 v24;
	v24 =	vld [tilespmem:s5+$0x1A0]  }
0x202: {  	v61 =	vnsel vm0, $0x0, v11;
	v11 =	vld [tilespmem:$0x1FE90]  }
0x203: {  	v56 =	vmul.f32 v56, v60;
	(erf) = vpow2.f32 v6;
	v6 =	vnsel vm0, $0x0, v52;
	v52 =	vld [tilespmem:s14+$0x1A0]  }
0x204: {  	v9 =	vmul.f32 v9, v12;
	v12 =	vmul.f32 v38, v57  }
0x205: {  	v50 =	vld [tilespmem:s1+$0xFFFFFEF0];
	v14 =	vmul.f32 v14, v44;
	v7 =	vmul.f32 $1.442695020e+00, v7  }
0x206: {  	v51 =	vld [tilespmem:s1+$0xFFFFFE70];
	(erf) = vpow2.f32 v8;
	v24 =	vmul.f32 v24, v59  }
0x207: {  	v60 =	vld [tilespmem:s1+$0xFFFFFF70];
	(erf) = vpow2.f32 v7;
	v45 =	vnsel vm0, $0x0, v11;
	v11 =	vsel vm2, v26, v46  }
0x208: {  	v38 =	vld [tilespmem:s14+$0xFFFFFF90];
	v37 =	vmul.f32 v55, v37;
	v24 =	vmul.f32 v52, v24;
	[tilespmem:$0x1FEA0] =	vst v11;
	v11 =	vsel vm2, v39, v42  }
0x209: {  	v8 =	vsel vm1, v61, v16;
	v46 =	vperm.xlane v9, v2;
	v61 =	vld [tilespmem:s14+$0x10];
	[tilespmem:$0x1FEB0] =	vst v11;
	v11 =	vsel vm2, v18, v41  }
0x20a: {  	v26 =	vpop (erf);
	v7 =	vsel vm1, v45, v15;
	v45 =	vld [tilespmem:s14+$0x90];
	[tilespmem:$0x1FEC0] =	vst v11;
	v11 =	vsel vm2, v20, v40;
	v20 =	vperm.xlane v24, v2  }
0x20b: {  	v63 =	vperm.xlane v37, v2;
	v16 =	vmul.f32 v26, v51;
	v39 =	vpop (erf);
	v18 =	vld [tilespmem:s14+$0x110]  }
0x20c: {  	v52 =	vmul.f32 v39, v50;
	v9 =	vadd.f32 v46, v9;
	v20 =	vadd.f32 v20, v24  }
0x20d: {  	v41 =	vpop (erf);
	v46 =	vperm.xlane v14, v2;
	[tilespmem:$0x1FED0] =	vst v11;
	v11 =	vsel vm2, v19, v47;
	v19 =	vmul.f32 v38, v35  }
0x20e: {  	v50 =	vadd.f32 v63, v37;
	v15 =	vmul.f32 v41, v60;
	v55 =	vperm.xlane v20, v3  }
0x20f: {  	v14 =	vadd.f32 v46, v14;
	v38 =	vperm.xlane v19, v2;
	v1 =	vmul.f32 v61, v1  }
0x210: {  	v12 =	vmul.f32 v18, v12;
	v18 =	vperm.xlane v9, v3;
	v20 =	vadd.f32 v55, v20  }
0x211: {  	v42 =	vperm.xlane v50, v3;
	v47 =	vmul.f32 v45, v56;
	v19 =	vadd.f32 v38, v19  }
0x212: {  	v51 =	vperm.xlane v1, v2;
	v9 =	vadd.f32 v18, v9;
	v18 =	vperm.xlane v20, v4  }
0x213: {  	v59 =	vperm.xlane v14, v3;
	v24 =	vadd.f32 v42, v50;
	v56 =	vperm.xlane v47, v2  }
0x214: {  	v60 =	vperm.xlane v19, v3;
	v1 =	vadd.f32 v51, v1;
	v18 =	vadd.f32 v18, v20  }
0x215: {  	v14 =	vadd.f32 v59, v14;
	v57 =	vperm.xlane v12, v2;
	v38 =	vadd.f32 v56, v47  }
0x216: {  	v19 =	vadd.f32 v60, v19;
	v61 =	vperm.xlane v1, v3;
	v56 =	vperm.xlane v18, v5  }
0x217: {  	v12 =	vadd.f32 v57, v12;
	v51 =	vperm.xlane v9, v4;
	v63 =	vperm.xlane v38, v3  }
0x218: {  	v20 =	vperm.xlane v24, v4;
	v57 =	vperm.xlane v14, v4;
	v18 =	vadd.f32 v56, v18  }
0x219: {  	v40 =	vperm.xlane v19, v4;
	v1 =	vadd.f32 v61, v1;
	v55 =	vadd.f32 v63, v38  }
0x21a: {  	v50 =	vperm.xlane v12, v3;
	v20 =	vadd.f32 v20, v24;
	v18 =	vmax.f32 v18, $-5.000000000e+00  }
0x21b: {  	v59 =	vperm.xlane v1, v4;
	v60 =	vperm.xlane v55, v4;
	v18 =	vmin.f32 v18, $5.000000000e+00  }
0x21c: {  	[tilespmem:$0x1FEE0] =	vst v11;
	v9 =	vadd.f32 v51, v9;
	v19 =	vadd.f32 v40, v19;
	v18 =	vmul.f32 $1.442695020e+00, v18  }
0x21d: {  	[tilespmem:s30+$0xA0] =	vst v17;
	v45 =	vperm.xlane v20, v5;
	v1 =	vadd.f32 v59, v1;
	v44 =	vadd.f32 v60, v55  }
0x21e: {  	v35 =	vld [tilespmem:s26+$0xB0];
	v14 =	vadd.f32 v57, v14;
	v17 =	vperm.xlane v19, v5;
	(erf) = vpow2.f32 v18  }
0x21f: {  	[tilespmem:s30+$0x120] =	vst v13;
	v13 =	vld [tilespmem:s0+$0xB0];
	v20 =	vadd.f32 v45, v20;
	v47 =	vperm.xlane v44, v5;
	v18 =	vperm.xlane v1, v5  }
0x220: {  	v28 =	vsel vm3, v23, v22;
	v12 =	vadd.f32 v50, v12;
	v17 =	vadd.f32 v17, v19  }
0x221: {  	v23 =	vld [tilespmem:s23+$0x130];
	v63 =	vperm.xlane v9, v5;
	v19 =	vmax.f32 v20, $-5.000000000e+00;
	v20 =	vadd.f32 v47, v44  }
0x222: {  	v24 =	vld [tilespmem:s0+$0x130];
	v46 =	vperm.xlane v14, v5;
	v61 =	vperm.xlane v12, v4  }
0x223: {  	v55 =	vld [tilespmem:s31+$0x1E0];
	v1 =	vadd.f32 v18, v1;
	v38 =	vmax.f32 v20, $-5.000000000e+00;
	v20 =	vmin.f32 v19, $5.000000000e+00;
	v18 =	vpop (erf)  }
0x224: {  	v22 =	vmul.f32 v13, v35;
	v40 =	vld [tilespmem:s26+$0x130];
	v9 =	vadd.f32 v63, v9;
	v51 =	vmax.f32 v17, $-5.000000000e+00;
	v17 =	vpop (erf)  }
0x225: {  	v35 =	vsel vm1, v6, v0;
	v57 =	vld [tilespmem:s23+$0xFFFFFF30];
	v14 =	vadd.f32 v46, v14;
	v12 =	vadd.f32 v61, v12;
	v19 =	vpop (erf)  }
0x226: {  	v46 =	vld [tilespmem:s23+$0xFFFFFEB0];
	v9 =	vmax.f32 v9, $-5.000000000e+00;
	v37 =	vmin.f32 v51, $5.000000000e+00;
	v51 =	vmul.f32 $1.442695020e+00, v20;
	v20 =	vpop (erf)  }
0x227: {  	v59 =	vld [tilespmem:s23+$0xFFFFFFB0];
	v14 =	vmax.f32 v14, $-5.000000000e+00;
	v9 =	vmin.f32 v9, $5.000000000e+00;
	v50 =	vperm.xlane v12, v5;
	v61 =	vpop (erf)  }
0x228: {  	v14 =	vmin.f32 v14, $5.000000000e+00;
	v9 =	vmul.f32 $1.442695020e+00, v9;
	v44 =	vld [tilespmem:s23+$0xFFFFFE30];
	v42 =	vmul.f32 v61, v55  }
0x229: {  	v24 =	vmul.f32 v24, v40;
	v14 =	vmul.f32 $1.442695020e+00, v14;
	v12 =	vadd.f32 v50, v12;
	v50 =	vld [tilespmem:s23+$0x30]  }
0x22a: {  	v0 =	vsel vm2, v8, v53;
	v37 =	vmul.f32 $1.442695020e+00, v37;
	(erf) = vpow2.f32 v9;
	v9 =	vld [tilespmem:s23+$0xB0];
	[tilespmem:s15+$0x1A0] =	vst v42  }
0x22b: {  	v1 =	vmax.f32 v1, $-5.000000000e+00;
	v38 =	vmin.f32 v38, $5.000000000e+00;
	v55 =	vnsel vm0, $0x0, v10;
	v10 =	vld [tilespmem:s31+$0x1B0]  }
0x22c: {  	v12 =	vmax.f32 v12, $-5.000000000e+00;
	v1 =	vmin.f32 v1, $5.000000000e+00;
	(erf) = vpow2.f32 v51;
	v51 =	vld [tilespmem:s5+$0x1B0];
	[tilespmem:$0x1FEF0] =	vst v0  }
0x22d: {  	v45 =	vmul.f32 $1.442695020e+00, v1;
	(erf) = vpow2.f32 v14;
	v0 =	vsel vm2, v7, v54;
	v8 =	vld [tilespmem:s31+$0xFFFFFE50]  }
0x22e: {  	v38 =	vmul.f32 $1.442695020e+00, v38;
	v12 =	vmin.f32 v12, $5.000000000e+00;
	(erf) = vpow2.f32 v37;
	[tilespmem:$0x1FF00] =	vst v0;
	v0 =	vld [tilespmem:$0x1FF10]  }
0x22f: {  	v12 =	vmul.f32 $1.442695020e+00, v12;
	(erf) = vpow2.f32 v45;
	v54 =	vld [tilespmem:s14+$0x1B0]  }
0x230: {  	v56 =	vnsel vm0, $0x0, v48;
	v48 =	vmul.f32 v59, v49;
	(erf) = vpow2.f32 v38;
	v49 =	vld [tilespmem:s31+$0xFFFFFED0]  }
0x231: {  	(erf) = vpow2.f32 v12;
	v12 =	vmul.f32 v50, v33;
	v50 =	vld [tilespmem:s31+$0xFFFFFF50]  }
0x232: {  	v9 =	vmul.f32 v9, v22;
	v22 =	vmul.f32 v23, v24;
	v23 =	vld [tilespmem:s31+$0xFFFFFFD0]  }
0x233: {  	v36 =	vmul.f32 v46, v36;
	v21 =	vmul.f32 v44, v21;
	v44 =	vld [tilespmem:s31+$0x50]  }
0x234: {  	v13 =	vsel vm3, v27, v41;
	v34 =	vmul.f32 v57, v34;
	v60 =	vld [tilespmem:s31+$0xD0];
	v27 =	vpop (erf)  }
0x235: {  	v59 =	vperm.xlane v36, v2;
	v63 =	vld [tilespmem:s31+$0x150];
	v53 =	vpop (erf);
	v8 =	vmul.f32 v27, v8  }
0x236: {  	v57 =	vperm.xlane v21, v2;
	v1 =	vld [tilespmem:s1+$0xFFFFFFF0];
	v10 =	vmul.f32 v51, v10;
	v41 =	vpop (erf)  }
0x237: {  	v51 =	vperm.xlane v48, v2;
	v7 =	vsel vm3, v0, v26;
	v0 =	vld [tilespmem:$0x1FF20];
	v42 =	vpop (erf);
	v26 =	vmul.f32 v53, v49;
	[tilespmem:s15+$0xFFFFFE10] =	vst v8  }
0x238: {  	v21 =	vadd.f32 v57, v21;
	v10 =	vmul.f32 v54, v10;
	v23 =	vmul.f32 v42, v23;
	v47 =	vld [tilespmem:s31+$0xFFFFFE20]  }
0x239: {  	v57 =	vperm.xlane v12, v2;
	v40 =	vpop (erf);
	v8 =	vmul.f32 v41, v50;
	[tilespmem:s15+$0xFFFFFE90] =	vst v26;
	v26 =	vadd.f32 v51, v48;
	v48 =	vld [tilespmem:s5+$0xFFFFFE20]  }
0x23a: {  	v38 =	vpop (erf);
	v54 =	vperm.xlane v10, v2;
	[tilespmem:s15+$0xFFFFFF90] =	vst v23;
	v23 =	vperm.xlane v21, v3;
	v49 =	vld [tilespmem:s31+$0xFFFFFEA0]  }
0x23b: {  	v12 =	vadd.f32 v57, v12;
	v37 =	vpop (erf);
	[tilespmem:s15+$0xFFFFFF10] =	vst v8;
	v8 =	vmul.f32 v38, v60;
	v60 =	vperm.xlane v22, v2;
	v46 =	vld [tilespmem:s5+$0xFFFFFEA0]  }
0x23c: {  	v24 =	vmul.f32 v37, v63;
	v45 =	vsel vm3, v0, v39;
	v39 =	vsel vm2, v35, v61;
	v33 =	vld [tilespmem:s31+$0xFFFFFF20]  }
0x23d: {  	v35 =	vadd.f32 v59, v36;
	v36 =	vld [tilespmem:s5+$0xFFFFFF20];
	v21 =	vadd.f32 v23, v21;
	v23 =	vperm.xlane v12, v3  }
0x23e: {  	v61 =	vperm.xlane v34, v2;
	v10 =	vadd.f32 v54, v10;
	v22 =	vadd.f32 v60, v22;
	v60 =	vld [tilespmem:s31+$0xFFFFFFA0];
	[tilespmem:s15+$0x90] =	vst v8  }
0x23f: {  	v44 =	vmul.f32 v40, v44;
	[tilespmem:s15+$0x110] =	vst v24;
	v12 =	vadd.f32 v23, v12;
	v23 =	vld [tilespmem:s5+$0xA0]  }
0x240: {  	v59 =	vperm.xlane v9, v2;
	v34 =	vadd.f32 v61, v34;
	v61 =	vperm.xlane v10, v3;
	v0 =	vld [tilespmem:s5+$0x120]  }
0x241: {  	[tilespmem:s15+$0x10] =	vst v44;
	v44 =	vmul.f32 v48, v47;
	v47 =	vld [tilespmem:s5+$0xFFFFFFA0]  }
0x242: {  	v9 =	vadd.f32 v59, v9;
	v59 =	vperm.xlane v26, v3;
	v10 =	vadd.f32 v61, v10;
	v61 =	vld [tilespmem:s31+$0x20]  }
0x243: {  	v54 =	vperm.xlane v34, v3;
	v8 =	vmul.f32 v46, v49;
	v49 =	vld [tilespmem:s5+$0x20]  }
0x244: {  	v26 =	vadd.f32 v59, v26;
	v59 =	vmul.f32 v36, v33;
	v36 =	vld [tilespmem:s31+$0x120]  }
0x245: {  	v34 =	vadd.f32 v54, v34;
	v54 =	vld [tilespmem:s31+$0xA0];
	[tilespmem:$0x1FF30] =	vst v1  }
0x246: {  	v1 =	vld [tilespmem:s1+$0x70];
	_ =	sdelay $0x4  }
0x247: {  	[tilespmem:$0x1FF40] =	vst v1  }
0x248: {  	v11 =	vld [tilespmem:s1+$0xF0];
	_ =	sdelay $0x2  }
0x249: {  	v57 =	vperm.xlane v35, v3;
	_ =	sdelay $0x1  }
0x24a: {  	v35 =	vadd.f32 v57, v35;
	v57 =	vperm.xlane v9, v3;
	v1 =	vld [tilespmem:s14+$0xFFFFFE20];
	[tilespmem:$0x1FF50] =	vst v11  }
0x24b: {  	v11 =	vld [tilespmem:s1+$0x170]  }
0x24c: {  	v63 =	vperm.xlane v22, v3;
	v9 =	vadd.f32 v57, v9  }
0x24d: {  	v33 =	vperm.xlane v12, v4  }
0x24e: {  	v46 =	vadd.f32 v63, v22;
	v54 =	vmul.f32 v23, v54;
	v23 =	vperm.xlane v9, v4  }
0x24f: {  	v60 =	vmul.f32 v47, v60;
	v61 =	vmul.f32 v49, v61;
	v49 =	vadd.f32 v33, v12  }
0x250: {  	v47 =	vadd.f32 v23, v9;
	v9 =	vperm.xlane v46, v4;
	v12 =	vld [tilespmem:s14+$0xFFFFFEA0];
	[tilespmem:$0x1FF60] =	vst v11;
	v11 =	vnsel vm0, $0x0, v43  }
0x251: {  	[tilespmem:$0x1FF70] =	vst v11  }
0x252: {  	v46 =	vadd.f32 v9, v46;
	v11 =	vnsel vm0, $0x0, v58;
	v9 =	vld [tilespmem:s14+$0xFFFFFF20]  }
0x253: {  	[tilespmem:$0x1FF80] =	vst v11;
	v11 =	vld [tilespmem:$0x1FF90];
	_ =	sdelay $0x2  }
0x254: {  	v51 =	vperm.xlane v35, v4;
	_ =	sdelay $0x1  }
0x255: {  	v48 =	vperm.xlane v10, v4;
	v6 =	vadd.f32 v51, v35;
	v51 =	vsel vm3, v11, v17;
	v11 =	vld [tilespmem:$0x1FFA0];
	_ =	sdelay $0x1  }
0x256: {  	v10 =	vadd.f32 v48, v10;
	_ =	sdelay $0x1  }
0x257: {  	v50 =	vperm.xlane v10, v5  }
0x258: {  	v14 =	vsel vm3, v11, v19;
	v11 =	vld [tilespmem:$0x1FFB0]  }
0x259: {  	v10 =	vadd.f32 v50, v10;
	_ =	sdelay $0x1  }
0x25a: {  	v10 =	vmax.f32 v10, $-5.000000000e+00  }
0x25b: {  	v48 =	vperm.xlane v21, v4;
	v35 =	vnsel vm0, $0x0, v29;
	v10 =	vmin.f32 v10, $5.000000000e+00  }
0x25c: {  	v10 =	vmul.f32 $1.442695020e+00, v10;
	v43 =	vsel vm1, v56, v27;
	v27 =	vperm.xlane v6, v5;
	v29 =	vld [tilespmem:s14+$0xFFFFFFA0];
	[tilespmem:s29+$0x1B0] =	vst v11  }
0x25d: {  	v63 =	vadd.f32 v48, v21;
	v11 =	vld [tilespmem:$0x1FFC0]  }
0x25e: {  	(erf) = vpow2.f32 v10;
	v9 =	vmul.f32 v9, v59;
	v59 =	vadd.f32 v27, v6;
	v6 =	vld [tilespmem:s26+$0xFFFFFF70]  }
0x25f: {  	v21 =	vsel vm3, v30, v18;
	v10 =	vperm.xlane v63, v5;
	v8 =	vmul.f32 v12, v8;
	v30 =	vld [tilespmem:s14+$0x20]  }
0x260: {  	v57 =	vperm.xlane v34, v4;
	v1 =	vmul.f32 v1, v44;
	v12 =	vld [tilespmem:s14+$0xA0]  }
0x261: {  	v58 =	vadd.f32 v10, v63;
	v63 =	vperm.xlane v8, v2;
	v10 =	vld [tilespmem:s14+$0x120];
	[tilespmem:s30+$0x1B0] =	vst v31  }
0x262: {  	v48 =	vperm.xlane v26, v4;
	v57 =	vadd.f32 v57, v34;
	v50 =	vperm.xlane v1, v2;
	v33 =	vld [tilespmem:s26+$0xFFFFFE70];
	[tilespmem:s29+$0x1C0] =	vst v11  }
0x263: {  	v34 =	vnsel vm0, $0x0, v62;
	v62 =	vsel vm3, v32, v20;
	v32 =	vld [tilespmem:s26+$0xFFFFFEF0];
	v8 =	vadd.f32 v63, v8;
	[tilespmem:$0x1FFD0] =	vst v6  }
0x264: {  	v0 =	vmul.f32 v0, v36;
	v11 =	vadd.f32 v50, v1;
	v1 =	vld [tilespmem:s26+$0x70]  }
0x265: {  	v48 =	vadd.f32 v48, v26;
	v26 =	vperm.xlane v8, v3;
	v29 =	vmul.f32 v29, v60  }
0x266: {  	v24 =	vmul.f32 v30, v61;
	v12 =	vmul.f32 v12, v54;
	[tilespmem:s30+$0x1C0] =	vst v28  }
0x267: {  	v36 =	vnsel vm0, $0x0, v25;
	v0 =	vmul.f32 v10, v0;
	v30 =	vperm.xlane v29, v2;
	[tilespmem:s29+$0xFFFFFE40] =	vst v7  }
0x268: {  	v44 =	vsel vm1, v55, v53;
	v6 =	vperm.xlane v9, v2;
	v54 =	vld [tilespmem:s31+$0x1F0];
	v7 =	vperm.xlane v24, v2;
	[tilespmem:s29+$0xFFFFFE30] =	vst v16  }
0x269: {  	v25 =	vperm.xlane v12, v2;
	v10 =	vadd.f32 v30, v29;
	v31 =	vld [tilespmem:s26+$0xFFFFFFF0];
	v50 =	vperm.xlane v11, v3;
	[tilespmem:$0x1FFE0] =	vst v1  }
0x26a: {  	v6 =	vadd.f32 v6, v9;
	v61 =	vadd.f32 v7, v24;
	v7 =	vperm.xlane v0, v2;
	[tilespmem:s29+$0xFFFFFEC0] =	vst v45;
	v30 =	vld [tilespmem:s26+$0xF0]  }
0x26b: {  	v60 =	vadd.f32 v26, v8;
	v12 =	vadd.f32 v25, v12;
	v9 =	vperm.xlane v10, v3;
	[tilespmem:s29+$0xFFFFFEB0] =	vst v52;
	v29 =	vld [tilespmem:s26+$0x170]  }
0x26c: {  	v11 =	vadd.f32 v50, v11;
	v24 =	vperm.xlane v6, v3;
	v0 =	vadd.f32 v7, v0;
	[tilespmem:s29+$0xFFFFFF30] =	vst v15;
	v56 =	vld [tilespmem:s31+$0xFFFFFE60]  }
0x26d: {  	v26 =	vperm.xlane v12, v3;
	v7 =	vadd.f32 v9, v10;
	v1 =	vperm.xlane v61, v3;
	[tilespmem:s29+$0xFFFFFF40] =	vst v13;
	v53 =	vld [tilespmem:s31+$0xFFFFFEE0]  }
0x26e: {  	v10 =	vperm.xlane v11, v4;
	v8 =	vadd.f32 v24, v6;
	v45 =	vpop (erf);
	[tilespmem:s29+$0xFFFFFFC0] =	vst v21;
	v9 =	vperm.xlane v0, v3;
	v55 =	vld [tilespmem:s31+$0xFFFFFFE0]  }
0x26f: {  	v52 =	vld [tilespmem:s31+$0x60];
	[tilespmem:s29+$0x140] =	vst v62;
	v62 =	vperm.xlane v7, v4;
	v25 =	vmul.f32 v45, v54;
	v6 =	vadd.f32 v1, v61  }
0x270: {  	[tilespmem:s29+$0x40] =	vst v51;
	v51 =	vld [tilespmem:s31+$0xE0];
	v1 =	vadd.f32 v26, v12;
	v12 =	vperm.xlane v60, v4;
	v0 =	vadd.f32 v9, v0  }
0x271: {  	s2 =	smov.u32 s5;
	s0 =	smov.u32 s14;
	[tilespmem:s29+$0xC0] =	vst v14;
	v11 =	vadd.f32 v10, v11;
	v50 =	vld [tilespmem:s31+$0x160];
	v61 =	vperm.xlane v8, v4;
	v10 =	vperm.xlane v6, v4  }
0x272: {  	s23 =	simm.s32 $0xF00;
	s1 =	simm.s32 $0x8300;
	s26 =	simm.s32 $0x10;
	v54 =	vld [tilespmem:s31+$0xFFFFFF60];
	[tilespmem:s15+$0x1B0] =	vst v25;
	v12 =	vadd.f32 v12, v60;
	v60 =	vperm.xlane v1, v4;
	v9 =	vperm.xlane v0, v4  }
.LBB2_7:
0x273: {  	v63 =	vld [tilespmem:s23+$0x180]  }
0x274: {  	v16 =	vld [tilespmem:s23+$0xFFFFFE80]  }
0x275: {  	v21 =	vld [tilespmem:s23+$0x100]  }
0x276: {  	s5 =	sadd.s32 $0x400, s5;
	v23 =	vld [tilespmem:s23+$0xFFFFFE00]  }
0x277: {  	v13 =	vperm.xlane v11, v5;
	v8 =	vadd.f32 v61, v8;
	v7 =	vadd.f32 v62, v7;
	v61 =	vld [tilespmem:s5+$0x180]  }
0x278: {  	s14 =	sadd.s32 $0x400, s14;
	v25 =	vperm.xlane v12, v5;
	v6 =	vadd.f32 v10, v6;
	v1 =	vadd.f32 v60, v1;
	v10 =	vld [tilespmem:s5+$0xFFFFFE00]  }
0x279: {  	v0 =	vadd.f32 v9, v0;
	v9 =	vld [tilespmem:s14+$0x180];
	v26 =	vperm.xlane v8, v5;
	v14 =	vperm.xlane v7, v5  }
0x27a: {  	v22 =	vld [tilespmem:s5+$0x100];
	v11 =	vadd.f32 v13, v11;
	v13 =	vperm.xlane v6, v5;
	v15 =	vperm.xlane v1, v5  }
0x27b: {  	v60 =	vld [tilespmem:s23+$0xFFFFFF80];
	v12 =	vadd.f32 v25, v12;
	v24 =	vperm.xlane v0, v5;
	v8 =	vadd.f32 v26, v8  }
0x27c: {  	v25 =	vld [tilespmem:s5+$0xFFFFFE80];
	v7 =	vadd.f32 v14, v7;
	v6 =	vadd.f32 v13, v6;
	v14 =	vmul.f32 v61, v63  }
0x27d: {  	v11 =	vmax.f32 v11, $-5.000000000e+00;
	v13 =	vld [tilespmem:s23+$0xFFFFFF00];
	v1 =	vadd.f32 v15, v1;
	v0 =	vadd.f32 v24, v0  }
0x27e: {  	v15 =	vld [tilespmem:s5+$0xFFFFFF00];
	v12 =	vmax.f32 v12, $-5.000000000e+00;
	v11 =	vmin.f32 v11, $5.000000000e+00;
	v9 =	vmul.f32 v9, v14  }
0x27f: {  	v12 =	vmin.f32 v12, $5.000000000e+00;
	v21 =	vmul.f32 v22, v21;
	v10 =	vmul.f32 v10, v23;
	v14 =	vld [tilespmem:s5+$0xFFFFFF80]  }
0x280: {  	v8 =	vmax.f32 v8, $-5.000000000e+00;
	v7 =	vmax.f32 v7, $-5.000000000e+00;
	v24 =	vperm.xlane v9, v2  }
0x281: {  	v62 =	vld [tilespmem:s5+$0x80];
	v6 =	vmax.f32 v6, $-5.000000000e+00;
	v1 =	vmax.f32 v1, $-5.000000000e+00;
	v11 =	vmul.f32 $1.442695020e+00, v11  }
0x282: {  	v26 =	vld [tilespmem:s23+$0x0];
	v12 =	vmul.f32 $1.442695020e+00, v12;
	v16 =	vmul.f32 v25, v16;
	v9 =	vadd.f32 v24, v9  }
0x283: {  	v8 =	vmin.f32 v8, $5.000000000e+00;
	v7 =	vmin.f32 v7, $5.000000000e+00;
	v13 =	vmul.f32 v15, v13;
	v15 =	vld [tilespmem:s23+$0x80]  }
0x284: {  	v25 =	vld [tilespmem:s5+$0x0];
	v6 =	vmin.f32 v6, $5.000000000e+00;
	v14 =	vmul.f32 v14, v60;
	v60 =	vperm.xlane v9, v3  }
0x285: {  	v1 =	vmin.f32 v1, $5.000000000e+00;
	v8 =	vmul.f32 $1.442695020e+00, v8;
	v7 =	vmul.f32 $1.442695020e+00, v7  }
0x286: {  	v63 =	vld [tilespmem:s14+$0xFFFFFE00];
	v6 =	vmul.f32 $1.442695020e+00, v6;
	v61 =	vmul.f32 $1.442695020e+00, v1;
	v9 =	vadd.f32 v60, v9  }
0x287: {  	v1 =	vsel vm1, v35, v41;
	v35 =	vld [tilespmem:s14+$0xFFFFFF00];
	(erf) = vpow2.f32 v11;
	v11 =	vperm.xlane v57, v5  }
0x288: {  	v15 =	vmul.f32 v62, v15;
	v62 =	vperm.xlane v9, v4  }
0x289: {  	v40 =	vsel vm1, v34, v40;
	(erf) = vpow2.f32 v12;
	v24 =	vmul.f32 v25, v26;
	v25 =	vld [tilespmem:s14+$0xFFFFFE80]  }
0x28a: {  	(erf) = vpow2.f32 v8;
	v8 =	vadd.f32 v11, v57;
	v11 =	vld [tilespmem:s14+$0x80];
	v9 =	vadd.f32 v62, v9  }
0x28b: {  	v0 =	vmax.f32 v0, $-5.000000000e+00;
	(erf) = vpow2.f32 v7;
	v7 =	vmul.f32 v63, v10;
	v26 =	vld [tilespmem:s14+$0xFFFFFF80]  }
0x28c: {  	v0 =	vmin.f32 v0, $5.000000000e+00;
	v13 =	vmul.f32 v35, v13;
	v22 =	vperm.xlane v9, v5  }
0x28d: {  	v12 =	vld [tilespmem:s14+$0x0];
	v8 =	vmax.f32 v8, $-5.000000000e+00;
	(erf) = vpow2.f32 v6;
	v6 =	vperm.xlane v7, v2  }
0x28e: {  	v23 =	vperm.xlane v13, v2;
	v10 =	vmul.f32 v25, v16;
	v16 =	vld [tilespmem:s14+$0x100];
	v9 =	vadd.f32 v22, v9  }
0x28f: {  	v34 =	vmin.f32 v8, $5.000000000e+00;
	v60 =	vmul.f32 $1.442695020e+00, v0;
	v11 =	vmul.f32 v11, v15  }
0x290: {  	v14 =	vmul.f32 v26, v14;
	v13 =	vadd.f32 v23, v13;
	v9 =	vmax.f32 v9, $-5.000000000e+00  }
0x291: {  	v23 =	vperm.xlane v11, v2;
	v8 =	vperm.xlane v10, v2;
	v9 =	vmin.f32 v9, $5.000000000e+00  }
0x292: {  	v22 =	vmul.f32 v12, v24;
	v24 =	vmul.f32 $1.442695020e+00, v9  }
0x293: {  	v6 =	vadd.f32 v6, v7;
	v15 =	vperm.xlane v14, v2;
	v7 =	vmul.f32 v16, v21;
	v12 =	vpop (erf)  }
0x294: {  	v23 =	vadd.f32 v23, v11;
	v21 =	vpop (erf);
	v16 =	vperm.xlane v22, v2;
	(erf) = vpow2.f32 v24  }
0x295: {  	v25 =	vperm.xlane v13, v3;
	v8 =	vadd.f32 v8, v10;
	v14 =	vadd.f32 v15, v14  }
0x296: {  	v15 =	vadd.f32 v16, v22;
	v16 =	vperm.xlane v7, v2;
	v22 =	vperm.xlane v6, v3  }
0x297: {  	v13 =	vadd.f32 v25, v13;
	v26 =	vperm.xlane v14, v3;
	v24 =	vperm.xlane v8, v3  }
0x298: {  	v7 =	vadd.f32 v16, v7;
	v6 =	vadd.f32 v22, v6;
	v16 =	vperm.xlane v15, v3  }
0x299: {  	v25 =	vld [tilespmem:s23+$0x1C0];
	v14 =	vadd.f32 v26, v14;
	v22 =	vperm.xlane v23, v3;
	v8 =	vadd.f32 v24, v8  }
0x29a: {  	v10 =	vpop (erf);
	v24 =	vperm.xlane v7, v3;
	v28 =	vperm.xlane v6, v4;
	v15 =	vadd.f32 v16, v15  }
0x29b: {  	v9 =	vpop (erf);
	v22 =	vadd.f32 v22, v23;
	v23 =	vperm.xlane v13, v4;
	v16 =	vperm.xlane v8, v4  }
0x29c: {  	v11 =	vpop (erf);
	v7 =	vadd.f32 v24, v7;
	v6 =	vadd.f32 v28, v6;
	v24 =	vperm.xlane v14, v4  }
0x29d: {  	v26 =	vperm.xlane v22, v4;
	v8 =	vadd.f32 v16, v8;
	v16 =	vperm.xlane v15, v4;
	v27 =	vpop (erf)  }
0x29e: {  	v13 =	vadd.f32 v23, v13;
	v23 =	vperm.xlane v7, v4;
	v25 =	vmul.f32 v27, v25  }
0x29f: {  	s15 =	sadd.s32 $0x400, s15;
	v28 =	vperm.xlane v6, v5;
	v14 =	vadd.f32 v24, v14;
	v22 =	vadd.f32 v26, v22  }
0x2a0: {  	v15 =	vadd.f32 v16, v15;
	v16 =	vperm.xlane v8, v5;
	v7 =	vadd.f32 v23, v7;
	[tilespmem:s15+$0x180] =	vst v25  }
0x2a1: {  	v6 =	vadd.f32 v28, v6;
	v23 =	vperm.xlane v13, v5;
	v24 =	vperm.xlane v14, v5;
	v25 =	vld [tilespmem:s23+$0x190]  }
0x2a2: {  	v26 =	vperm.xlane v22, v5;
	v8 =	vadd.f32 v16, v8;
	v16 =	vperm.xlane v15, v5;
	v28 =	vld [tilespmem:s5+$0x190]  }
0x2a3: {  	v13 =	vadd.f32 v23, v13;
	v14 =	vadd.f32 v24, v14;
	v23 =	vperm.xlane v7, v5  }
0x2a4: {  	v6 =	vmax.f32 v6, $-5.000000000e+00;
	v15 =	vadd.f32 v16, v15;
	v16 =	vadd.f32 v26, v22;
	v22 =	vld [tilespmem:s14+$0x190]  }
0x2a5: {  	v6 =	vmin.f32 v6, $5.000000000e+00;
	v8 =	vmax.f32 v8, $-5.000000000e+00;
	v13 =	vmax.f32 v13, $-5.000000000e+00  }
0x2a6: {  	v7 =	vadd.f32 v23, v7;
	v14 =	vmax.f32 v14, $-5.000000000e+00;
	v8 =	vmin.f32 v8, $5.000000000e+00  }
0x2a7: {  	v13 =	vmin.f32 v13, $5.000000000e+00;
	v14 =	vmin.f32 v14, $5.000000000e+00;
	v23 =	vmul.f32 v28, v25  }
0x2a8: {  	v41 =	vld [tilespmem:s23+$0xFFFFFFC0];
	v15 =	vmax.f32 v15, $-5.000000000e+00;
	v16 =	vmax.f32 v16, $-5.000000000e+00;
	v24 =	vmul.f32 $1.442695020e+00, v8  }
0x2a9: {  	v7 =	vmax.f32 v7, $-5.000000000e+00;
	v22 =	vmul.f32 v22, v23;
	v23 =	vmul.f32 $1.442695020e+00, v6;
	v6 =	vld [tilespmem:$0x1FF70]  }
0x2aa: {  	v57 =	vld [tilespmem:s23+$0xFFFFFF40];
	v13 =	vmul.f32 $1.442695020e+00, v13;
	v14 =	vmul.f32 $1.442695020e+00, v14;
	v15 =	vmin.f32 v15, $5.000000000e+00  }
0x2ab: {  	v63 =	vld [tilespmem:s23+$0xFFFFFEC0];
	v16 =	vmin.f32 v16, $5.000000000e+00;
	v15 =	vmul.f32 $1.442695020e+00, v15;
	v25 =	vperm.xlane v22, v2  }
0x2ac: {  	v35 =	vld [tilespmem:s23+$0x140];
	v8 =	vmin.f32 v7, $5.000000000e+00;
	(erf) = vpow2.f32 v23;
	v23 =	vmul.f32 v12, v56  }
0x2ad: {  	v62 =	vld [tilespmem:s23+$0xFFFFFE40];
	v56 =	vsel vm2, v43, v12;
	v12 =	vmul.f32 v21, v53;
	(erf) = vpow2.f32 v24  }
0x2ae: {  	(erf) = vpow2.f32 v13;
	[tilespmem:s1+$0xFFFFFE20] =	vst v23;
	v6 =	vsel vm1, v6, v38;
	v38 =	vmul.f32 $1.442695020e+00, v8;
	v8 =	vld [tilespmem:$0x1FF80]  }
0x2af: {  	v0 =	vsel vm1, v36, v42;
	v16 =	vmul.f32 $1.442695020e+00, v16;
	[tilespmem:s1+$0xFFFFFEA0] =	vst v12;
	(erf) = vpow2.f32 v14;
	v14 =	vld [tilespmem:s31+$0xFFFFFE30]  }
0x2b0: {  	v53 =	vsel vm2, v44, v21;
	v21 =	vmul.f32 v10, v54;
	v22 =	vadd.f32 v25, v22;
	v12 =	vld [tilespmem:s31+$0xFFFFFEB0]  }
0x2b1: {  	v54 =	vsel vm2, v1, v10;
	v1 =	vmul.f32 v9, v55;
	v55 =	vsel vm2, v0, v9;
	v0 =	vld [tilespmem:s2+$0xFFFFFEB0]  }
0x2b2: {  	v25 =	vperm.xlane v22, v3;
	(erf) = vpow2.f32 v15;
	v15 =	vld [tilespmem:s2+$0xFFFFFE30]  }
0x2b3: {  	v36 =	vld [tilespmem:s23+$0x40];
	[tilespmem:s1+$0xFFFFFFA0] =	vst v1;
	v1 =	vmul.f32 v11, v52  }
0x2b4: {  	v42 =	vld [tilespmem:s23+$0xC0];
	(erf) = vpow2.f32 v16;
	v13 =	vadd.f32 v25, v22  }
0x2b5: {  	v40 =	vsel vm2, v40, v11;
	v11 =	vperm.xlane v48, v5;
	v23 =	vld [tilespmem:s2+$0xFFFFFFB0];
	[tilespmem:s1+$0x20] =	vst v1;
	(erf) = vpow2.f32 v38  }
0x2b6: {  	v10 =	vperm.xlane v13, v4;
	v38 =	vmul.f32 v0, v12;
	v0 =	vld [tilespmem:s31+$0x30]  }
0x2b7: {  	[tilespmem:s1+$0xFFFFFF20] =	vst v21;
	(erf) = vpow2.f32 v61;
	v8 =	vsel vm1, v8, v37;
	v37 =	vmul.f32 v15, v14;
	v14 =	vld [tilespmem:s31+$0xFFFFFFB0]  }
0x2b8: {  	v1 =	vsel vm3, v39, v45;
	v22 =	vpop (erf);
	v9 =	vadd.f32 v10, v13;
	v10 =	vld [tilespmem:s31+$0xFFFFFF30]  }
0x2b9: {  	[tilespmem:s1+$0x1C0] =	vst v1;
	v1 =	vadd.f32 v11, v48;
	(erf) = vpow2.f32 v60;
	v13 =	vld [tilespmem:s2+$0xFFFFFF30];
	v11 =	vmul.f32 v22, v62;
	v15 =	vpop (erf)  }
0x2ba: {  	v62 =	vmul.f32 v15, v63;
	v63 =	vld [tilespmem:s2+$0x30];
	v60 =	vperm.xlane v9, v5  }
0x2bb: {  	v16 =	vperm.xlane v49, v5;
	v61 =	vperm.xlane v47, v5;
	v21 =	vpop (erf);
	v44 =	vnsel vm0, $0x0, v15;
	v15 =	vld [tilespmem:s23+$0x1D0];
	[tilespmem:s15+$0xFFFFFE00] =	vst v11  }
0x2bc: {  	v7 =	vnsel vm0, $0x0, v27;
	v11 =	vmul.f32 v21, v57;
	v12 =	vpop (erf);
	v28 =	vld [tilespmem:s23+$0xFFFFFE10];
	[tilespmem:s15+$0xFFFFFE80] =	vst v62;
	v9 =	vadd.f32 v60, v9  }
0x2bd: {  	v27 =	vperm.xlane v46, v5;
	v16 =	vadd.f32 v16, v49;
	v24 =	vadd.f32 v61, v47;
	v39 =	vpop (erf);
	v48 =	vld [tilespmem:s23+$0xFFFFFE90]  }
0x2be: {  	v47 =	vmul.f32 v12, v41;
	[tilespmem:s15+$0xFFFFFF00] =	vst v11;
	v57 =	vld [tilespmem:s5+$0xFFFFFE90];
	v41 =	vmul.f32 v13, v10;
	v13 =	vpop (erf);
	v9 =	vmax.f32 v9, $-5.000000000e+00  }
0x2bf: {  	v11 =	vmul.f32 v39, v36;
	v61 =	vld [tilespmem:s5+$0xFFFFFF10];
	v49 =	vmul.f32 v13, v42;
	v52 =	vpop (erf);
	v9 =	vmin.f32 v9, $5.000000000e+00  }
0x2c0: {  	v42 =	vmul.f32 v23, v14;
	v23 =	vld [tilespmem:s23+$0xFFFFFF10];
	v14 =	vpop (erf);
	v9 =	vmul.f32 $1.442695020e+00, v9  }
0x2c1: {  	v58 =	vmax.f32 v58, $-5.000000000e+00;
	v59 =	vmax.f32 v59, $-5.000000000e+00;
	[tilespmem:s15+$0xFFFFFF80] =	vst v47;
	v47 =	vsel vm2, v6, v14;
	v6 =	vld [tilespmem:$0x1FF30]  }
0x2c2: {  	v27 =	vadd.f32 v27, v46;
	v10 =	vld [tilespmem:s5+$0xFFFFFE10];
	[tilespmem:s15+$0x0] =	vst v11;
	v11 =	vmul.f32 v52, v35;
	(erf) = vpow2.f32 v9  }
0x2c3: {  	v58 =	vmin.f32 v58, $5.000000000e+00;
	v59 =	vmin.f32 v59, $5.000000000e+00;
	v1 =	vmax.f32 v1, $-5.000000000e+00;
	v62 =	vld [tilespmem:s23+$0xFFFFFF90];
	v60 =	vpop (erf)  }
0x2c4: {  	v45 =	vmul.f32 v63, v0;
	[tilespmem:s15+$0x100] =	vst v11;
	v0 =	vmul.f32 v60, v50;
	v11 =	vmax.f32 v27, $-5.000000000e+00;
	v27 =	vld [tilespmem:s23+$0x10]  }
0x2c5: {  	v1 =	vmin.f32 v1, $5.000000000e+00;
	v16 =	vmax.f32 v16, $-5.000000000e+00;
	[tilespmem:s15+$0x80] =	vst v49;
	v9 =	vmul.f32 v14, v51;
	v14 =	vld [tilespmem:$0x1FFE0]  }
0x2c6: {  	v35 =	vnsel vm0, $0x0, v21;
	[tilespmem:s1+$0x120] =	vst v0;
	v21 =	vmul.f32 v61, v23;
	v23 =	vld [tilespmem:s5+$0x10];
	v6 =	vmul.f32 v18, v6  }
0x2c7: {  	v1 =	vmul.f32 $1.442695020e+00, v1;
	v0 =	vmul.f32 $1.442695020e+00, v58;
	[tilespmem:s1+$0xA0] =	vst v9;
	v9 =	vmin.f32 v16, $5.000000000e+00;
	v16 =	vld [tilespmem:s5+$0xFFFFFF90]  }
0x2c8: {  	v24 =	vmax.f32 v24, $-5.000000000e+00;
	v36 =	vnsel vm0, $0x0, v12;
	v63 =	vmul.f32 $1.442695020e+00, v34;
	[tilespmem:s29+$0xFFFFFFB0] =	vst v6;
	v6 =	vld [tilespmem:$0x1FF40]  }
0x2c9: {  	v10 =	vmul.f32 v10, v28;
	v12 =	vld [tilespmem:s23+$0x90];
	(erf) = vpow2.f32 v0;
	v0 =	vnsel vm0, $0x0, v13  }
0x2ca: {  	v11 =	vmin.f32 v11, $5.000000000e+00;
	v28 =	vmul.f32 $1.442695020e+00, v59;
	v51 =	vld [tilespmem:s5+$0x90];
	[tilespmem:$0x1FF70] =	vst v0;
	v0 =	vnsel vm0, $0x0, v52  }
0x2cb: {  	v24 =	vmin.f32 v24, $5.000000000e+00;
	v11 =	vmul.f32 $1.442695020e+00, v11;
	v9 =	vmul.f32 $1.442695020e+00, v9;
	[tilespmem:$0x1FF80] =	vst v0;
	v0 =	vld [tilespmem:s23+$0x110];
	v13 =	vpop (erf)  }
0x2cc: {  	v34 =	vnsel vm0, $0x0, v39;
	(erf) = vpow2.f32 v28;
	v28 =	vld [tilespmem:s5+$0x110];
	v15 =	vmul.f32 v13, v15  }
0x2cd: {  	v39 =	vsel vm1, v7, v13;
	(erf) = vpow2.f32 v63;
	v7 =	vld [tilespmem:s14+$0xFFFFFE10];
	v6 =	vmul.f32 v17, v6  }
0x2ce: {  	v24 =	vmul.f32 $1.442695020e+00, v24;
	(erf) = vpow2.f32 v1;
	v1 =	vld [tilespmem:s14+$0xFFFFFE90];
	[tilespmem:s15+$0x190] =	vst v15  }
0x2cf: {  	(erf) = vpow2.f32 v9;
	[tilespmem:s29+$0x30] =	vst v6;
	v6 =	vld [tilespmem:$0x1FF60]  }
0x2d0: {  	v9 =	vld [tilespmem:s23+$0x1A0];
	(erf) = vpow2.f32 v24  }
0x2d1: {  	v46 =	vsel vm2, v8, v60;
	v8 =	vmovc v31;
	(erf) = vpow2.f32 v11;
	v11 =	vmov v14;
	v14 =	vld [tilespmem:$0x1FF50]  }
0x2d2: {  	[tilespmem:$0x1FF30] =	vst v8;
	v8 =	vmul.f32 v51, v12;
	v12 =	vld [tilespmem:s5+$0x1A0]  }
0x2d3: {  	v43 =	vnsel vm0, $0x0, v22;
	v22 =	vmul.f32 v57, v48;
	[tilespmem:$0x1FF40] =	vst v11;
	v11 =	vld [tilespmem:s14+$0xFFFFFF10]  }
0x2d4: {  	v7 =	vmul.f32 v7, v10;
	v10 =	vld [tilespmem:s14+$0x1A0]  }
0x2d5: {  	v1 =	vmul.f32 v1, v22;
	v6 =	vmul.f32 v20, v6;
	v20 =	vld [tilespmem:s14+$0x10]  }
0x2d6: {  	v14 =	vmul.f32 v19, v14;
	v19 =	vld [tilespmem:$0x1FEA0]  }
0x2d7: {  	v15 =	vmov v29;
	v9 =	vmul.f32 v12, v9;
	v12 =	vld [tilespmem:$0x1FEB0];
	[tilespmem:s29+$0x130] =	vst v6;
	v6 =	vperm.xlane v1, v2  }
0x2d8: {  	v16 =	vmul.f32 v16, v62;
	v13 =	vmul.f32 v23, v27;
	[tilespmem:$0x1FF60] =	vst v15;
	v15 =	vld [tilespmem:s14+$0xFFFFFF90]  }
0x2d9: {  	v17 =	vpop (erf);
	v11 =	vmul.f32 v11, v21;
	[tilespmem:s29+$0xB0] =	vst v14;
	v1 =	vadd.f32 v6, v1;
	v6 =	vmul.f32 v10, v9;
	v9 =	vld [tilespmem:$0x1FFD0]  }
0x2da: {  	v52 =	vmul.f32 v17, v33;
	v14 =	vperm.xlane v7, v2;
	v22 =	vld [tilespmem:s14+$0x90]  }
0x2db: {  	v0 =	vmul.f32 v28, v0;
	v10 =	vperm.xlane v11, v2;
	v17 =	vsel vm3, v19, v17;
	v19 =	vpop (erf)  }
0x2dc: {  	v18 =	vmovc v30;
	s29 =	smov.u32 s30;
	v13 =	vmul.f32 v20, v13;
	v7 =	vadd.f32 v14, v7;
	v14 =	vld [tilespmem:s14+$0x110];
	v12 =	vsel vm3, v12, v19  }
0x2dd: {  	v10 =	vadd.f32 v10, v11;
	v23 =	vpop (erf);
	v21 =	vmul.f32 v19, v32;
	[tilespmem:s29+$0xFFFFFEC0] =	vst v12;
	v12 =	vmul.f32 v15, v16;
	v15 =	vld [tilespmem:$0x1FEC0]  }
0x2de: {  	v51 =	vld [tilespmem:s23+$0xFFFFFF50];
	[tilespmem:$0x1FF50] =	vst v18;
	v9 =	vmul.f32 v23, v9;
	v16 =	vperm.xlane v6, v2  }
0x2df: {  	v49 =	vld [tilespmem:s23+$0xFFFFFED0];
	[tilespmem:s29+$0xFFFFFEB0] =	vst v21;
	v8 =	vmul.f32 v22, v8;
	v21 =	vperm.xlane v10, v3  }
0x2e0: {  	v22 =	vmov v54;
	[tilespmem:s29+$0xFFFFFF30] =	vst v9;
	v9 =	vld [tilespmem:$0x1FED0];
	v11 =	vperm.xlane v12, v2;
	v6 =	vadd.f32 v16, v6  }
0x2e1: {  	v14 =	vmul.f32 v14, v0;
	[tilespmem:$0x1FEC0] =	vst v22;
	v0 =	vperm.xlane v8, v2;
	v10 =	vadd.f32 v21, v10  }
0x2e2: {  	v11 =	vadd.f32 v11, v12;
	v16 =	vmovc v53;
	v15 =	vsel vm3, v15, v23;
	v23 =	vperm.xlane v6, v3  }
0x2e3: {  	v12 =	vmov v56;
	[tilespmem:$0x1FEB0] =	vst v16;
	v16 =	vperm.xlane v1, v3;
	v59 =	vperm.xlane v10, v4  }
0x2e4: {  	v18 =	vpop (erf);
	v8 =	vadd.f32 v0, v8;
	[tilespmem:s29+$0xFFFFFF40] =	vst v15;
	v15 =	vperm.xlane v13, v2;
	v22 =	vperm.xlane v11, v3  }
0x2e5: {  	[tilespmem:$0x1FEA0] =	vst v12;
	v9 =	vsel vm3, v9, v18;
	v6 =	vadd.f32 v23, v6;
	v1 =	vadd.f32 v16, v1  }
0x2e6: {  	v58 =	vld [tilespmem:s23+$0xFFFFFFD0];
	v10 =	vadd.f32 v59, v10;
	[tilespmem:s29+$0xFFFFFFC0] =	vst v9;
	v9 =	vperm.xlane v7, v3;
	v12 =	vadd.f32 v15, v13  }
0x2e7: {  	v13 =	vperm.xlane v14, v2;
	v11 =	vadd.f32 v22, v11;
	v22 =	vperm.xlane v1, v4  }
0x2e8: {  	v15 =	vmovc v55;
	v7 =	vadd.f32 v9, v7;
	v9 =	vperm.xlane v12, v3;
	v55 =	vperm.xlane v6, v4  }
0x2e9: {  	v54 =	vperm.xlane v10, v5;
	v13 =	vadd.f32 v13, v14;
	v1 =	vadd.f32 v22, v1  }
0x2ea: {  	[tilespmem:$0x1FED0] =	vst v15;
	v15 =	vperm.xlane v8, v3;
	v9 =	vadd.f32 v9, v12;
	v6 =	vadd.f32 v55, v6  }
0x2eb: {  	v10 =	vadd.f32 v54, v10;
	v16 =	vperm.xlane v13, v3;
	v56 =	vperm.xlane v7, v4  }
0x2ec: {  	v8 =	vadd.f32 v15, v8;
	v60 =	vperm.xlane v6, v5;
	v22 =	vperm.xlane v9, v4  }
0x2ed: {  	v0 =	vld [tilespmem:s31+$0xB0];
	v10 =	vmax.f32 v10, $-5.000000000e+00;
	v13 =	vadd.f32 v16, v13;
	v7 =	vadd.f32 v56, v7  }
0x2ee: {  	v14 =	vld [tilespmem:s2+$0xB0];
	v6 =	vadd.f32 v60, v6;
	v9 =	vadd.f32 v22, v9;
	v22 =	vperm.xlane v1, v5  }
0x2ef: {  	v61 =	vld [tilespmem:s0+$0x30];
	v16 =	vperm.xlane v11, v4;
	v10 =	vmin.f32 v10, $5.000000000e+00;
	v29 =	vperm.xlane v7, v5  }
0x2f0: {  	v63 =	vld [tilespmem:s0+$0xB0];
	v6 =	vmax.f32 v6, $-5.000000000e+00;
	v1 =	vadd.f32 v22, v1;
	v22 =	vperm.xlane v9, v5  }
0x2f1: {  	v28 =	vperm.xlane v8, v4;
	v7 =	vadd.f32 v29, v7;
	v29 =	vld [tilespmem:s31+$0xFFFFFF70];
	v6 =	vmin.f32 v6, $5.000000000e+00  }
0x2f2: {  	[tilespmem:s29+$0xFFFFFE40] =	vst v17;
	v17 =	vpop (erf);
	v62 =	vperm.xlane v13, v4;
	v6 =	vmul.f32 $1.442695020e+00, v6;
	v9 =	vadd.f32 v22, v9;
	v22 =	vld [tilespmem:$0x1FEE0]  }
0x2f3: {  	v25 =	vld [tilespmem:s2+$0x130];
	v19 =	vpop (erf);
	v10 =	vmul.f32 $1.442695020e+00, v10;
	v0 =	vmul.f32 v14, v0;
	v11 =	vadd.f32 v16, v11  }
0x2f4: {  	v20 =	vpop (erf);
	v8 =	vadd.f32 v28, v8;
	v13 =	vadd.f32 v62, v13;
	(erf) = vpow2.f32 v6;
	v6 =	vld [tilespmem:s31+$0x70]  }
0x2f5: {  	[tilespmem:s29+$0xFFFFFE30] =	vst v52;
	v52 =	vld [tilespmem:s23+$0x50];
	v14 =	vmul.f32 v63, v0;
	v28 =	vperm.xlane v11, v5  }
0x2f6: {  	v57 =	vld [tilespmem:s23+$0xD0];
	v55 =	vperm.xlane v13, v5;
	[tilespmem:$0x1FFD0] =	vst v29;
	v29 =	vperm.xlane v8, v5  }
0x2f7: {  	v30 =	vld [tilespmem:s31+$0xF0];
	v1 =	vmax.f32 v1, $-5.000000000e+00;
	v9 =	vmax.f32 v9, $-5.000000000e+00;
	v22 =	vsel vm3, v22, v17  }
0x2f8: {  	v1 =	vmin.f32 v1, $5.000000000e+00;
	v9 =	vmin.f32 v9, $5.000000000e+00;
	v8 =	vadd.f32 v29, v8;
	[tilespmem:s29+$0x40] =	vst v22;
	v22 =	vld [tilespmem:$0x1FEF0]  }
0x2f9: {  	[tilespmem:$0x1FFE0] =	vst v6;
	v6 =	vmax.f32 v7, $-5.000000000e+00;
	v7 =	vadd.f32 v28, v11;
	v11 =	vadd.f32 v55, v13;
	v13 =	vld [tilespmem:s23+$0x1E0]  }
0x2fa: {  	v21 =	vld [tilespmem:s0+$0xFFFFFE30];
	v1 =	vmul.f32 $1.442695020e+00, v1;
	v9 =	vmul.f32 $1.442695020e+00, v9;
	v8 =	vmax.f32 v8, $-5.000000000e+00  }
0x2fb: {  	v23 =	vld [tilespmem:s31+$0x130];
	v6 =	vmin.f32 v6, $5.000000000e+00;
	v8 =	vmin.f32 v8, $5.000000000e+00;
	v7 =	vmax.f32 v7, $-5.000000000e+00  }
0x2fc: {  	v12 =	vld [tilespmem:s0+$0xFFFFFEB0];
	v11 =	vmax.f32 v11, $-5.000000000e+00;
	v6 =	vmul.f32 $1.442695020e+00, v6;
	v7 =	vmin.f32 v7, $5.000000000e+00  }
0x2fd: {  	v16 =	vld [tilespmem:s0+$0x130];
	v8 =	vmul.f32 $1.442695020e+00, v8;
	v11 =	vmin.f32 v11, $5.000000000e+00;
	v7 =	vmul.f32 $1.442695020e+00, v7;
	v56 =	vpop (erf)  }
0x2fe: {  	v15 =	vld [tilespmem:s0+$0xFFFFFF30];
	v22 =	vsel vm3, v22, v19;
	(erf) = vpow2.f32 v6;
	v13 =	vmul.f32 v56, v13  }
0x2ff: {  	v27 =	vld [tilespmem:s0+$0xFFFFFFB0];
	v11 =	vmul.f32 $1.442695020e+00, v11;
	[tilespmem:s29+$0xC0] =	vst v22;
	(erf) = vpow2.f32 v1  }
0x300: {  	v22 =	vld [tilespmem:$0x1FF00];
	v1 =	vmul.f32 v25, v23;
	(erf) = vpow2.f32 v10;
	[tilespmem:s15+$0x1A0] =	vst v13  }
0x301: {  	v10 =	vmul.f32 v21, v37;
	(erf) = vpow2.f32 v7;
	v6 =	vld [tilespmem:s23+$0x1B0]  }
0x302: {  	v7 =	vmul.f32 v12, v38;
	v1 =	vmul.f32 v16, v1;
	v13 =	vld [tilespmem:s5+$0x1B0]  }
0x303: {  	v48 =	vld [tilespmem:s23+$0xFFFFFE50];
	(erf) = vpow2.f32 v9;
	v9 =	vmul.f32 v15, v41  }
0x304: {  	v28 =	vmov v47;
	(erf) = vpow2.f32 v8;
	v8 =	vmul.f32 v27, v42  }
0x305: {  	[tilespmem:$0x1FEF0] =	vst v28;
	v12 =	vld [tilespmem:s14+$0x1B0];
	v15 =	vperm.xlane v7, v2;
	(erf) = vpow2.f32 v11  }
0x306: {  	v50 =	vld [tilespmem:s23+$0x150];
	v28 =	vsel vm3, v22, v20;
	v22 =	vmovc v46;
	v11 =	vmul.f32 v61, v45;
	v16 =	vperm.xlane v9, v2  }
0x307: {  	v33 =	vld [tilespmem:s31+$0xFFFFFE70];
	[tilespmem:$0x1FF00] =	vst v22;
	v7 =	vadd.f32 v15, v7;
	v15 =	vperm.xlane v8, v2;
	v22 =	vmul.f32 v13, v6;
	v13 =	vpop (erf)  }
0x308: {  	v40 =	vmov v40;
	v32 =	vld [tilespmem:s31+$0xFFFFFEF0];
	v6 =	vperm.xlane v10, v2;
	v21 =	vmul.f32 v13, v48  }
0x309: {  	v31 =	vld [tilespmem:s31+$0xFFFFFFF0];
	v9 =	vadd.f32 v16, v9;
	v8 =	vadd.f32 v15, v8;
	v15 =	vperm.xlane v11, v2;
	v0 =	vpop (erf)  }
0x30a: {  	v29 =	vld [tilespmem:s31+$0x170];
	v12 =	vmul.f32 v12, v22;
	v6 =	vadd.f32 v6, v10;
	v10 =	vmul.f32 v0, v49;
	[tilespmem:s15+$0xFFFFFE10] =	vst v21  }
0x30b: {  	[tilespmem:$0x1FEE0] =	vst v40;
	v27 =	vperm.xlane v7, v3;
	v41 =	vpop (erf);
	v11 =	vadd.f32 v15, v11;
	v15 =	vperm.xlane v1, v2;
	v16 =	vld [tilespmem:s23+$0xFFFFFE20]  }
0x30c: {  	v21 =	vmul.f32 v41, v51;
	v42 =	vpop (erf);
	v22 =	vperm.xlane v12, v2;
	[tilespmem:s15+$0xFFFFFE90] =	vst v10;
	v23 =	vld [tilespmem:s5+$0xFFFFFE20]  }
0x30d: {  	[tilespmem:s29+$0x140] =	vst v28;
	v43 =	vsel vm1, v43, v13;
	v61 =	vperm.xlane v8, v3;
	v10 =	vmul.f32 v42, v58;
	v40 =	vpop (erf);
	v58 =	vld [tilespmem:s23+$0xFFFFFEA0]  }
0x30e: {  	v7 =	vadd.f32 v27, v7;
	[tilespmem:s15+$0xFFFFFF10] =	vst v21;
	v21 =	vmul.f32 v40, v52;
	v38 =	vpop (erf);
	v59 =	vld [tilespmem:s5+$0xFFFFFEA0];
	v12 =	vadd.f32 v22, v12  }
0x30f: {  	v1 =	vadd.f32 v15, v1;
	v22 =	vperm.xlane v14, v2;
	[tilespmem:s15+$0xFFFFFF90] =	vst v10;
	v10 =	vmul.f32 v38, v57;
	v37 =	vpop (erf);
	v15 =	vld [tilespmem:s5+$0xFFFFFF20]  }
0x310: {  	v44 =	vsel vm1, v44, v0;
	[tilespmem:s15+$0x10] =	vst v21;
	v21 =	vmul.f32 v37, v50;
	v28 =	vld [tilespmem:s5+$0xFFFFFFA0];
	v60 =	vperm.xlane v12, v3  }
0x311: {  	v8 =	vadd.f32 v61, v8;
	v14 =	vadd.f32 v22, v14;
	v22 =	vld [tilespmem:s23+$0xFFFFFF20];
	[tilespmem:s15+$0x90] =	vst v10;
	v10 =	vperm.xlane v6, v3  }
0x312: {  	[tilespmem:s15+$0x110] =	vst v21;
	v21 =	vperm.xlane v9, v3;
	v16 =	vmul.f32 v23, v16;
	v23 =	vld [tilespmem:s23+$0xFFFFFFA0];
	v12 =	vadd.f32 v60, v12  }
0x313: {  	v63 =	vld [tilespmem:s23+$0x20];
	v6 =	vadd.f32 v10, v6;
	v10 =	vperm.xlane v11, v3;
	v27 =	vperm.xlane v14, v3  }
0x314: {  	v52 =	vld [tilespmem:s5+$0x20];
	v60 =	vperm.xlane v8, v4;
	v9 =	vadd.f32 v21, v9;
	v21 =	vperm.xlane v1, v3  }
0x315: {  	v62 =	vperm.xlane v12, v4;
	v10 =	vadd.f32 v10, v11;
	v11 =	vadd.f32 v27, v14;
	v14 =	vld [tilespmem:s5+$0xA0]  }
0x316: {  	v53 =	vperm.xlane v6, v4;
	v15 =	vmul.f32 v15, v22;
	v22 =	vld [tilespmem:s23+$0xA0];
	v1 =	vadd.f32 v21, v1  }
0x317: {  	v55 =	vld [tilespmem:s5+$0x120];
	v12 =	vadd.f32 v62, v12;
	v21 =	vmul.f32 v28, v23;
	v28 =	vperm.xlane v9, v4  }
0x318: {  	v24 =	vmul.f32 v59, v58;
	v48 =	vadd.f32 v60, v8;
	v8 =	vld [tilespmem:s14+$0xFFFFFFA0];
	v61 =	vperm.xlane v10, v4  }
0x319: {  	v6 =	vadd.f32 v53, v6;
	v54 =	vperm.xlane v12, v5;
	v57 =	vadd.f32 v28, v9;
	v28 =	vld [tilespmem:s14+$0xFFFFFF20]  }
0x31a: {  	v27 =	vperm.xlane v7, v4;
	v25 =	vmul.f32 v52, v63;
	v62 =	vld [tilespmem:s14+$0xFFFFFE20];
	v49 =	vadd.f32 v61, v10  }
0x31b: {  	v10 =	vld [tilespmem:s14+$0x20];
	v12 =	vadd.f32 v54, v12;
	v14 =	vmul.f32 v14, v22;
	v22 =	vperm.xlane v6, v5  }
0x31c: {  	v63 =	vld [tilespmem:s14+$0xFFFFFEA0];
	v7 =	vadd.f32 v27, v7;
	v27 =	vperm.xlane v11, v4;
	v9 =	vperm.xlane v1, v4  }
0x31d: {  	v23 =	vld [tilespmem:s23+$0x120];
	v8 =	vmul.f32 v8, v21;
	v12 =	vmax.f32 v12, $-5.000000000e+00;
	v58 =	vadd.f32 v22, v6  }
0x31e: {  	v13 =	vld [tilespmem:s14+$0x120];
	v6 =	vperm.xlane v7, v5;
	v12 =	vmin.f32 v12, $5.000000000e+00;
	v0 =	vmul.f32 v28, v15  }
0x31f: {  	v46 =	vadd.f32 v9, v1;
	v9 =	vld [tilespmem:s14+$0xA0];
	v1 =	vmul.f32 v62, v16;
	v12 =	vmul.f32 $1.442695020e+00, v12  }
0x320: {  	v59 =	vadd.f32 v6, v7;
	v7 =	vmul.f32 v10, v25;
	v6 =	vperm.xlane v0, v2  }
0x321: {  	(erf) = vpow2.f32 v12;
	v12 =	vmul.f32 v63, v24  }
0x322: {  	v47 =	vadd.f32 v27, v11;
	v11 =	vmul.f32 v55, v23;
	v16 =	vperm.xlane v1, v2  }
0x323: {  	v0 =	vadd.f32 v6, v0;
	v6 =	vperm.xlane v7, v2;
	v15 =	vperm.xlane v12, v2  }
0x324: {  	v11 =	vmul.f32 v13, v11;
	v1 =	vadd.f32 v16, v1;
	v9 =	vmul.f32 v9, v14  }
0x325: {  	v6 =	vadd.f32 v6, v7;
	v10 =	vadd.f32 v15, v12;
	v12 =	vperm.xlane v8, v2  }
0x326: {  	v39 =	vsel vm2, v39, v56;
	v13 =	vperm.xlane v1, v3;
	v7 =	vperm.xlane v11, v2  }
0x327: {  	v14 =	vld [tilespmem:s23+$0x1F0];
	v22 =	vperm.xlane v6, v3;
	v12 =	vadd.f32 v12, v8;
	v8 =	vperm.xlane v9, v2  }
0x328: {  	v16 =	vperm.xlane v0, v3;
	v13 =	vadd.f32 v13, v1;
	v11 =	vadd.f32 v7, v11  }
0x329: {  	s26 =	sadd.s32 $0x8, s26;
	v56 =	vld [tilespmem:s23+$0xFFFFFE60];
	v15 =	vperm.xlane v10, v3;
	v6 =	vadd.f32 v22, v6;
	v9 =	vadd.f32 v8, v9  }
0x32a: {  	p0 =	slt.u32 s26, $0x48;
	v51 =	vld [tilespmem:s23+$0xE0];
	v21 =	vperm.xlane v12, v3;
	v8 =	vadd.f32 v16, v0;
	v0 =	vperm.xlane v11, v3  }
.Ltmp3:
0x32b: {  	v50 =	vld [tilespmem:s23+$0x160];
	v15 =	vadd.f32 v15, v10;
	v10 =	vperm.xlane v13, v4;
	v45 =	vpop (erf);
	v1 =	vperm.xlane v9, v3;
	(pc) =	sbr.rel @p0 .LBB2_7-.Ltmp3, $4  }
0x32c: {  	v52 =	vld [tilespmem:s23+$0x60];
	v14 =	vmul.f32 v45, v14;
	v7 =	vadd.f32 v21, v12;
	v61 =	vperm.xlane v8, v4  }
0x32d: {  	v53 =	vld [tilespmem:s23+$0xFFFFFEE0];
	v0 =	vadd.f32 v0, v11;
	v1 =	vadd.f32 v1, v9;
	v9 =	vperm.xlane v15, v4  }
0x32e: {  	s30 =	smov.u32 s1;
	s1 =	smov.u32 s15;
	s2 =	smov.u32 s5;
	v54 =	vld [tilespmem:s23+$0xFFFFFF60];
	v11 =	vadd.f32 v10, v13;
	v10 =	vperm.xlane v6, v4;
	v62 =	vperm.xlane v7, v4  }
0x32f: {  	s0 =	smov.u32 s14;
	s31 =	smov.u32 s23;
	v55 =	vld [tilespmem:s23+$0xFFFFFFE0];
	s23 =	sadd.s32 $0x400, s23;
	[tilespmem:s15+$0x1B0] =	vst v14;
	v12 =	vadd.f32 v9, v15;
	v60 =	vperm.xlane v1, v4;
	v9 =	vperm.xlane v0, v4  }
0x330: {  	v13 =	vperm.xlane v11, v5;
	_ =	sdelay $0x1  }
0x331: {  	v11 =	vadd.f32 v13, v11  }
0x332: {  	v24 =	vperm.xlane v12, v5  }
0x333: {  	v8 =	vadd.f32 v61, v8;
	v11 =	vmax.f32 v11, $-5.000000000e+00  }
0x334: {  	v7 =	vadd.f32 v62, v7;
	v12 =	vadd.f32 v24, v12;
	v11 =	vmin.f32 v11, $5.000000000e+00  }
0x335: {  	v14 =	vperm.xlane v8, v5;
	v11 =	vmul.f32 $1.442695020e+00, v11  }
0x336: {  	v25 =	vperm.xlane v7, v5;
	v12 =	vmax.f32 v12, $-5.000000000e+00  }
0x337: {  	v8 =	vadd.f32 v14, v8;
	v12 =	vmin.f32 v12, $5.000000000e+00;
	(erf) = vpow2.f32 v11  }
0x338: {  	v6 =	vadd.f32 v10, v6;
	v26 =	vmul.f32 $1.442695020e+00, v12  }
0x339: {  	v1 =	vadd.f32 v60, v1;
	v7 =	vadd.f32 v25, v7;
	v8 =	vmax.f32 v8, $-5.000000000e+00  }
0x33a: {  	v10 =	vperm.xlane v6, v5;
	v8 =	vmin.f32 v8, $5.000000000e+00;
	(erf) = vpow2.f32 v26  }
0x33b: {  	v7 =	vmax.f32 v7, $-5.000000000e+00;
	v8 =	vmul.f32 $1.442695020e+00, v8  }
0x33c: {  	v27 =	vperm.xlane v1, v5;
	v6 =	vadd.f32 v10, v6;
	v7 =	vmin.f32 v7, $5.000000000e+00  }
0x33d: {  	v0 =	vadd.f32 v9, v0;
	v7 =	vmul.f32 $1.442695020e+00, v7;
	(erf) = vpow2.f32 v8  }
0x33e: {  	v1 =	vadd.f32 v27, v1;
	v6 =	vmax.f32 v6, $-5.000000000e+00  }
0x33f: {  	v6 =	vmin.f32 v6, $5.000000000e+00;
	(erf) = vpow2.f32 v7;
	v7 =	vperm.xlane v0, v5  }
0x340: {  	v6 =	vmul.f32 $1.442695020e+00, v6;
	v60 =	vpop (erf)  }
0x341: {  	v1 =	vmax.f32 v1, $-5.000000000e+00;
	v0 =	vadd.f32 v7, v0;
	v7 =	vmul.f32 v60, v56  }
0x342: {  	v1 =	vmin.f32 v1, $5.000000000e+00;
	(erf) = vpow2.f32 v6  }
0x343: {  	v1 =	vmul.f32 $1.442695020e+00, v1;
	v56 =	vpop (erf);
	[tilespmem:s1+$0xFFFFFE20] =	vst v7  }
0x344: {  	v15 =	vmax.f32 v59, $-5.000000000e+00;
	v0 =	vmax.f32 v0, $-5.000000000e+00;
	v6 =	vmul.f32 v56, v53;
	v7 =	vld [tilespmem:s31+$0xFFFFFE30]  }
0x345: {  	v24 =	vmax.f32 v58, $-5.000000000e+00;
	(erf) = vpow2.f32 v1;
	v0 =	vmin.f32 v0, $5.000000000e+00;
	v61 =	vld [tilespmem:s2+$0xFFFFFE30]  }
0x346: {  	v25 =	vperm.xlane v48, v5;
	v11 =	vmin.f32 v24, $5.000000000e+00;
	v0 =	vmul.f32 $1.442695020e+00, v0;
	v53 =	vpop (erf);
	[tilespmem:s1+$0xFFFFFEA0] =	vst v6;
	v24 =	vld [tilespmem:s0+$0xFFFFFE30]  }
0x347: {  	v16 =	vperm.xlane v47, v5;
	v15 =	vmin.f32 v15, $5.000000000e+00;
	v28 =	vmul.f32 v53, v54;
	v1 =	vld [tilespmem:s31+$0xFFFFFEB0]  }
0x348: {  	v12 =	vadd.f32 v25, v48;
	v26 =	vperm.xlane v49, v5;
	(erf) = vpow2.f32 v0;
	v54 =	vpop (erf);
	v62 =	vld [tilespmem:s2+$0xFFFFFEB0]  }
0x349: {  	v15 =	vmul.f32 $1.442695020e+00, v15;
	v6 =	vmul.f32 v54, v55;
	[tilespmem:s1+$0xFFFFFF20] =	vst v28;
	v25 =	vld [tilespmem:s0+$0xFFFFFEB0]  }
0x34a: {  	v12 =	vmax.f32 v12, $-5.000000000e+00;
	v58 =	vmul.f32 $1.442695020e+00, v11;
	v13 =	vadd.f32 v26, v49;
	v63 =	vld [tilespmem:s31+$0xFFFFFF30]  }
0x34b: {  	v12 =	vmin.f32 v12, $5.000000000e+00;
	v49 =	vadd.f32 v16, v47;
	v0 =	vperm.xlane v57, v5;
	v48 =	vpop (erf);
	[tilespmem:s1+$0xFFFFFFA0] =	vst v6;
	v6 =	vld [tilespmem:s2+$0xFFFFFF30]  }
0x34c: {  	v12 =	vmul.f32 $1.442695020e+00, v12;
	v13 =	vmax.f32 v13, $-5.000000000e+00;
	v21 =	vmul.f32 v48, v52;
	v26 =	vld [tilespmem:s0+$0xFFFFFF30]  }
0x34d: {  	v8 =	vmax.f32 v49, $-5.000000000e+00;
	v13 =	vmin.f32 v13, $5.000000000e+00;
	v0 =	vadd.f32 v0, v57;
	v27 =	vld [tilespmem:s31+$0xFFFFFFB0]  }
0x34e: {  	v8 =	vmin.f32 v8, $5.000000000e+00;
	v13 =	vmul.f32 $1.442695020e+00, v13;
	(erf) = vpow2.f32 v58;
	v47 =	vpop (erf);
	v28 =	vld [tilespmem:s2+$0xFFFFFFB0];
	[tilespmem:s1+$0x20] =	vst v21  }
0x34f: {  	v52 =	vperm.xlane v46, v5;
	v0 =	vmax.f32 v0, $-5.000000000e+00;
	v55 =	vmul.f32 v47, v51;
	v21 =	vld [tilespmem:s31+$0x30]  }
0x350: {  	v8 =	vmul.f32 $1.442695020e+00, v8;
	(erf) = vpow2.f32 v15;
	v0 =	vmin.f32 v0, $5.000000000e+00;
	v57 =	vld [tilespmem:s2+$0x30]  }
0x351: {  	v16 =	vadd.f32 v52, v46;
	[tilespmem:s1+$0xA0] =	vst v55;
	v0 =	vmul.f32 $1.442695020e+00, v0;
	v51 =	vld [tilespmem:s0+$0x30];
	v7 =	vmul.f32 v61, v7;
	v46 =	vpop (erf)  }
0x352: {  	v61 =	vld [tilespmem:s31+$0xB0];
	v1 =	vmul.f32 v62, v1;
	v22 =	vmul.f32 v46, v50  }
0x353: {  	v62 =	vld [tilespmem:s2+$0xB0];
	(erf) = vpow2.f32 v0;
	v6 =	vmul.f32 v6, v63  }
0x354: {  	(erf) = vpow2.f32 v12;
	v9 =	vmul.f32 v28, v27;
	v28 =	vld [tilespmem:s0+$0xFFFFFFB0];
	[tilespmem:s1+$0x120] =	vst v22  }
0x355: {  	v7 =	vmul.f32 v24, v7;
	(erf) = vpow2.f32 v13;
	v63 =	vld [tilespmem:s31+$0x130]  }
0x356: {  	v1 =	vmul.f32 v25, v1;
	v14 =	vmul.f32 v57, v21;
	v0 =	vld [tilespmem:s2+$0x130]  }
0x357: {  	v6 =	vmul.f32 v26, v6;
	v57 =	vpop (erf);
	v58 =	vperm.xlane v7, v2;
	v27 =	vld [tilespmem:$0x1FF30]  }
0x358: {  	v59 =	vmax.f32 v16, $-5.000000000e+00;
	v15 =	vmul.f32 v57, v33;
	v22 =	vld [tilespmem:$0x1FF60];
	v10 =	vmul.f32 v62, v61  }
0x359: {  	v14 =	vmul.f32 v51, v14;
	v7 =	vadd.f32 v58, v7;
	v61 =	vperm.xlane v1, v2  }
0x35a: {  	v62 =	vperm.xlane v6, v2;
	v9 =	vmul.f32 v28, v9  }
0x35b: {  	v52 =	vld [tilespmem:s0+$0xB0];
	v11 =	vmin.f32 v59, $5.000000000e+00;
	v0 =	vmul.f32 v0, v63;
	v63 =	vperm.xlane v7, v3  }
0x35c: {  	v59 =	vpop (erf);
	v49 =	vld [tilespmem:$0x1FF40];
	v1 =	vadd.f32 v61, v1;
	v6 =	vadd.f32 v62, v6;
	v18 =	vmul.f32 v18, v27  }
0x35d: {  	v20 =	vmul.f32 v20, v22;
	v22 =	vmul.f32 v59, v32;
	v7 =	vadd.f32 v63, v7  }
0x35e: {  	v27 =	vperm.xlane v1, v3;
	v32 =	vperm.xlane v6, v3  }
0x35f: {  	v25 =	vperm.xlane v9, v2;
	v33 =	vperm.xlane v7, v4  }
0x360: {  	v10 =	vmul.f32 v52, v10;
	v1 =	vadd.f32 v27, v1;
	v6 =	vadd.f32 v32, v6  }
0x361: {  	v23 =	vld [tilespmem:$0x1FEA0];
	v17 =	vmul.f32 v17, v49;
	v9 =	vadd.f32 v25, v9;
	v7 =	vadd.f32 v33, v7  }
0x362: {  	v24 =	vld [tilespmem:$0x1FEB0];
	v49 =	vperm.xlane v1, v4;
	v51 =	vperm.xlane v6, v4  }
0x363: {  	v13 =	vsel vm3, v39, v45;
	v45 =	vperm.xlane v9, v3;
	v52 =	vperm.xlane v7, v5  }
0x364: {  	v11 =	vmul.f32 $1.442695020e+00, v11;
	v1 =	vadd.f32 v49, v1;
	v6 =	vadd.f32 v51, v6  }
0x365: {  	(erf) = vpow2.f32 v8;
	v50 =	vld [tilespmem:$0x1FF50];
	v9 =	vadd.f32 v45, v9;
	v7 =	vadd.f32 v52, v7  }
0x366: {  	v8 =	vsel vm3, v23, v57;
	v58 =	vperm.xlane v1, v5;
	v61 =	vperm.xlane v6, v5  }
0x367: {  	[tilespmem:s1+$0x1C0] =	vst v13;
	v16 =	vsel vm3, v24, v59;
	v59 =	vperm.xlane v9, v4;
	v7 =	vmax.f32 v7, $-5.000000000e+00  }
0x368: {  	[tilespmem:s30+$0xFFFFFE30] =	vst v15;
	v1 =	vadd.f32 v58, v1;
	v6 =	vadd.f32 v61, v6;
	v7 =	vmin.f32 v7, $5.000000000e+00  }
0x369: {  	(erf) = vpow2.f32 v11;
	[tilespmem:s30+$0xFFFFFE40] =	vst v8;
	v9 =	vadd.f32 v59, v9;
	v7 =	vmul.f32 $1.442695020e+00, v7  }
0x36a: {  	v19 =	vmul.f32 v19, v50;
	[tilespmem:s30+$0xFFFFFEC0] =	vst v16;
	v1 =	vmax.f32 v1, $-5.000000000e+00;
	v6 =	vmax.f32 v6, $-5.000000000e+00  }
0x36b: {  	[tilespmem:s29+$0xFFFFFFB0] =	vst v18;
	v1 =	vmin.f32 v1, $5.000000000e+00;
	(erf) = vpow2.f32 v7;
	v7 =	vperm.xlane v9, v5  }
0x36c: {  	[tilespmem:s29+$0x30] =	vst v17;
	v6 =	vmin.f32 v6, $5.000000000e+00;
	v1 =	vmul.f32 $1.442695020e+00, v1  }
0x36d: {  	[tilespmem:s29+$0xB0] =	vst v19;
	v6 =	vmul.f32 $1.442695020e+00, v6;
	v7 =	vadd.f32 v7, v9  }
0x36e: {  	[tilespmem:s29+$0x130] =	vst v20;
	(erf) = vpow2.f32 v1  }
0x36f: {  	v28 =	vperm.xlane v10, v2;
	(erf) = vpow2.f32 v6;
	v6 =	vmax.f32 v7, $-5.000000000e+00;
	v7 =	vld [tilespmem:$0x1FFD0]  }
0x370: {  	[tilespmem:s30+$0xFFFFFEB0] =	vst v22  }
0x371: {  	v10 =	vadd.f32 v28, v10;
	v28 =	vld [tilespmem:$0x1FEC0];
	_ =	sdelay $0x1  }
0x372: {  	v55 =	vld [tilespmem:s0+$0x130];
	v1 =	vpop (erf)  }
0x373: {  	v7 =	vmul.f32 v1, v7;
	_ =	sdelay $0x1  }
0x374: {  	v1 =	vsel vm3, v28, v1;
	[tilespmem:s30+$0xFFFFFF30] =	vst v7  }
0x375: {  	[tilespmem:s30+$0xFFFFFF40] =	vst v1  }
0x376: {  	v0 =	vmul.f32 v55, v0;
	v33 =	vld [tilespmem:$0x1FED0];
	_ =	sdelay $0x1  }
0x377: {  	v39 =	vperm.xlane v0, v2;
	_ =	sdelay $0x1  }
0x378: {  	v0 =	vadd.f32 v39, v0;
	v32 =	vpop (erf)  }
0x379: {  	v8 =	vsel vm3, v33, v32  }
0x37a: {  	v57 =	vperm.xlane v0, v3;
	v6 =	vmin.f32 v6, $5.000000000e+00;
	[tilespmem:s30+$0xFFFFFFC0] =	vst v8  }
0x37b: {  	v6 =	vmul.f32 $1.442695020e+00, v6;
	v8 =	vld [tilespmem:$0x1FEE0]  }
0x37c: {  	v0 =	vadd.f32 v57, v0;
	_ =	sdelay $0x1  }
0x37d: {  	v23 =	vperm.xlane v0, v4  }
0x37e: {  	(erf) = vpow2.f32 v6;
	v6 =	vpop (erf)  }
0x37f: {  	v26 =	vperm.xlane v14, v2;
	v0 =	vadd.f32 v23, v0;
	v8 =	vsel vm3, v8, v6  }
0x380: {  	v55 =	vperm.xlane v10, v3;
	[tilespmem:s30+$0x40] =	vst v8  }
0x381: {  	v14 =	vadd.f32 v26, v14;
	v7 =	vperm.xlane v0, v5;
	v49 =	vld [tilespmem:$0x1FEF0]  }
0x382: {  	v10 =	vadd.f32 v55, v10  }
0x383: {  	v50 =	vperm.xlane v14, v3  }
0x384: {  	v18 =	vperm.xlane v10, v4  }
0x385: {  	v12 =	vadd.f32 v50, v14;
	v0 =	vadd.f32 v7, v0;
	v7 =	vpop (erf)  }
0x386: {  	v24 =	vadd.f32 v18, v10;
	v10 =	vsel vm3, v49, v7  }
0x387: {  	v62 =	vperm.xlane v12, v4;
	[tilespmem:s30+$0xC0] =	vst v10  }
0x388: {  	v51 =	vld [tilespmem:$0x1FF00]  }
0x389: {  	v63 =	vadd.f32 v62, v12;
	_ =	sdelay $0x1  }
0x38a: {  	v21 =	vperm.xlane v63, v5  }
0x38b: {  	v27 =	vperm.xlane v24, v5;
	v45 =	vpop (erf)  }
0x38c: {  	v25 =	vadd.f32 v21, v63;
	v11 =	vsel vm3, v51, v45  }
0x38d: {  	v1 =	vadd.f32 v27, v24;
	[tilespmem:s30+$0x140] =	vst v11  }
0x38e: {  	v26 =	vmax.f32 v25, $-5.000000000e+00;
	v0 =	vmax.f32 v0, $-5.000000000e+00;
	v11 =	vld [tilespmem:$0x1FFE0]  }
0x38f: {  	v9 =	vmin.f32 v26, $5.000000000e+00;
	v1 =	vmax.f32 v1, $-5.000000000e+00;
	v0 =	vmin.f32 v0, $5.000000000e+00  }
0x390: {  	v50 =	vld [tilespmem:s31+$0xFFFFFE70];
	v9 =	vmul.f32 $1.442695020e+00, v9;
	v1 =	vmin.f32 v1, $5.000000000e+00;
	v0 =	vmul.f32 $1.442695020e+00, v0  }
0x391: {  	v1 =	vmul.f32 $1.442695020e+00, v1  }
0x392: {  	(erf) = vpow2.f32 v9;
	v7 =	vmul.f32 v7, v30  }
0x393: {  	(erf) = vpow2.f32 v1;
	v6 =	vmul.f32 v6, v11  }
0x394: {  	v55 =	vsel vm2, v43, v60;
	v52 =	vld [tilespmem:s31+$0xFFFFFEF0];
	v39 =	vmul.f32 v32, v31;
	(erf) = vpow2.f32 v0;
	v0 =	vpop (erf);
	[tilespmem:s30+$0xB0] =	vst v7  }
0x395: {  	v1 =	vmul.f32 v45, v29;
	v7 =	vmul.f32 v0, v50;
	v0 =	vsel vm3, v55, v0;
	[tilespmem:s30+$0x30] =	vst v6;
	v6 =	vld [tilespmem:s31+$0xFFFFFF70]  }
0x396: {  	[tilespmem:s30+$0xFFFFFFB0] =	vst v39  }
0x397: {  	[tilespmem:s30+$0x130] =	vst v1  }
0x398: {  	v1 =	vsel vm2, v44, v56;
	[tilespmem:s1+$0xFFFFFE40] =	vst v0;
	v0 =	vpop (erf)  }
0x399: {  	[tilespmem:s1+$0xFFFFFE30] =	vst v7;
	v1 =	vsel vm3, v1, v0;
	v0 =	vmul.f32 v0, v52;
	v7 =	vpop (erf)  }
0x39a: {  	v56 =	vsel vm1, v35, v41;
	[tilespmem:s1+$0xFFFFFEC0] =	vst v1;
	v1 =	vmul.f32 v7, v6  }
0x39b: {  	v8 =	vsel vm2, v56, v53;
	[tilespmem:s1+$0xFFFFFEB0] =	vst v0  }
0x39c: {  	v0 =	vld [tilespmem:s31+$0xFFFFFFF0];
	v7 =	vsel vm3, v8, v7;
	[tilespmem:s1+$0xFFFFFF30] =	vst v1  }
0x39d: {  	v59 =	vld [tilespmem:$0x1FF70];
	[tilespmem:s1+$0xFFFFFF40] =	vst v7  }
0x39e: {  	v6 =	vsel vm1, v36, v42;
	v61 =	vld [tilespmem:$0x1FF80]  }
0x39f: {  	v6 =	vsel vm2, v6, v54;
	v1 =	vpop (erf)  }
0x3a0: {  	v6 =	vsel vm3, v6, v1  }
0x3a1: {  	v57 =	vsel vm1, v34, v40;
	v58 =	vld [tilespmem:s31+$0x70]  }
0x3a2: {  	v60 =	vld [tilespmem:s31+$0xF0];
	v9 =	vsel vm2, v57, v48;
	v7 =	vpop (erf)  }
0x3a3: {  	v62 =	vld [tilespmem:s31+$0x170];
	v0 =	vmul.f32 v1, v0;
	[tilespmem:s1+$0xFFFFFFC0] =	vst v6;
	v9 =	vsel vm3, v9, v7;
	v6 =	vpop (erf);
	v12 =	vsel vm1, v61, v37  }
0x3a4: {  	[tilespmem:s1+$0x40] =	vst v9;
	v10 =	vsel vm1, v59, v38;
	v63 =	vpop (erf);
	v12 =	vsel vm2, v12, v46  }
0x3a5: {  	[tilespmem:s1+$0xFFFFFFB0] =	vst v0;
	v10 =	vsel vm2, v10, v47;
	v1 =	vsel vm3, v12, v63  }
0x3a6: {  	v10 =	vsel vm3, v10, v6;
	[tilespmem:s1+$0x140] =	vst v1;
	v1 =	vmul.f32 v7, v58  }
0x3a7: {  	v0 =	vmul.f32 v6, v60;
	[tilespmem:s1+$0xC0] =	vst v10  }
0x3a8: {  	s28 =	sadd.s32 $0x1, s28;
	[tilespmem:s1+$0x30] =	vst v1;
	v1 =	vmul.f32 v63, v62  }
0x3a9: {  	p0 =	sne.s32 s28, $0xFA;
	[tilespmem:s1+$0xB0] =	vst v0  }
.Ltmp4:
0x3aa: {  	[tilespmem:s1+$0x130] =	vst v1;
	(pc) =	sbr.rel @p0 .LBB2_6-.Ltmp4, $4  }
0x3ab: {  	[spmem:s3] =	stream.indirect.scatter.add.f32 [tilespmem:s18], [sflag:$0x2], $0x80, s20, s22, $0xb8;
	[tilespmem:$0x1D980] =	vst v63  }
0x3ac: {  	_ =	swait.ge [sflag:s19], $0x2800  }
0x3ad: {  	[sflag:s19] =	ssyncset.done $0x0  }
0x3ae: {  	[sflag:s19] =	ssyncadd.s32 $0xFFFFD800  }
0x3af: {  	v28 =	vimm.s32 $0x0  }
0x3b0: {  	[bflag:$0x0] =	sbarrier.arrive $0xFFFF;
	s0 =	simm.s32 $0x0;
	v29 =	vimm.s32 $0x1;
	v30 =	vimm.s32 $0x2;
	v31 =	vimm.s32 $0x3  }
.LBB2_10:
0x3b1: {  	s1 =	smul.u32 $0x50, s0;
	_ =	sdelay $0x1  }
0x3b2: {  	s1 =	sadd.s32 s9, s1  }
0x3b3: {  	s2 =	sshll.u32 s1, $0x9  }
0x3b4: {  	s2 =	sshra.s32 s2, $0x2  }
0x3b5: {  	s2 =	sadd.s32 s2, s3  }
0x3b6: {  	[tilespmem:s18], [sflag:$0x2] =	stream.linear.gather [spmem:s2], $0x2800, $0x38;
	[tilespmem:$0x1D980] =	vst v63  }
0x3b7: {  	_ =	swait.ge [sflag:s19], $0x2800  }
0x3b8: {  	[sflag:s19] =	ssyncset.done $0x0  }
0x3b9: {  	s2 =	simm.s32 $0x7A00;
	[sflag:s19] =	ssyncadd.s32 $0xFFFFD800  }
0x3ba: {  	v0 =	vld [tilespmem:s2+$0xFFFFFF40];
	_ =	sdelay $0x4  }
0x3bb: {  	v6 =	vperm.xlane v0, v28  }
0x3bc: {  	v1 =	vld [tilespmem:s2+$0xC0]  }
0x3bd: {  	v6 =	vadd.f32 $9.999999970e-07, v6;
	_ =	sdelay $0x1  }
0x3be: {  	(erf) = vrcp.f32 v6  }
0x3bf: {  	v7 =	vperm.xlane v0, v30  }
0x3c0: {  	v6 =	vperm.xlane v1, v28  }
0x3c1: {  	v8 =	vld [tilespmem:s2+$0x40];
	v7 =	vadd.f32 $9.999999970e-07, v7  }
0x3c2: {  	v10 =	vld [tilespmem:s2+$0xFFFFFFC0];
	v6 =	vadd.f32 $9.999999970e-07, v6  }
0x3c3: {  	v9 =	vperm.xlane v0, v29;
	(erf) = vrcp.f32 v7;
	v7 =	vld [tilespmem:s2+$0xFFFFFF00]  }
0x3c4: {  	(erf) = vrcp.f32 v6  }
0x3c5: {  	v9 =	vadd.f32 $9.999999970e-07, v9;
	v6 =	vperm.xlane v1, v31;
	_ =	sdelay $0x1  }
0x3c6: {  	v11 =	vperm.xlane v8, v29;
	(erf) = vrcp.f32 v9;
	v6 =	vadd.f32 $9.999999970e-07, v6;
	v12 =	vpop (erf)  }
0x3c7: {  	v7 =	vmul.f32 v12, v7;
	v12 =	vperm.xlane v10, v30  }
0x3c8: {  	v9 =	vadd.f32 $9.999999970e-07, v11;
	v11 =	vperm.xlane v8, v30;
	(erf) = vrcp.f32 v6  }
0x3c9: {  	v13 =	vld [tilespmem:s2+$0x80]  }
0x3ca: {  	v11 =	vadd.f32 $9.999999970e-07, v11;
	v6 =	vperm.xlane v8, v31  }
0x3cb: {  	v17 =	vperm.xlane v10, v29;
	(erf) = vrcp.f32 v9;
	v9 =	vld [tilespmem:s2+$0xFFFFFF20];
	[tilespmem:s2+$0xFFFFFF00] =	vst v7;
	v7 =	vadd.f32 $9.999999970e-07, v12;
	v12 =	vpop (erf)  }
0x3cc: {  	v16 =	vld [tilespmem:s2+$0xFFFFFF10];
	v0 =	vperm.xlane v0, v31;
	v6 =	vadd.f32 $9.999999970e-07, v6;
	v18 =	vpop (erf);
	(erf) = vrcp.f32 v11  }
0x3cd: {  	s5 =	simm.s32 $0x7C00;
	v15 =	vperm.xlane v1, v29;
	v11 =	vld [tilespmem:s2+$0xB0];
	(erf) = vrcp.f32 v7;
	v7 =	vadd.f32 $9.999999970e-07, v17  }
0x3ce: {  	v1 =	vperm.xlane v1, v30;
	v13 =	vmul.f32 v18, v13;
	v18 =	vld [tilespmem:s5+$0xFFFFFF40]  }
0x3cf: {  	v14 =	vperm.xlane v10, v31;
	v8 =	vperm.xlane v8, v28  }
0x3d0: {  	v1 =	vadd.f32 $9.999999970e-07, v1;
	v9 =	vmul.f32 v12, v9;
	(erf) = vrcp.f32 v6;
	v6 =	vpop (erf)  }
0x3d1: {  	v20 =	vld [tilespmem:s5+$0xC0];
	v0 =	vadd.f32 $9.999999970e-07, v0;
	(erf) = vrcp.f32 v7;
	v6 =	vmul.f32 v6, v16;
	v7 =	vpop (erf)  }
0x3d2: {  	(erf) = vrcp.f32 v1;
	v1 =	vadd.f32 $9.999999970e-07, v14;
	v7 =	vmul.f32 v7, v11;
	v11 =	vld [tilespmem:s2+$0x20]  }
0x3d3: {  	v17 =	vld [tilespmem:s2+$0x10];
	(erf) = vrcp.f32 v0;
	v0 =	vadd.f32 $9.999999970e-07, v15;
	v15 =	vperm.xlane v18, v30  }
0x3d4: {  	v8 =	vadd.f32 $9.999999970e-07, v8;
	v12 =	vpop (erf);
	v14 =	vperm.xlane v18, v28;
	(erf) = vrcp.f32 v1  }
0x3d5: {  	v10 =	vperm.xlane v10, v28;
	[tilespmem:s2+$0x80] =	vst v13;
	v13 =	vld [tilespmem:s5+$0x40];
	(erf) = vrcp.f32 v0;
	v15 =	vadd.f32 $9.999999970e-07, v15  }
0x3d6: {  	v22 =	vld [tilespmem:s5+$0xFFFFFFC0];
	[tilespmem:s2+$0xFFFFFF10] =	vst v6;
	v1 =	vadd.f32 $9.999999970e-07, v14;
	v14 =	vperm.xlane v20, v28;
	(erf) = vrcp.f32 v8;
	v6 =	vpop (erf)  }
0x3d7: {  	[tilespmem:s2+$0xFFFFFF20] =	vst v9;
	v9 =	vld [tilespmem:s2+$0xFFFFFFA0];
	v6 =	vmul.f32 v6, v11;
	v11 =	vperm.xlane v18, v29  }
0x3d8: {  	v12 =	vmul.f32 v12, v17;
	[tilespmem:s2+$0xB0] =	vst v7;
	v7 =	vpop (erf);
	(erf) = vrcp.f32 v1;
	v1 =	vld [tilespmem:s2+$0xFFFFFF30]  }
0x3d9: {  	v16 =	vperm.xlane v20, v31;
	v17 =	vld [tilespmem:s2+$0x30];
	v8 =	vadd.f32 $9.999999970e-07, v14;
	(erf) = vrcp.f32 v15;
	v15 =	vpop (erf)  }
0x3da: {  	v0 =	vperm.xlane v18, v31;
	[tilespmem:s2+$0x10] =	vst v12;
	v12 =	vperm.xlane v13, v29;
	v14 =	vld [tilespmem:s2+$0xA0];
	v18 =	vpop (erf)  }
0x3db: {  	(erf) = vrcp.f32 v8;
	v8 =	vadd.f32 $9.999999970e-07, v10;
	[tilespmem:s2+$0x20] =	vst v6;
	v6 =	vadd.f32 $9.999999970e-07, v11;
	v11 =	vpop (erf)  }
0x3dc: {  	v7 =	vmul.f32 v7, v9;
	v9 =	vperm.xlane v13, v30;
	v10 =	vld [tilespmem:s2+$0xFFFFFFB0];
	v21 =	vpop (erf)  }
0x3dd: {  	(erf) = vrcp.f32 v8;
	v1 =	vmul.f32 v21, v1;
	v21 =	vld [tilespmem:s2+$0xFFFFFF90]  }
0x3de: {  	[tilespmem:s2+$0xFFFFFFA0] =	vst v7;
	v7 =	vld [tilespmem:s5+$0xFFFFFF00];
	v25 =	vadd.f32 $9.999999970e-07, v9;
	v9 =	vperm.xlane v22, v31;
	(erf) = vrcp.f32 v6  }
0x3df: {  	v19 =	vld [tilespmem:s2+$0x90];
	v16 =	vadd.f32 $9.999999970e-07, v16;
	v26 =	vmul.f32 v15, v17;
	v11 =	vmul.f32 v11, v14;
	v8 =	vpop (erf)  }
0x3e0: {  	v14 =	vperm.xlane v22, v30;
	v6 =	vadd.f32 $9.999999970e-07, v12;
	v12 =	vperm.xlane v13, v31;
	v24 =	vpop (erf)  }
0x3e1: {  	v23 =	vld [tilespmem:s5+$0x80];
	v13 =	vperm.xlane v13, v28;
	v8 =	vmul.f32 v8, v10;
	[tilespmem:s2+$0xFFFFFF30] =	vst v1;
	v1 =	vpop (erf)  }
0x3e2: {  	[tilespmem:s2+$0x30] =	vst v26;
	(erf) = vrcp.f32 v16;
	v16 =	vld [tilespmem:s5+$0xFFFFFF20];
	v10 =	vpop (erf);
	v18 =	vmul.f32 v18, v21  }
0x3e3: {  	v0 =	vadd.f32 $9.999999970e-07, v0;
	[tilespmem:s2+$0xA0] =	vst v11;
	(erf) = vrcp.f32 v6;
	v11 =	vmul.f32 v10, v7;
	v10 =	vld [tilespmem:s2+$0xFFFFFF80]  }
0x3e4: {  	v17 =	vadd.f32 $9.999999970e-07, v14;
	v26 =	vmul.f32 v24, v19;
	[tilespmem:s2+$0xFFFFFFB0] =	vst v8;
	v8 =	vld [tilespmem:s2+$0x0];
	v6 =	vperm.xlane v20, v29;
	v15 =	vpop (erf)  }
0x3e5: {  	v12 =	vadd.f32 $9.999999970e-07, v12;
	v19 =	vld [tilespmem:s5+$0xFFFFFF10];
	v24 =	vperm.xlane v22, v29;
	(erf) = vrcp.f32 v25;
	v14 =	vpop (erf);
	[tilespmem:s2+$0xFFFFFF90] =	vst v18  }
0x3e6: {  	v7 =	vadd.f32 $9.999999970e-07, v13;
	v13 =	vadd.f32 $9.999999970e-07, v6;
	[tilespmem:s5+$0xFFFFFF00] =	vst v11;
	v11 =	vld [tilespmem:s5+$0x10];
	v21 =	vmul.f32 v14, v23;
	v18 =	vpop (erf)  }
0x3e7: {  	s14 =	simm.s32 $0x4;
	s15 =	simm.s32 $0x7E00;
	[tilespmem:s2+$0x90] =	vst v26;
	v14 =	vadd.f32 $9.999999970e-07, v9;
	v9 =	vperm.xlane v22, v28;
	v23 =	vperm.xlane v20, v30;
	v20 =	vld [tilespmem:s5+$0xB0];
	v22 =	vpop (erf)  }
.LBB2_11:
0x3e8: {  	v25 =	vld [tilespmem:s15+$0xFFFFFF40];
	s14 =	sadd.s32 $0x4, s14;
	[tilespmem:s5+$0x80] =	vst v21;
	(erf) = vrcp.f32 v17;
	v10 =	vmul.f32 v18, v10  }
0x3e9: {  	v1 =	vmul.f32 v1, v8;
	v6 =	vld [tilespmem:s15+$0xFFFFFFC0];
	p0 =	slt.u32 s14, $0x4C;
	v18 =	vmul.f32 v15, v16;
	v17 =	vadd.f32 $9.999999970e-07, v24  }
0x3ea: {  	v8 =	vadd.f32 $9.999999970e-07, v23;
	v26 =	vld [tilespmem:s15+$0xC0];
	(erf) = vrcp.f32 v12;
	[tilespmem:s2+$0xFFFFFF80] =	vst v10  }
0x3eb: {  	v10 =	vld [tilespmem:s15+$0x40];
	v12 =	vmul.f32 v22, v19;
	(erf) = vrcp.f32 v17;
	v16 =	vpop (erf);
	[tilespmem:s2+$0x0] =	vst v1;
	s2 =	smov.u32 s5;
	s5 =	smov.u32 s15  }
0x3ec: {  	[tilespmem:s2+$0xFFFFFF20] =	vst v18;
	v1 =	vmul.f32 v16, v20;
	v15 =	vpop (erf);
	(erf) = vrcp.f32 v8  }
0x3ed: {  	v8 =	vperm.xlane v25, v28;
	[tilespmem:s2+$0xFFFFFF10] =	vst v12;
	v12 =	vld [tilespmem:s2+$0x20];
	(erf) = vrcp.f32 v0  }
0x3ee: {  	v0 =	vperm.xlane v25, v30;
	v11 =	vmul.f32 v15, v11;
	[tilespmem:s2+$0xB0] =	vst v1  }
0x3ef: {  	v1 =	vadd.f32 $9.999999970e-07, v8;
	v8 =	vperm.xlane v25, v31;
	v15 =	vld [tilespmem:s2+$0xFFFFFFA0];
	(erf) = vrcp.f32 v14;
	v14 =	vpop (erf)  }
0x3f0: {  	v16 =	vperm.xlane v26, v28;
	[tilespmem:s2+$0x10] =	vst v11;
	(erf) = vrcp.f32 v13  }
0x3f1: {  	v0 =	vadd.f32 $9.999999970e-07, v0;
	v11 =	vperm.xlane v10, v29;
	v13 =	vpop (erf);
	(erf) = vrcp.f32 v7  }
0x3f2: {  	v7 =	vadd.f32 $9.999999970e-07, v16;
	(erf) = vrcp.f32 v1;
	v1 =	vld [tilespmem:s2+$0xFFFFFF30];
	v12 =	vmul.f32 v14, v12  }
0x3f3: {  	v14 =	vperm.xlane v25, v29;
	(erf) = vrcp.f32 v0;
	v16 =	vld [tilespmem:s2+$0xA0];
	v18 =	vpop (erf)  }
0x3f4: {  	v0 =	vadd.f32 $9.999999970e-07, v9;
	(erf) = vrcp.f32 v7;
	v7 =	vmul.f32 v13, v15;
	v9 =	vld [tilespmem:s2+$0xFFFFFFB0];
	[tilespmem:s2+$0x20] =	vst v12;
	v13 =	vpop (erf)  }
0x3f5: {  	v11 =	vadd.f32 $9.999999970e-07, v11;
	v23 =	vadd.f32 $9.999999970e-07, v14;
	v14 =	vperm.xlane v10, v30;
	v19 =	vld [tilespmem:s2+$0x90];
	v15 =	vpop (erf)  }
0x3f6: {  	v17 =	vperm.xlane v26, v31;
	[tilespmem:s2+$0xFFFFFFA0] =	vst v7;
	v7 =	vld [tilespmem:s2+$0x30];
	v20 =	vpop (erf);
	(erf) = vrcp.f32 v0  }
0x3f7: {  	v22 =	vadd.f32 $9.999999970e-07, v14;
	v21 =	vld [tilespmem:s15+$0xFFFFFF00];
	(erf) = vrcp.f32 v23;
	v27 =	vmul.f32 v20, v1  }
0x3f8: {  	v0 =	vadd.f32 $9.999999970e-07, v8;
	v8 =	vperm.xlane v10, v31;
	v20 =	vld [tilespmem:s2+$0xFFFFFF90];
	v32 =	vmul.f32 v15, v16;
	v12 =	vpop (erf)  }
0x3f9: {  	v33 =	vperm.xlane v6, v30;
	v16 =	vadd.f32 $9.999999970e-07, v17;
	v23 =	vld [tilespmem:s15+$0x80];
	[tilespmem:s2+$0xFFFFFF30] =	vst v27;
	v9 =	vmul.f32 v12, v9;
	v24 =	vpop (erf)  }
0x3fa: {  	v25 =	vperm.xlane v6, v31;
	v10 =	vperm.xlane v10, v28;
	v12 =	vadd.f32 $9.999999970e-07, v8;
	[tilespmem:s2+$0xA0] =	vst v32;
	v1 =	vpop (erf)  }
0x3fb: {  	v17 =	vadd.f32 $9.999999970e-07, v33;
	v14 =	vpop (erf);
	(erf) = vrcp.f32 v16;
	[tilespmem:s2+$0xFFFFFFB0] =	vst v9;
	v8 =	vld [tilespmem:s2+$0x0];
	v9 =	vmul.f32 v18, v7  }
.Ltmp5:
0x3fc: {  	v7 =	vadd.f32 $9.999999970e-07, v10;
	v32 =	vmul.f32 v14, v21;
	v15 =	vpop (erf);
	(erf) = vrcp.f32 v11;
	v10 =	vld [tilespmem:s2+$0xFFFFFF80];
	(pc) =	sbr.rel @p0 .LBB2_11-.Ltmp5, $4  }
0x3fd: {  	v14 =	vadd.f32 $9.999999970e-07, v25;
	v25 =	vperm.xlane v26, v29;
	v16 =	vld [tilespmem:s15+$0xFFFFFF20];
	v21 =	vpop (erf);
	v20 =	vmul.f32 v13, v20;
	[tilespmem:s2+$0x30] =	vst v9  }
0x3fe: {  	v27 =	vmul.f32 v24, v19;
	[tilespmem:s15+$0xFFFFFF00] =	vst v32;
	v11 =	vld [tilespmem:s15+$0x10];
	v21 =	vmul.f32 v21, v23  }
0x3ff: {  	v9 =	vperm.xlane v6, v28;
	v13 =	vadd.f32 $9.999999970e-07, v25;
	v19 =	vld [tilespmem:s15+$0xFFFFFF10];
	(erf) = vrcp.f32 v22;
	[tilespmem:s2+$0xFFFFFF90] =	vst v20;
	v18 =	vpop (erf)  }
0x400: {  	v24 =	vperm.xlane v6, v29;
	v23 =	vperm.xlane v26, v30;
	s15 =	sadd.s32 $0x200, s15;
	v20 =	vld [tilespmem:s5+$0xB0];
	v22 =	vpop (erf);
	[tilespmem:s2+$0x90] =	vst v27  }
0x401: {  	_ = 	snop  }
0x402: {  	(erf) = vrcp.f32 v17;
	v6 =	vadd.f32 $9.999999970e-07, v24  }
0x403: {  	v45 =	vadd.f32 $9.999999970e-07, v23;
	(erf) = vrcp.f32 v12  }
0x404: {  	(erf) = vrcp.f32 v6  }
0x405: {  	(erf) = vrcp.f32 v45  }
0x406: {  	(erf) = vrcp.f32 v0  }
0x407: {  	v46 =	vld [tilespmem:s5+$0x20];
	(erf) = vrcp.f32 v14  }
0x408: {  	v0 =	vpop (erf)  }
0x409: {  	v6 =	vpop (erf)  }
0x40a: {  	v0 =	vmul.f32 v0, v20;
	v49 =	vpop (erf)  }
0x40b: {  	v51 =	vpop (erf)  }
0x40c: {  	v53 =	vld [tilespmem:s5+$0xFFFFFFB0];
	v6 =	vmul.f32 v6, v11;
	[tilespmem:s5+$0xB0] =	vst v0;
	v0 =	vmul.f32 v49, v46;
	v52 =	vpop (erf)  }
0x40d: {  	v48 =	vld [tilespmem:s5+$0xFFFFFFA0];
	(erf) = vrcp.f32 v13;
	v54 =	vpop (erf)  }
0x40e: {  	v9 =	vadd.f32 $9.999999970e-07, v9;
	(erf) = vrcp.f32 v7;
	[tilespmem:s5+$0x10] =	vst v6;
	v6 =	vld [tilespmem:s5+$0xFFFFFF30];
	v7 =	vpop (erf)  }
0x40f: {  	[tilespmem:s5+$0x80] =	vst v21;
	v57 =	vld [tilespmem:s5+$0xA0];
	v10 =	vmul.f32 v18, v10;
	v56 =	vpop (erf)  }
0x410: {  	v1 =	vmul.f32 v1, v8;
	(erf) = vrcp.f32 v9;
	[tilespmem:s5+$0x20] =	vst v0;
	v0 =	vpop (erf)  }
0x411: {  	[tilespmem:s2+$0xFFFFFF80] =	vst v10;
	v0 =	vmul.f32 v0, v53  }
0x412: {  	v58 =	vld [tilespmem:s5+$0x30];
	v47 =	vmul.f32 v15, v16;
	[tilespmem:s2+$0x0] =	vst v1  }
0x413: {  	v59 =	vld [tilespmem:s5+$0xFFFFFF90];
	v50 =	vmul.f32 v22, v19;
	[tilespmem:s5+$0xFFFFFFB0] =	vst v0;
	v0 =	vmul.f32 v56, v6  }
0x414: {  	v60 =	vld [tilespmem:s5+$0x90];
	[tilespmem:s5+$0xFFFFFF20] =	vst v47;
	v55 =	vmul.f32 v51, v48;
	v1 =	vmul.f32 v7, v57  }
0x415: {  	[tilespmem:s5+$0xFFFFFF10] =	vst v50;
	v6 =	vld [tilespmem:s5+$0xFFFFFF80]  }
0x416: {  	[tilespmem:s5+$0xFFFFFFA0] =	vst v55;
	v7 =	vld [tilespmem:s5+$0x0]  }
0x417: {  	v61 =	vmul.f32 v52, v58;
	[tilespmem:s5+$0xFFFFFF30] =	vst v0;
	v0 =	vpop (erf)  }
0x418: {  	v62 =	vmul.f32 v54, v59;
	[tilespmem:s5+$0xA0] =	vst v1;
	v1 =	vpop (erf)  }
0x419: {  	[tilespmem:s5+$0x30] =	vst v61;
	v0 =	vmul.f32 v0, v60;
	v63 =	vpop (erf)  }
0x41a: {  	s1 =	sshll.u32 s1, $0x7;
	[tilespmem:s5+$0xFFFFFF90] =	vst v62;
	v6 =	vmul.f32 v63, v6  }
0x41b: {  	s0 =	sadd.s32 $0x1, s0;
	s1 =	sadd.s32 s13, s1;
	[tilespmem:s5+$0x90] =	vst v0;
	v0 =	vmul.f32 v1, v7  }
0x41c: {  	p0 =	sne.s32 s0, s12;
	s1 =	sshrl.u32 s1, $0x3;
	[tilespmem:s5+$0xFFFFFF80] =	vst v6  }
.Ltmp6:
0x41d: {  	s1 =	sadd.s32 s10, s1;
	[tilespmem:s5+$0x0] =	vst v0;
	(pc) =	sbr.rel @p0 .LBB2_10-.Ltmp6, $4  }
0x41e: {  	[hbm4b:s1+s4] =	stream.linear.scatter [tilespmem:s18], [sflag:$0x2], $0x2800, $0x38;
	[tilespmem:$0x1D980] =	vst v63  }
0x41f: {  	_ =	swait.ge [sflag:s19], $0x2800  }
0x420: {  	[sflag:s19] =	ssyncset.done $0x0  }
0x421: {  	[sflag:s19] =	ssyncadd.s32 $0xFFFFD800  }
0x422: {  	s1 =	rddreg [dreg:$0x7]  }
0x423: {  	s0 =	rddreg [dreg:$0x5];
	s1 =	sadd.s32 $0x1, s1  }
0x424: {  	p0 =	sne.s32 s1, s0  }
.Ltmp7:
0x425: {  	_ = 	snop;
	(pc) =	sbr.rel @p0 .LBB2_1-.Ltmp7, $2  }
0x426: {  	_ =	sdelay $0x2  }
0x427: {  	v8 =	vimm.f32 $0.0e+00  }
0x428: {  	_ =	sfence.sel $0x180000  }
0x429: {  	[bflag:$0x0] =	sbarrier.arrive $0xFFFF  }
0x42a: {  	_ =	strace $0x90000047  }
0x42b: {  	s0 =	stileid.u32;
	[bflag:$0x2] =	sbarrier.arrive $0xFFFF  }
0x42c: {  	p0 =	sne.s32 s0, $0x0;
	s0 =	rddreg [dreg:$0x4]  }
0x42d: {  	s0 =	sadd.s32 @!p0 $0x100000, s0  }
0x42e: {  	[sflag:s0] =	ssyncadd.tile.s32 @!p0 $0x1;
	_ =	shalt  }
.Lfunc_end2:
_tile_overlayer_lowered:
.L_overlay_start_2:
0x42f: {  	(tag) =	ssettag $0x2  }
0x430: {  	s0 =	rddreg [dreg:$0x0];
	s2 =	stileid.u32  }
0x431: {  	s1 =	rddreg [dreg:$0x1];
	p0 =	sne.s32 s2, $0x0  }
0x432: {  	s3 =	rddreg [dreg:$0x2];
	[bflag:$0x3] =	sbarrier.arrive $0xFFFF;
	s2 =	simm.s32 @!p0 $0x1C02  }
0x433: {  	[timem:s3], [sflag:s2] =	dma.local @!p0 [hbm:s0], s1  }
0x434: {  	s0 =	simm.s32 @!p0 $0x2  }
0x435: {  	_ =	swait.ge @!p0 [sflag:s0], s1  }
0x436: {  	s1 =	ssub.s32 @!p0 $0x0, s1;
	[sflag:s0] =	ssyncset.done @!p0 $0x0  }
0x437: {  	[sflag:s0] =	ssyncadd.s32 @!p0 s1  }
0x438: {  	[bflag:$0x3] =	sbarrier.arrive $0xFFFF  }
0x439: {  	_ =	shalt  }

</sc_bundles>
